<compile_context>
chip_gen: v7x
topology: tpu7x:2x2x1
jax: 0.10.2.dev20260603
libtpu: 0.0.44.dev20260713+nightly
codegen_flags: <defaults>
</compile_context>

<pallas_src>
import functools

import jax
import jax.numpy as jnp
from jax import lax
from jax.experimental import pallas as pl
from jax.experimental.pallas import tpu as pltpu
from jax.experimental.pallas import tpu_sc as plsc

_N_LEVEL = (6400, 1600, 400)
_LEVELS = ((80, 8), (40, 16), (20, 32))
_TOPK = 9
_NUM_CLASSES = 80
_BS = 16
_NMAX = 32
_BIG = 3.0e38
_W = 7


def _atss_kernel(anc_t_ref, gtl_ref, gtb_ref, mg_ref, pd_ref,
                 lab_ref, tbt_ref, iou_ref, fg_ref):
    A = sum(_N_LEVEL)
    G = _NMAX
    ax1 = anc_t_ref[0:1, :]
    ay1 = anc_t_ref[1:2, :]
    ax2 = anc_t_ref[2:3, :]
    ay2 = anc_t_ref[3:4, :]
    acx = (ax1 + ax2) * 0.5
    acy = (ay1 + ay2) * 0.5

    gtb = gtb_ref[0]
    gx1 = gtb[:, 0:1]
    gy1 = gtb[:, 1:2]
    gx2 = gtb[:, 2:3]
    gy2 = gtb[:, 3:4]
    gcx = (gx1 + gx2) * 0.5
    gcy = (gy1 + gy2) * 0.5

    dxx = gcx - acx
    dyy = gcy - acy
    d = jnp.sqrt(dxx * dxx + dyy * dyy)

    inter = jnp.maximum(jnp.minimum(gx2, ax2) - jnp.maximum(gx1, ax1), 0.0) \
        * jnp.maximum(jnp.minimum(gy2, ay2) - jnp.maximum(gy1, ay1), 0.0)
    a1 = (gx2 - gx1) * (gy2 - gy1)
    a2 = (ax2 - ax1) * (ay2 - ay1)
    ov = inter / jnp.maximum(a1 + a2 - inter, 1e-6)

    mg = mg_ref[0]
    cand_parts = []
    sel_list = []
    ovw_list = []
    ov_sum = jnp.zeros((G, 1), jnp.float32)
    start = 0
    for fs, stride in _LEVELS:
        nlb = fs * fs
        half = 2.5 * stride
        i0x = jnp.round(gcx * (1.0 / stride) - 0.5).astype(jnp.int32)
        i0y = jnp.round(gcy * (1.0 / stride) - 0.5).astype(jnp.int32)
        wsx = jnp.clip(i0x - 3, 0, fs - _W)
        wsy = jnp.clip(i0y - 3, 0, fs - _W)
        offs = jax.lax.broadcasted_iota(jnp.int32, (G, _W * _W), 1)
        ix = wsx + offs % _W
        iy = wsy + offs // _W
        axcw = (ix.astype(jnp.float32) + 0.5) * stride
        aycw = (iy.astype(jnp.float32) + 0.5) * stride
        dxw = gcx - axcw
        dyw = gcy - aycw
        dw = jnp.sqrt(dxw * dxw + dyw * dyw)
        wov = jnp.maximum(jnp.minimum(gx2, axcw + half)
                          - jnp.maximum(gx1, axcw - half), 0.0) \
            * jnp.maximum(jnp.minimum(gy2, aycw + half)
                          - jnp.maximum(gy1, aycw - half), 0.0)
        ovw = wov / jnp.maximum(a1 + (2.0 * half) * (2.0 * half) - wov,
                                1e-6)
        sel = jnp.zeros((G, _W * _W), jnp.float32)
        dwork = dw
        mval = midx = None
        for _ in range(_TOPK):
            mval = jnp.min(dwork, axis=1, keepdims=True)
            midx = jnp.min(jnp.where(dwork == mval, offs, _W * _W), axis=1,
                           keepdims=True)
            oh = offs == midx
            sel = jnp.where(oh, 1.0, sel)
            dwork = jnp.where(oh, _BIG, dwork)
        d9 = mval
        g9 = (wsy + midx // _W) * fs + (wsx + midx % _W)
        dl = d[:, start:start + nlb]
        iotal = jax.lax.broadcasted_iota(jnp.int32, (G, nlb), 1)
        cand_parts.append(
            jnp.where((dl < d9) | ((dl == d9) & (iotal <= g9)), mg, 0.0))
        ov_sum = ov_sum + jnp.sum(sel * ovw, axis=1, keepdims=True)
        sel_list.append(sel)
        ovw_list.append(ovw)
        start += nlb
    cand = jnp.concatenate(cand_parts, axis=1)

    k_total = float(sum(min(_TOPK, n) for n in _N_LEVEL))
    mean = ov_sum / k_total
    var_sum = jnp.zeros((G, 1), jnp.float32)
    for sel, ovw in zip(sel_list, ovw_list):
        var_sum = var_sum + jnp.sum(sel * (ovw - mean) ** 2, axis=1,
                                    keepdims=True)
    thr = mean + jnp.sqrt(var_sum / (k_total - 1.0))

    m1 = jnp.minimum(acx - gx1, acy - gy1)
    m2 = jnp.minimum(gx2 - acx, gy2 - acy)
    in_gts = jnp.minimum(m1, m2) > 1e-9

    mp = jnp.where((ov > thr) & in_gts, cand, 0.0)

    fg0 = jnp.sum(mp, axis=0, keepdims=True)
    multi = fg0 > 1.0
    ovmax = jnp.max(ov, axis=0, keepdims=True)
    iota0 = jax.lax.broadcasted_iota(jnp.int32, (G, A), 0)
    amax = jnp.min(jnp.where(ov == ovmax, iota0, G), axis=0, keepdims=True)
    is_max = jnp.where(iota0 == amax, 1.0, 0.0)
    mp = jnp.where(multi, is_max, mp)
    fg_b = fg0 > 0.0

    gtl_f = gtl_ref[0].astype(jnp.float32)
    lab_f = jnp.sum(mp * gtl_f, axis=0, keepdims=True)
    lab = jnp.where(fg_b, lab_f, float(_NUM_CLASSES))
    lab_i = lab.astype(jnp.int32)

    tb_rows = []
    for c in range(4):
        col = gtb[:, c:c + 1]
        s = jnp.sum(mp * col, axis=0, keepdims=True)
        tb_rows.append(jnp.where(fg_b, s, col[0, 0]))
    tbx1, tby1, tbx2, tby2 = tb_rows

    px1 = pd_ref[0, 0:1, :]
    py1 = pd_ref[0, 1:2, :]
    px2 = pd_ref[0, 2:3, :]
    py2 = pd_ref[0, 3:4, :]
    qov = jnp.maximum(jnp.minimum(tbx2, px2) - jnp.maximum(tbx1, px1), 0.0) \
        * jnp.maximum(jnp.minimum(tby2, py2) - jnp.maximum(tby1, py1), 0.0)
    pa1 = jnp.maximum(tbx2 - tbx1, 0.0) * jnp.maximum(tby2 - tby1, 0.0)
    pa2 = jnp.maximum(px2 - px1, 0.0) * jnp.maximum(py2 - py1, 0.0)
    piou = qov / (pa1 + pa2 - qov + 1e-9)
    iou_val = jnp.where(fg_b, piou, 0.0)

    iou_ref[0] = iou_val
    lab_ref[0] = lab_i
    fg_ref[0] = fg_b.astype(jnp.int32)
    tbt_ref[0] = jnp.concatenate([tbx1, tby1, tbx2, tby2], axis=0)


_NROW = _BS * sum(_N_LEVEL)
_NW = 30
_RPW = _NROW // _NW
_CH = 160
_CN = _RPW // _CH


@functools.partial(
    pl.kernel,
    mesh=plsc.VectorSubcoreMesh(core_axis_name="c", subcore_axis_name="s"),
    out_type=jax.ShapeDtypeStruct((_NROW * _NUM_CLASSES,), jnp.float32),
    compiler_params=pltpu.CompilerParams(needs_layout_passes=False),
    scratch_types=[
        pltpu.VMEM((_CH,), jnp.int32),
        pltpu.VMEM((_CH,), jnp.float32),
        pltpu.VMEM((_CH * _NUM_CLASSES + 16,), jnp.float32),
    ],
)
def _sc_scores(lab_hbm, iou_hbm, out_hbm, lab_v, iou_v, buf_v):
    wid = lax.axis_index("s") * 2 + lax.axis_index("c")

    @pl.when(wid < _NW)
    def _():
        base = wid * _RPW
        zero16 = jnp.zeros((16,), jnp.float32)

        def zb(i, c):
            buf_v[pl.ds(i * 16, 16)] = zero16
            return c

        lax.fori_loop(0, (_CH * _NUM_CLASSES + 16) // 16, zb, 0)

        lane = lax.iota(jnp.int32, 16)

        def chunk(ci, c):
            off = base + ci * _CH
            pltpu.sync_copy(lab_hbm.at[pl.ds(off, _CH)], lab_v)
            pltpu.sync_copy(iou_hbm.at[pl.ds(off, _CH)], iou_v)
            for s in range(_CH // 16):
                labs = lab_v[pl.ds(s * 16, 16)]
                vals = iou_v[pl.ds(s * 16, 16)]
                idx = jnp.where(labs < _NUM_CLASSES,
                                (lane + s * 16) * _NUM_CLASSES + labs,
                                _CH * _NUM_CLASSES + lane)
                plsc.store_scatter(buf_v, [idx], vals)
            pltpu.sync_copy(
                buf_v.at[pl.ds(0, _CH * _NUM_CLASSES)],
                out_hbm.at[pl.ds(off * _NUM_CLASSES,
                                 _CH * _NUM_CLASSES)])
            for s in range(_CH // 16):
                labs = lab_v[pl.ds(s * 16, 16)]
                idx = jnp.where(labs < _NUM_CLASSES,
                                (lane + s * 16) * _NUM_CLASSES + labs,
                                _CH * _NUM_CLASSES + lane)
                plsc.store_scatter(buf_v, [idx], zero16)
            return c

        lax.fori_loop(0, _CN, chunk, 0)


def kernel(anc_bboxes, n_level_bboxes, gt_labels, gt_bboxes, mask_gt,
           pd_bboxes):
    A = anc_bboxes.shape[0]
    bs = gt_bboxes.shape[0]
    anc_t = anc_bboxes.T
    pd_t = jnp.transpose(pd_bboxes, (0, 2, 1))

    lab3, tbt, iou2, fg3 = pl.pallas_call(
        _atss_kernel,
        grid=(bs,),
        in_specs=[
            pl.BlockSpec((4, A), lambda b: (0, 0)),
            pl.BlockSpec((1, _NMAX, 1), lambda b: (b, 0, 0)),
            pl.BlockSpec((1, _NMAX, 4), lambda b: (b, 0, 0)),
            pl.BlockSpec((1, _NMAX, 1), lambda b: (b, 0, 0)),
            pl.BlockSpec((1, 4, A), lambda b: (b, 0, 0)),
        ],
        out_specs=[
            pl.BlockSpec((1, 1, A), lambda b: (b, 0, 0)),
            pl.BlockSpec((1, 4, A), lambda b: (b, 0, 0)),
            pl.BlockSpec((1, 1, A), lambda b: (b, 0, 0)),
            pl.BlockSpec((1, 1, A), lambda b: (b, 0, 0)),
        ],
        out_shape=[
            jax.ShapeDtypeStruct((bs, 1, A), jnp.int32),
            jax.ShapeDtypeStruct((bs, 4, A), jnp.float32),
            jax.ShapeDtypeStruct((bs, 1, A), jnp.float32),
            jax.ShapeDtypeStruct((bs, 1, A), jnp.int32),
        ],
    )(anc_t, gt_labels, gt_bboxes, mask_gt, pd_t)

    target_labels = lab3.reshape(bs, A)
    target_bboxes = jnp.transpose(tbt, (0, 2, 1))
    fg_mask = fg3.reshape(bs, A).astype(bool)
    ts = _sc_scores(target_labels.reshape(-1),
                    iou2.reshape(-1)).reshape(bs, A, _NUM_CLASSES)
    return target_labels, target_bboxes, ts, fg_mask

# --- scband reference (transcript-rebuilt; emitter-appended) ---
"""Pipeline reference for scband-atssassigner-32624571581008 (READ-ONLY COPY).

The authoritative reference and input builder live on the scoring server;
editing this copy changes nothing except your own understanding.
"""

import jax, jax.numpy as jnp
import numpy as np

BS = 16
N_MAX = 32
TOPK = 9
NUM_CLASSES = 80
N_LEVEL = [6400, 1600, 400]


def make_anchors():
    boxes = []
    for fs, stride in [(80, 8), (40, 16), (20, 32)]:
        xs = (jnp.arange(fs, dtype=jnp.float32) + 0.5) * stride
        yv, xv = jnp.meshgrid(xs, xs, indexing='ij')
        half = 2.5 * stride
        b = jnp.stack([xv - half, yv - half, xv + half, yv + half], axis=-1).reshape(-1, 4)
        boxes.append(b)
    return jnp.concatenate(boxes, axis=0)


def setup_inputs(seed: int = 0):
    key = jax.random.key(seed)
    k1, k2, k3, k4, k5, k6 = jax.random.split(key, 6)
    anc_bboxes = make_anchors()
    A = anc_bboxes.shape[0]
    cxy = jax.random.uniform(k1, (BS, N_MAX, 2), minval=60.0, maxval=580.0)
    wh = jax.random.uniform(k2, (BS, N_MAX, 2), minval=20.0, maxval=200.0)
    gt_bboxes = jnp.concatenate([cxy - wh / 2.0, cxy + wh / 2.0], axis=-1)
    gt_labels = jax.random.randint(k3, (BS, N_MAX, 1), 0, NUM_CLASSES)
    counts = jax.random.randint(k4, (BS, 1), 4, N_MAX + 1)
    mask_gt = (jnp.arange(N_MAX)[None, :] < counts).astype(jnp.float32)[..., None]
    lt = anc_bboxes[None, :, :2] + jax.random.normal(k5, (BS, A, 2)) * 4.0
    rb = anc_bboxes[None, :, 2:] + jax.random.normal(k6, (BS, A, 2)) * 4.0
    pd_bboxes = jnp.concatenate([lt, jnp.maximum(rb, lt)], axis=-1)
    return {"anc_bboxes": anc_bboxes, "n_level_bboxes": N_LEVEL, "gt_labels": gt_labels,
            "gt_bboxes": gt_bboxes, "mask_gt": mask_gt, "pd_bboxes": pd_bboxes}


def iou2d_calculator(b1, b2, eps=1e-6):
    area1 = (b1[:, 2] - b1[:, 0]) * (b1[:, 3] - b1[:, 1])
    area2 = (b2[:, 2] - b2[:, 0]) * (b2[:, 3] - b2[:, 1])
    lt = jnp.maximum(b1[:, None, :2], b2[None, :, :2])
    rb = jnp.minimum(b1[:, None, 2:], b2[None, :, 2:])
    wh = jnp.clip(rb - lt, 0.0, None)
    inter = wh[..., 0] * wh[..., 1]
    union = jnp.maximum(area1[:, None] + area2[None, :] - inter, eps)
    return inter / union


def dist_calculator(gt_bboxes, anc_bboxes):
    gt_c = jnp.stack([(gt_bboxes[:, 0] + gt_bboxes[:, 2]) / 2.0,
                      (gt_bboxes[:, 1] + gt_bboxes[:, 3]) / 2.0], axis=-1)
    ac_c = jnp.stack([(anc_bboxes[:, 0] + anc_bboxes[:, 2]) / 2.0,
                      (anc_bboxes[:, 1] + anc_bboxes[:, 3]) / 2.0], axis=-1)
    d = jnp.sqrt(((gt_c[:, None, :] - ac_c[None, :, :]) ** 2).sum(-1))
    return d, ac_c


def select_candidates_in_gts(xy_centers, gt_bboxes, eps=1e-9):
    bs, n_max = gt_bboxes.shape[0], gt_bboxes.shape[1]
    gt = gt_bboxes.reshape(-1, 4)
    lt = gt[:, None, 0:2]
    rb = gt[:, None, 2:4]
    c = xy_centers[None, :, :]
    deltas = jnp.concatenate([c - lt, rb - c], axis=-1).reshape(bs, n_max, -1, 4)
    return (deltas.min(-1) > eps).astype(gt_bboxes.dtype)


def iou_calculator(box1, box2, eps=1e-9):
    b1 = box1[:, :, None, :]
    b2 = box2[:, None, :, :]
    x1y1 = jnp.maximum(b1[..., 0:2], b2[..., 0:2])
    x2y2 = jnp.minimum(b1[..., 2:4], b2[..., 2:4])
    overlap = jnp.clip(x2y2 - x1y1, 0.0, None).prod(-1)
    area1 = jnp.clip(b1[..., 2:4] - b1[..., 0:2], 0.0, None).prod(-1)
    area2 = jnp.clip(b2[..., 2:4] - b2[..., 0:2], 0.0, None).prod(-1)
    union = area1 + area2 - overlap + eps
    return overlap / union


def atss_assign(anc_bboxes, n_level_bboxes, gt_labels, gt_bboxes, mask_gt, pd_bboxes):
    n_anchors = anc_bboxes.shape[0]
    bs, n_max_boxes = gt_bboxes.shape[0], gt_bboxes.shape[1]
    overlaps = iou2d_calculator(gt_bboxes.reshape(-1, 4), anc_bboxes).reshape(bs, n_max_boxes, n_anchors)
    distances, ac_points = dist_calculator(gt_bboxes.reshape(-1, 4), anc_bboxes)
    distances = distances.reshape(bs, n_max_boxes, n_anchors)
    # select_topk_candidates
    mask_gt_rep = jnp.tile(mask_gt, (1, 1, TOPK)).astype(bool)
    n_level_arr = jnp.asarray(n_level_bboxes).reshape(-1)
    level_ends = jnp.cumsum(n_level_arr)
    level_starts = level_ends - n_level_arr
    anchor_ids = jnp.arange(n_anchors)
    is_in_candidate_list = []
    candidate_idxs = []
    for li in range(len(N_LEVEL)):
        nlb = N_LEVEL[li]
        k = min(TOPK, nlb)
        lvl_mask = (anchor_ids >= level_starts[li]) & (anchor_ids < level_ends[li])
        per = jnp.where(lvl_mask[None, None, :], distances, jnp.inf)
        _, idxs = jax.lax.top_k(-per, k)
        candidate_idxs.append(idxs)
        idxs_m = jnp.where(mask_gt_rep[:, :, :k], idxs, level_starts[li].astype(idxs.dtype))
        oh = jax.nn.one_hot(idxs_m, n_anchors, dtype=distances.dtype).sum(-2)
        oh = jnp.where(oh > 1, jnp.zeros_like(oh), oh)
        is_in_candidate_list.append(oh)
    is_in_candidate = is_in_candidate_list[0]
    for oh_l in is_in_candidate_list[1:]:
        is_in_candidate = is_in_candidate + oh_l
    candidate_idxs = jnp.concatenate(candidate_idxs, axis=-1)
    # thres_calculator
    n_bm = bs * n_max_boxes
    _cand_ov = jnp.where(is_in_candidate > 0, overlaps, jnp.zeros_like(overlaps))
    ci = candidate_idxs.reshape(n_bm, -1)
    flat_idxs = ci + n_anchors * jnp.arange(n_bm)[:, None]
    cand_ov = _cand_ov.reshape(-1)[flat_idxs].reshape(bs, n_max_boxes, -1)
    thr = cand_ov.mean(-1, keepdims=True) + jnp.std(cand_ov, axis=-1, keepdims=True, ddof=1)
    is_pos = jnp.where(_cand_ov > jnp.tile(thr, (1, 1, n_anchors)), is_in_candidate, jnp.zeros_like(is_in_candidate))
    is_in_gts = select_candidates_in_gts(ac_points, gt_bboxes)
    mask_pos = is_pos * is_in_gts * mask_gt
    # select_highest_overlaps
    fg_mask = mask_pos.sum(-2)
    mask_multi = jnp.tile((fg_mask[:, None, :] > 1), (1, n_max_boxes, 1))
    is_max = jnp.transpose(jax.nn.one_hot(overlaps.argmax(1), n_max_boxes, dtype=mask_pos.dtype), (0, 2, 1))
    mask_pos = jnp.where(mask_multi, is_max, mask_pos)
    fg_mask = mask_pos.sum(-2)
    target_gt_idx = mask_pos.argmax(-2)
    # get_targets
    tgi = target_gt_idx + jnp.arange(bs)[:, None] * n_max_boxes
    target_labels = gt_labels.reshape(-1)[tgi.reshape(-1)].reshape(bs, n_anchors)
    target_labels = jnp.where(fg_mask > 0, target_labels, jnp.full_like(target_labels, NUM_CLASSES))
    target_bboxes = gt_bboxes.reshape(-1, 4)[tgi.reshape(-1)].reshape(bs, n_anchors, 4)
    target_scores = jax.nn.one_hot(target_labels, NUM_CLASSES + 1, dtype=jnp.float32)[:, :, :NUM_CLASSES]
    ious = iou_calculator(gt_bboxes, pd_bboxes) * mask_pos
    ious = jnp.max(ious, axis=-2)[..., None]
    target_scores = target_scores * ious
    return target_labels.astype(jnp.int32), target_bboxes, target_scores, fg_mask.astype(bool)


def reference(anc_bboxes, n_level_bboxes, gt_labels, gt_bboxes, mask_gt, pd_bboxes):
    return atss_assign(anc_bboxes, n_level_bboxes, gt_labels, gt_bboxes, mask_gt, pd_bboxes)

if __name__ == "__main__":
    import jax
    _d = setup_inputs()
    print(jax.jit(kernel)(*tuple(_d.values())))

</pallas_src>

<mosaic_0001>
#map = affine_map<(d0, d1) -> (0)>
module attributes {stable_mosaic.version = 14 : i64} {
  func.func @_sc_scores(%arg0: i32, %arg1: i32, %arg2: memref<134400xi32, #tpu.memory_space<hbm>>, %arg3: memref<134400xf32, #tpu.memory_space<hbm>>, %arg4: memref<10752000xf32, #tpu.memory_space<hbm>>, %arg5: memref<160xi32, #tpu.memory_space<vmem>>, %arg6: memref<160xf32, #tpu.memory_space<vmem>>, %arg7: memref<12816xf32, #tpu.memory_space<vmem>>) attributes {dimension_semantics = [#tpu.dimension_semantics<core_parallel>, #tpu.dimension_semantics<subcore_parallel>], iteration_bounds = array<i64: 2, 16>, scalar_prefetch = 0 : i64, scratch_operands = 3 : i64, tpu.core_type = #tpu.core_type<sc_vector_subcore>, window_params = [{transform_indices = #map}, {transform_indices = #map}, {transform_indices = #map}]} {
    %mul3A = arith.constant 2 : i32
    %mul3A_0 = arith.muli %arg1, %mul3A : i32
    %add3A = arith.addi %mul3A_0, %arg0 : i32
    %lt3A = arith.constant 30 : i32
    %lt3A_1 = arith.cmpi slt, %add3A, %lt3A : i32
    %convert_element_type3A = arith.extui %lt3A_1 : i1 to i32
    %cond3A = arith.constant 0 : i32
    %cond3A_2 = arith.cmpi ne, %convert_element_type3A, %cond3A : i32
    scf.if %cond3A_2 {
      %mul3A_3 = arith.constant 4480 : i32
      %mul3A_4 = arith.muli %add3A, %mul3A_3 : i32
      %broadcast_in_dim3A = arith.constant 0.000000e+00 : f32
      %broadcast_in_dim3A_5 = vector.broadcast %broadcast_in_dim3A : f32 to vector<16xf32>
      %scan3A = arith.constant 0 : i32
      %scan3A_6 = arith.constant 0 : i32
      %scan3A_7 = arith.constant 801 : i32
      %scan3A_8 = arith.addi %scan3A_6, %scan3A_7 : i32
      %scan3A_9 = arith.constant 1 : i32
      scf.for %scan3A_17 = %scan3A_6 to %scan3A_8 step %scan3A_9  : i32 {
        %mul3A_18 = arith.constant 16 : i32
        %mul3A_19 = arith.muli %scan3A_17, %mul3A_18 : i32
        %swap3A = arith.index_cast %mul3A_19 : i32 to index
        %swap3A_20 = tpu.vector_load %arg7[%swap3A] {strides = array<i32>} : memref<12816xf32, #tpu.memory_space<vmem>>, vector<16xf32>,
        tpu.vector_store %arg7[%swap3A], %broadcast_in_dim3A_5 {strides = array<i32>} : memref<12816xf32, #tpu.memory_space<vmem>>, vector<16xf32>,
      }
      %scan3A_10 = arith.constant 801 : i32
      %iota3A = tpu.iota {dimensions = array<i32: 0>} : vector<16xi32>
      %scan3A_11 = arith.constant 0 : i32
      %scan3A_12 = arith.constant 0 : i32
      %scan3A_13 = arith.constant 28 : i32
      %scan3A_14 = arith.addi %scan3A_12, %scan3A_13 : i32
      %scan3A_15 = arith.constant 1 : i32
      scf.for %scan3A_17 = %scan3A_12 to %scan3A_14 step %scan3A_15  : i32 {
        %mul3A_18 = arith.constant 160 : i32
        %mul3A_19 = arith.muli %scan3A_17, %mul3A_18 : i32
        %add3A_20 = arith.addi %mul3A_4, %mul3A_19 : i32
        "tpu.region"() ({
          %run_scoped3A = tpu.sem_alloc : memref<!tpu.dma_semaphore, #tpu.memory_space<semaphore_mem>>
          %dma_start3A = tpu.memref_slice %arg2[%add3A_20] : memref<134400xi32, #tpu.memory_space<hbm>> -> memref<160xi32, #tpu.memory_space<hbm>>
          %dma_start3A_361 = tpu.memref_slice %arg2[%add3A_20] : memref<134400xi32, #tpu.memory_space<hbm>> -> memref<160xi32, #tpu.memory_space<hbm>>
          tpu.enqueue_dma source(%dma_start3A_361 : memref<160xi32, #tpu.memory_space<hbm>>) target(%arg5 : memref<160xi32, #tpu.memory_space<vmem>>) target_semaphore(%run_scoped3A : memref<!tpu.dma_semaphore, #tpu.memory_space<semaphore_mem>>)
          %dma_wait3A = tpu.memref_slice %arg2[%add3A_20] : memref<134400xi32, #tpu.memory_space<hbm>> -> memref<160xi32, #tpu.memory_space<hbm>>
          %dma_wait3A_362 = tpu.memref_slice %arg2[%add3A_20] : memref<134400xi32, #tpu.memory_space<hbm>> -> memref<160xi32, #tpu.memory_space<hbm>>
          tpu.wait_dma2 semaphore(%run_scoped3A : memref<!tpu.dma_semaphore, #tpu.memory_space<semaphore_mem>>) src(%dma_wait3A_362 : memref<160xi32, #tpu.memory_space<hbm>>) dst(%arg5 : memref<160xi32, #tpu.memory_space<vmem>>)
          tpu.yield
        }) : () -> ()
        "tpu.region"() ({
          %run_scoped3A = tpu.sem_alloc : memref<!tpu.dma_semaphore, #tpu.memory_space<semaphore_mem>>
          %dma_start3A = tpu.memref_slice %arg3[%add3A_20] : memref<134400xf32, #tpu.memory_space<hbm>> -> memref<160xf32, #tpu.memory_space<hbm>>
          %dma_start3A_361 = tpu.memref_slice %arg3[%add3A_20] : memref<134400xf32, #tpu.memory_space<hbm>> -> memref<160xf32, #tpu.memory_space<hbm>>
          tpu.enqueue_dma source(%dma_start3A_361 : memref<160xf32, #tpu.memory_space<hbm>>) target(%arg6 : memref<160xf32, #tpu.memory_space<vmem>>) target_semaphore(%run_scoped3A : memref<!tpu.dma_semaphore, #tpu.memory_space<semaphore_mem>>)
          %dma_wait3A = tpu.memref_slice %arg3[%add3A_20] : memref<134400xf32, #tpu.memory_space<hbm>> -> memref<160xf32, #tpu.memory_space<hbm>>
          %dma_wait3A_362 = tpu.memref_slice %arg3[%add3A_20] : memref<134400xf32, #tpu.memory_space<hbm>> -> memref<160xf32, #tpu.memory_space<hbm>>
          tpu.wait_dma2 semaphore(%run_scoped3A : memref<!tpu.dma_semaphore, #tpu.memory_space<semaphore_mem>>) src(%dma_wait3A_362 : memref<160xf32, #tpu.memory_space<hbm>>) dst(%arg6 : memref<160xf32, #tpu.memory_space<vmem>>)
          tpu.yield
        }) : () -> ()
        %get3A = arith.constant 0 : index
        %get3A_21 = tpu.vector_load %arg5[%get3A] {strides = array<i32>} : memref<160xi32, #tpu.memory_space<vmem>>, vector<16xi32>,
        %get3A_22 = arith.constant 0 : index
        %get3A_23 = tpu.vector_load %arg6[%get3A_22] {strides = array<i32>} : memref<160xf32, #tpu.memory_space<vmem>>, vector<16xf32>,
        %lt3A_24 = arith.constant 80 : i32
        %lt3A_25 = vector.broadcast %lt3A_24 : i32 to vector<16xi32>
        %lt3A_26 = arith.cmpi slt, %get3A_21, %lt3A_25 : vector<16xi32>
        %add3A_27 = arith.constant 0 : i32
        %add3A_28 = vector.broadcast %add3A_27 : i32 to vector<16xi32>
        %add3A_29 = arith.addi %iota3A, %add3A_28 : vector<16xi32>
        %mul3A_30 = arith.constant 80 : i32
        %mul3A_31 = vector.broadcast %mul3A_30 : i32 to vector<16xi32>
        %mul3A_32 = arith.muli %add3A_29, %mul3A_31 : vector<16xi32>
        %add3A_33 = arith.addi %mul3A_32, %get3A_21 : vector<16xi32>
        %add3A_34 = arith.constant 12800 : i32
        %add3A_35 = vector.broadcast %add3A_34 : i32 to vector<16xi32>
        %add3A_36 = arith.addi %add3A_35, %iota3A : vector<16xi32>
        %select_n3A = arith.select %lt3A_26, %add3A_33, %add3A_36 : vector<16xi1>, vector<16xi32>
        tpu.vector_store_idx %arg7[%select_n3A], %get3A_23 : memref<12816xf32, #tpu.memory_space<vmem>>[vector<16xi32>], vector<16xf32>,
        %get3A_37 = arith.constant 16 : index
        %get3A_38 = tpu.vector_load %arg5[%get3A_37] {strides = array<i32>} : memref<160xi32, #tpu.memory_space<vmem>>, vector<16xi32>,
        %get3A_39 = arith.constant 16 : index
        %get3A_40 = tpu.vector_load %arg6[%get3A_39] {strides = array<i32>} : memref<160xf32, #tpu.memory_space<vmem>>, vector<16xf32>,
        %lt3A_41 = arith.constant 80 : i32
        %lt3A_42 = vector.broadcast %lt3A_41 : i32 to vector<16xi32>
        %lt3A_43 = arith.cmpi slt, %get3A_38, %lt3A_42 : vector<16xi32>
        %add3A_44 = arith.constant 16 : i32
        %add3A_45 = vector.broadcast %add3A_44 : i32 to vector<16xi32>
        %add3A_46 = arith.addi %iota3A, %add3A_45 : vector<16xi32>
        %mul3A_47 = arith.constant 80 : i32
        %mul3A_48 = vector.broadcast %mul3A_47 : i32 to vector<16xi32>
        %mul3A_49 = arith.muli %add3A_46, %mul3A_48 : vector<16xi32>
        %add3A_50 = arith.addi %mul3A_49, %get3A_38 : vector<16xi32>
        %add3A_51 = arith.constant 12800 : i32
        %add3A_52 = vector.broadcast %add3A_51 : i32 to vector<16xi32>
        %add3A_53 = arith.addi %add3A_52, %iota3A : vector<16xi32>
        %select_n3A_54 = arith.select %lt3A_43, %add3A_50, %add3A_53 : vector<16xi1>, vector<16xi32>
        tpu.vector_store_idx %arg7[%select_n3A_54], %get3A_40 : memref<12816xf32, #tpu.memory_space<vmem>>[vector<16xi32>], vector<16xf32>,
        %get3A_55 = arith.constant 32 : index
        %get3A_56 = tpu.vector_load %arg5[%get3A_55] {strides = array<i32>} : memref<160xi32, #tpu.memory_space<vmem>>, vector<16xi32>,
        %get3A_57 = arith.constant 32 : index
        %get3A_58 = tpu.vector_load %arg6[%get3A_57] {strides = array<i32>} : memref<160xf32, #tpu.memory_space<vmem>>, vector<16xf32>,
        %lt3A_59 = arith.constant 80 : i32
        %lt3A_60 = vector.broadcast %lt3A_59 : i32 to vector<16xi32>
        %lt3A_61 = arith.cmpi slt, %get3A_56, %lt3A_60 : vector<16xi32>
        %add3A_62 = arith.constant 32 : i32
        %add3A_63 = vector.broadcast %add3A_62 : i32 to vector<16xi32>
        %add3A_64 = arith.addi %iota3A, %add3A_63 : vector<16xi32>
        %mul3A_65 = arith.constant 80 : i32
        %mul3A_66 = vector.broadcast %mul3A_65 : i32 to vector<16xi32>
        %mul3A_67 = arith.muli %add3A_64, %mul3A_66 : vector<16xi32>
        %add3A_68 = arith.addi %mul3A_67, %get3A_56 : vector<16xi32>
        %add3A_69 = arith.constant 12800 : i32
        %add3A_70 = vector.broadcast %add3A_69 : i32 to vector<16xi32>
        %add3A_71 = arith.addi %add3A_70, %iota3A : vector<16xi32>
        %select_n3A_72 = arith.select %lt3A_61, %add3A_68, %add3A_71 : vector<16xi1>, vector<16xi32>
        tpu.vector_store_idx %arg7[%select_n3A_72], %get3A_58 : memref<12816xf32, #tpu.memory_space<vmem>>[vector<16xi32>], vector<16xf32>,
        %get3A_73 = arith.constant 48 : index
        %get3A_74 = tpu.vector_load %arg5[%get3A_73] {strides = array<i32>} : memref<160xi32, #tpu.memory_space<vmem>>, vector<16xi32>,
        %get3A_75 = arith.constant 48 : index
        %get3A_76 = tpu.vector_load %arg6[%get3A_75] {strides = array<i32>} : memref<160xf32, #tpu.memory_space<vmem>>, vector<16xf32>,
        %lt3A_77 = arith.constant 80 : i32
        %lt3A_78 = vector.broadcast %lt3A_77 : i32 to vector<16xi32>
        %lt3A_79 = arith.cmpi slt, %get3A_74, %lt3A_78 : vector<16xi32>
        %add3A_80 = arith.constant 48 : i32
        %add3A_81 = vector.broadcast %add3A_80 : i32 to vector<16xi32>
        %add3A_82 = arith.addi %iota3A, %add3A_81 : vector<16xi32>
        %mul3A_83 = arith.constant 80 : i32
        %mul3A_84 = vector.broadcast %mul3A_83 : i32 to vector<16xi32>
        %mul3A_85 = arith.muli %add3A_82, %mul3A_84 : vector<16xi32>
        %add3A_86 = arith.addi %mul3A_85, %get3A_74 : vector<16xi32>
        %add3A_87 = arith.constant 12800 : i32
        %add3A_88 = vector.broadcast %add3A_87 : i32 to vector<16xi32>
        %add3A_89 = arith.addi %add3A_88, %iota3A : vector<16xi32>
        %select_n3A_90 = arith.select %lt3A_79, %add3A_86, %add3A_89 : vector<16xi1>, vector<16xi32>
        tpu.vector_store_idx %arg7[%select_n3A_90], %get3A_76 : memref<12816xf32, #tpu.memory_space<vmem>>[vector<16xi32>], vector<16xf32>,
        %get3A_91 = arith.constant 64 : index
        %get3A_92 = tpu.vector_load %arg5[%get3A_91] {strides = array<i32>} : memref<160xi32, #tpu.memory_space<vmem>>, vector<16xi32>,
        %get3A_93 = arith.constant 64 : index
        %get3A_94 = tpu.vector_load %arg6[%get3A_93] {strides = array<i32>} : memref<160xf32, #tpu.memory_space<vmem>>, vector<16xf32>,
        %lt3A_95 = arith.constant 80 : i32
        %lt3A_96 = vector.broadcast %lt3A_95 : i32 to vector<16xi32>
        %lt3A_97 = arith.cmpi slt, %get3A_92, %lt3A_96 : vector<16xi32>
        %add3A_98 = arith.constant 64 : i32
        %add3A_99 = vector.broadcast %add3A_98 : i32 to vector<16xi32>
        %add3A_100 = arith.addi %iota3A, %add3A_99 : vector<16xi32>
        %mul3A_101 = arith.constant 80 : i32
        %mul3A_102 = vector.broadcast %mul3A_101 : i32 to vector<16xi32>
        %mul3A_103 = arith.muli %add3A_100, %mul3A_102 : vector<16xi32>
        %add3A_104 = arith.addi %mul3A_103, %get3A_92 : vector<16xi32>
        %add3A_105 = arith.constant 12800 : i32
        %add3A_106 = vector.broadcast %add3A_105 : i32 to vector<16xi32>
        %add3A_107 = arith.addi %add3A_106, %iota3A : vector<16xi32>
        %select_n3A_108 = arith.select %lt3A_97, %add3A_104, %add3A_107 : vector<16xi1>, vector<16xi32>
        tpu.vector_store_idx %arg7[%select_n3A_108], %get3A_94 : memref<12816xf32, #tpu.memory_space<vmem>>[vector<16xi32>], vector<16xf32>,
        %get3A_109 = arith.constant 80 : index
        %get3A_110 = tpu.vector_load %arg5[%get3A_109] {strides = array<i32>} : memref<160xi32, #tpu.memory_space<vmem>>, vector<16xi32>,
        %get3A_111 = arith.constant 80 : index
        %get3A_112 = tpu.vector_load %arg6[%get3A_111] {strides = array<i32>} : memref<160xf32, #tpu.memory_space<vmem>>, vector<16xf32>,
        %lt3A_113 = arith.constant 80 : i32
        %lt3A_114 = vector.broadcast %lt3A_113 : i32 to vector<16xi32>
        %lt3A_115 = arith.cmpi slt, %get3A_110, %lt3A_114 : vector<16xi32>
        %add3A_116 = arith.constant 80 : i32
        %add3A_117 = vector.broadcast %add3A_116 : i32 to vector<16xi32>
        %add3A_118 = arith.addi %iota3A, %add3A_117 : vector<16xi32>
        %mul3A_119 = arith.constant 80 : i32
        %mul3A_120 = vector.broadcast %mul3A_119 : i32 to vector<16xi32>
        %mul3A_121 = arith.muli %add3A_118, %mul3A_120 : vector<16xi32>
        %add3A_122 = arith.addi %mul3A_121, %get3A_110 : vector<16xi32>
        %add3A_123 = arith.constant 12800 : i32
        %add3A_124 = vector.broadcast %add3A_123 : i32 to vector<16xi32>
        %add3A_125 = arith.addi %add3A_124, %iota3A : vector<16xi32>
        %select_n3A_126 = arith.select %lt3A_115, %add3A_122, %add3A_125 : vector<16xi1>, vector<16xi32>
        tpu.vector_store_idx %arg7[%select_n3A_126], %get3A_112 : memref<12816xf32, #tpu.memory_space<vmem>>[vector<16xi32>], vector<16xf32>,
        %get3A_127 = arith.constant 96 : index
        %get3A_128 = tpu.vector_load %arg5[%get3A_127] {strides = array<i32>} : memref<160xi32, #tpu.memory_space<vmem>>, vector<16xi32>,
        %get3A_129 = arith.constant 96 : index
        %get3A_130 = tpu.vector_load %arg6[%get3A_129] {strides = array<i32>} : memref<160xf32, #tpu.memory_space<vmem>>, vector<16xf32>,
        %lt3A_131 = arith.constant 80 : i32
        %lt3A_132 = vector.broadcast %lt3A_131 : i32 to vector<16xi32>
        %lt3A_133 = arith.cmpi slt, %get3A_128, %lt3A_132 : vector<16xi32>
        %add3A_134 = arith.constant 96 : i32
        %add3A_135 = vector.broadcast %add3A_134 : i32 to vector<16xi32>
        %add3A_136 = arith.addi %iota3A, %add3A_135 : vector<16xi32>
        %mul3A_137 = arith.constant 80 : i32
        %mul3A_138 = vector.broadcast %mul3A_137 : i32 to vector<16xi32>
        %mul3A_139 = arith.muli %add3A_136, %mul3A_138 : vector<16xi32>
        %add3A_140 = arith.addi %mul3A_139, %get3A_128 : vector<16xi32>
        %add3A_141 = arith.constant 12800 : i32
        %add3A_142 = vector.broadcast %add3A_141 : i32 to vector<16xi32>
        %add3A_143 = arith.addi %add3A_142, %iota3A : vector<16xi32>
        %select_n3A_144 = arith.select %lt3A_133, %add3A_140, %add3A_143 : vector<16xi1>, vector<16xi32>
        tpu.vector_store_idx %arg7[%select_n3A_144], %get3A_130 : memref<12816xf32, #tpu.memory_space<vmem>>[vector<16xi32>], vector<16xf32>,
        %get3A_145 = arith.constant 112 : index
        %get3A_146 = tpu.vector_load %arg5[%get3A_145] {strides = array<i32>} : memref<160xi32, #tpu.memory_space<vmem>>, vector<16xi32>,
        %get3A_147 = arith.constant 112 : index
        %get3A_148 = tpu.vector_load %arg6[%get3A_147] {strides = array<i32>} : memref<160xf32, #tpu.memory_space<vmem>>, vector<16xf32>,
        %lt3A_149 = arith.constant 80 : i32
        %lt3A_150 = vector.broadcast %lt3A_149 : i32 to vector<16xi32>
        %lt3A_151 = arith.cmpi slt, %get3A_146, %lt3A_150 : vector<16xi32>
        %add3A_152 = arith.constant 112 : i32
        %add3A_153 = vector.broadcast %add3A_152 : i32 to vector<16xi32>
        %add3A_154 = arith.addi %iota3A, %add3A_153 : vector<16xi32>
        %mul3A_155 = arith.constant 80 : i32
        %mul3A_156 = vector.broadcast %mul3A_155 : i32 to vector<16xi32>
        %mul3A_157 = arith.muli %add3A_154, %mul3A_156 : vector<16xi32>
        %add3A_158 = arith.addi %mul3A_157, %get3A_146 : vector<16xi32>
        %add3A_159 = arith.constant 12800 : i32
        %add3A_160 = vector.broadcast %add3A_159 : i32 to vector<16xi32>
        %add3A_161 = arith.addi %add3A_160, %iota3A : vector<16xi32>
        %select_n3A_162 = arith.select %lt3A_151, %add3A_158, %add3A_161 : vector<16xi1>, vector<16xi32>
        tpu.vector_store_idx %arg7[%select_n3A_162], %get3A_148 : memref<12816xf32, #tpu.memory_space<vmem>>[vector<16xi32>], vector<16xf32>,
        %get3A_163 = arith.constant 128 : index
        %get3A_164 = tpu.vector_load %arg5[%get3A_163] {strides = array<i32>} : memref<160xi32, #tpu.memory_space<vmem>>, vector<16xi32>,
        %get3A_165 = arith.constant 128 : index
        %get3A_166 = tpu.vector_load %arg6[%get3A_165] {strides = array<i32>} : memref<160xf32, #tpu.memory_space<vmem>>, vector<16xf32>,
        %lt3A_167 = arith.constant 80 : i32
        %lt3A_168 = vector.broadcast %lt3A_167 : i32 to vector<16xi32>
        %lt3A_169 = arith.cmpi slt, %get3A_164, %lt3A_168 : vector<16xi32>
        %add3A_170 = arith.constant 128 : i32
        %add3A_171 = vector.broadcast %add3A_170 : i32 to vector<16xi32>
        %add3A_172 = arith.addi %iota3A, %add3A_171 : vector<16xi32>
        %mul3A_173 = arith.constant 80 : i32
        %mul3A_174 = vector.broadcast %mul3A_173 : i32 to vector<16xi32>
        %mul3A_175 = arith.muli %add3A_172, %mul3A_174 : vector<16xi32>
        %add3A_176 = arith.addi %mul3A_175, %get3A_164 : vector<16xi32>
        %add3A_177 = arith.constant 12800 : i32
        %add3A_178 = vector.broadcast %add3A_177 : i32 to vector<16xi32>
        %add3A_179 = arith.addi %add3A_178, %iota3A : vector<16xi32>
        %select_n3A_180 = arith.select %lt3A_169, %add3A_176, %add3A_179 : vector<16xi1>, vector<16xi32>
        tpu.vector_store_idx %arg7[%select_n3A_180], %get3A_166 : memref<12816xf32, #tpu.memory_space<vmem>>[vector<16xi32>], vector<16xf32>,
        %get3A_181 = arith.constant 144 : index
        %get3A_182 = tpu.vector_load %arg5[%get3A_181] {strides = array<i32>} : memref<160xi32, #tpu.memory_space<vmem>>, vector<16xi32>,
        %get3A_183 = arith.constant 144 : index
        %get3A_184 = tpu.vector_load %arg6[%get3A_183] {strides = array<i32>} : memref<160xf32, #tpu.memory_space<vmem>>, vector<16xf32>,
        %lt3A_185 = arith.constant 80 : i32
        %lt3A_186 = vector.broadcast %lt3A_185 : i32 to vector<16xi32>
        %lt3A_187 = arith.cmpi slt, %get3A_182, %lt3A_186 : vector<16xi32>
        %add3A_188 = arith.constant 144 : i32
        %add3A_189 = vector.broadcast %add3A_188 : i32 to vector<16xi32>
        %add3A_190 = arith.addi %iota3A, %add3A_189 : vector<16xi32>
        %mul3A_191 = arith.constant 80 : i32
        %mul3A_192 = vector.broadcast %mul3A_191 : i32 to vector<16xi32>
        %mul3A_193 = arith.muli %add3A_190, %mul3A_192 : vector<16xi32>
        %add3A_194 = arith.addi %mul3A_193, %get3A_182 : vector<16xi32>
        %add3A_195 = arith.constant 12800 : i32
        %add3A_196 = vector.broadcast %add3A_195 : i32 to vector<16xi32>
        %add3A_197 = arith.addi %add3A_196, %iota3A : vector<16xi32>
        %select_n3A_198 = arith.select %lt3A_187, %add3A_194, %add3A_197 : vector<16xi1>, vector<16xi32>
        tpu.vector_store_idx %arg7[%select_n3A_198], %get3A_184 : memref<12816xf32, #tpu.memory_space<vmem>>[vector<16xi32>], vector<16xf32>,
        %mul3A_199 = arith.constant 80 : i32
        %mul3A_200 = arith.muli %add3A_20, %mul3A_199 : i32
        "tpu.region"() ({
          %run_scoped3A = tpu.sem_alloc : memref<!tpu.dma_semaphore, #tpu.memory_space<semaphore_mem>>
          %dma_start3A = arith.constant 0 : i32
          %dma_start3A_361 = tpu.memref_slice %arg7[%dma_start3A] : memref<12816xf32, #tpu.memory_space<vmem>> -> memref<12800xf32, #tpu.memory_space<vmem>>
          %dma_start3A_362 = tpu.memref_slice %arg4[%mul3A_200] : memref<10752000xf32, #tpu.memory_space<hbm>> -> memref<12800xf32, #tpu.memory_space<hbm>>
          %dma_start3A_363 = tpu.memref_slice %arg4[%mul3A_200] : memref<10752000xf32, #tpu.memory_space<hbm>> -> memref<12800xf32, #tpu.memory_space<hbm>>
          %dma_start3A_364 = arith.constant 0 : i32
          %dma_start3A_365 = tpu.memref_slice %arg7[%dma_start3A_364] : memref<12816xf32, #tpu.memory_space<vmem>> -> memref<12800xf32, #tpu.memory_space<vmem>>
          tpu.enqueue_dma source(%dma_start3A_365 : memref<12800xf32, #tpu.memory_space<vmem>>) target(%dma_start3A_363 : memref<12800xf32, #tpu.memory_space<hbm>>) target_semaphore(%run_scoped3A : memref<!tpu.dma_semaphore, #tpu.memory_space<semaphore_mem>>)
          %dma_wait3A = arith.constant 0 : i32
          %dma_wait3A_366 = tpu.memref_slice %arg7[%dma_wait3A] : memref<12816xf32, #tpu.memory_space<vmem>> -> memref<12800xf32, #tpu.memory_space<vmem>>
          %dma_wait3A_367 = tpu.memref_slice %arg4[%mul3A_200] : memref<10752000xf32, #tpu.memory_space<hbm>> -> memref<12800xf32, #tpu.memory_space<hbm>>
          %dma_wait3A_368 = tpu.memref_slice %arg4[%mul3A_200] : memref<10752000xf32, #tpu.memory_space<hbm>> -> memref<12800xf32, #tpu.memory_space<hbm>>
          %dma_wait3A_369 = arith.constant 0 : i32
          %dma_wait3A_370 = tpu.memref_slice %arg7[%dma_wait3A_369] : memref<12816xf32, #tpu.memory_space<vmem>> -> memref<12800xf32, #tpu.memory_space<vmem>>
          tpu.wait_dma2 semaphore(%run_scoped3A : memref<!tpu.dma_semaphore, #tpu.memory_space<semaphore_mem>>) src(%dma_wait3A_370 : memref<12800xf32, #tpu.memory_space<vmem>>) dst(%dma_wait3A_368 : memref<12800xf32, #tpu.memory_space<hbm>>)
          tpu.yield
        }) : () -> ()
        %get3A_201 = arith.constant 0 : index
        %get3A_202 = tpu.vector_load %arg5[%get3A_201] {strides = array<i32>} : memref<160xi32, #tpu.memory_space<vmem>>, vector<16xi32>,
        %lt3A_203 = arith.constant 80 : i32
        %lt3A_204 = vector.broadcast %lt3A_203 : i32 to vector<16xi32>
        %lt3A_205 = arith.cmpi slt, %get3A_202, %lt3A_204 : vector<16xi32>
        %add3A_206 = arith.constant 0 : i32
        %add3A_207 = vector.broadcast %add3A_206 : i32 to vector<16xi32>
        %add3A_208 = arith.addi %iota3A, %add3A_207 : vector<16xi32>
        %mul3A_209 = arith.constant 80 : i32
        %mul3A_210 = vector.broadcast %mul3A_209 : i32 to vector<16xi32>
        %mul3A_211 = arith.muli %add3A_208, %mul3A_210 : vector<16xi32>
        %add3A_212 = arith.addi %mul3A_211, %get3A_202 : vector<16xi32>
        %add3A_213 = arith.constant 12800 : i32
        %add3A_214 = vector.broadcast %add3A_213 : i32 to vector<16xi32>
        %add3A_215 = arith.addi %add3A_214, %iota3A : vector<16xi32>
        %select_n3A_216 = arith.select %lt3A_205, %add3A_212, %add3A_215 : vector<16xi1>, vector<16xi32>
        tpu.vector_store_idx %arg7[%select_n3A_216], %broadcast_in_dim3A_5 : memref<12816xf32, #tpu.memory_space<vmem>>[vector<16xi32>], vector<16xf32>,
        %get3A_217 = arith.constant 16 : index
        %get3A_218 = tpu.vector_load %arg5[%get3A_217] {strides = array<i32>} : memref<160xi32, #tpu.memory_space<vmem>>, vector<16xi32>,
        %lt3A_219 = arith.constant 80 : i32
        %lt3A_220 = vector.broadcast %lt3A_219 : i32 to vector<16xi32>
        %lt3A_221 = arith.cmpi slt, %get3A_218, %lt3A_220 : vector<16xi32>
        %add3A_222 = arith.constant 16 : i32
        %add3A_223 = vector.broadcast %add3A_222 : i32 to vector<16xi32>
        %add3A_224 = arith.addi %iota3A, %add3A_223 : vector<16xi32>
        %mul3A_225 = arith.constant 80 : i32
        %mul3A_226 = vector.broadcast %mul3A_225 : i32 to vector<16xi32>
        %mul3A_227 = arith.muli %add3A_224, %mul3A_226 : vector<16xi32>
        %add3A_228 = arith.addi %mul3A_227, %get3A_218 : vector<16xi32>
        %add3A_229 = arith.constant 12800 : i32
        %add3A_230 = vector.broadcast %add3A_229 : i32 to vector<16xi32>
        %add3A_231 = arith.addi %add3A_230, %iota3A : vector<16xi32>
        %select_n3A_232 = arith.select %lt3A_221, %add3A_228, %add3A_231 : vector<16xi1>, vector<16xi32>
        tpu.vector_store_idx %arg7[%select_n3A_232], %broadcast_in_dim3A_5 : memref<12816xf32, #tpu.memory_space<vmem>>[vector<16xi32>], vector<16xf32>,
        %get3A_233 = arith.constant 32 : index
        %get3A_234 = tpu.vector_load %arg5[%get3A_233] {strides = array<i32>} : memref<160xi32, #tpu.memory_space<vmem>>, vector<16xi32>,
        %lt3A_235 = arith.constant 80 : i32
        %lt3A_236 = vector.broadcast %lt3A_235 : i32 to vector<16xi32>
        %lt3A_237 = arith.cmpi slt, %get3A_234, %lt3A_236 : vector<16xi32>
        %add3A_238 = arith.constant 32 : i32
        %add3A_239 = vector.broadcast %add3A_238 : i32 to vector<16xi32>
        %add3A_240 = arith.addi %iota3A, %add3A_239 : vector<16xi32>
        %mul3A_241 = arith.constant 80 : i32
        %mul3A_242 = vector.broadcast %mul3A_241 : i32 to vector<16xi32>
        %mul3A_243 = arith.muli %add3A_240, %mul3A_242 : vector<16xi32>
        %add3A_244 = arith.addi %mul3A_243, %get3A_234 : vector<16xi32>
        %add3A_245 = arith.constant 12800 : i32
        %add3A_246 = vector.broadcast %add3A_245 : i32 to vector<16xi32>
        %add3A_247 = arith.addi %add3A_246, %iota3A : vector<16xi32>
        %select_n3A_248 = arith.select %lt3A_237, %add3A_244, %add3A_247 : vector<16xi1>, vector<16xi32>
        tpu.vector_store_idx %arg7[%select_n3A_248], %broadcast_in_dim3A_5 : memref<12816xf32, #tpu.memory_space<vmem>>[vector<16xi32>], vector<16xf32>,
        %get3A_249 = arith.constant 48 : index
        %get3A_250 = tpu.vector_load %arg5[%get3A_249] {strides = array<i32>} : memref<160xi32, #tpu.memory_space<vmem>>, vector<16xi32>,
        %lt3A_251 = arith.constant 80 : i32
        %lt3A_252 = vector.broadcast %lt3A_251 : i32 to vector<16xi32>
        %lt3A_253 = arith.cmpi slt, %get3A_250, %lt3A_252 : vector<16xi32>
        %add3A_254 = arith.constant 48 : i32
        %add3A_255 = vector.broadcast %add3A_254 : i32 to vector<16xi32>
        %add3A_256 = arith.addi %iota3A, %add3A_255 : vector<16xi32>
        %mul3A_257 = arith.constant 80 : i32
        %mul3A_258 = vector.broadcast %mul3A_257 : i32 to vector<16xi32>
        %mul3A_259 = arith.muli %add3A_256, %mul3A_258 : vector<16xi32>
        %add3A_260 = arith.addi %mul3A_259, %get3A_250 : vector<16xi32>
        %add3A_261 = arith.constant 12800 : i32
        %add3A_262 = vector.broadcast %add3A_261 : i32 to vector<16xi32>
        %add3A_263 = arith.addi %add3A_262, %iota3A : vector<16xi32>
        %select_n3A_264 = arith.select %lt3A_253, %add3A_260, %add3A_263 : vector<16xi1>, vector<16xi32>
        tpu.vector_store_idx %arg7[%select_n3A_264], %broadcast_in_dim3A_5 : memref<12816xf32, #tpu.memory_space<vmem>>[vector<16xi32>], vector<16xf32>,
        %get3A_265 = arith.constant 64 : index
        %get3A_266 = tpu.vector_load %arg5[%get3A_265] {strides = array<i32>} : memref<160xi32, #tpu.memory_space<vmem>>, vector<16xi32>,
        %lt3A_267 = arith.constant 80 : i32
        %lt3A_268 = vector.broadcast %lt3A_267 : i32 to vector<16xi32>
        %lt3A_269 = arith.cmpi slt, %get3A_266, %lt3A_268 : vector<16xi32>
        %add3A_270 = arith.constant 64 : i32
        %add3A_271 = vector.broadcast %add3A_270 : i32 to vector<16xi32>
        %add3A_272 = arith.addi %iota3A, %add3A_271 : vector<16xi32>
        %mul3A_273 = arith.constant 80 : i32
        %mul3A_274 = vector.broadcast %mul3A_273 : i32 to vector<16xi32>
        %mul3A_275 = arith.muli %add3A_272, %mul3A_274 : vector<16xi32>
        %add3A_276 = arith.addi %mul3A_275, %get3A_266 : vector<16xi32>
        %add3A_277 = arith.constant 12800 : i32
        %add3A_278 = vector.broadcast %add3A_277 : i32 to vector<16xi32>
        %add3A_279 = arith.addi %add3A_278, %iota3A : vector<16xi32>
        %select_n3A_280 = arith.select %lt3A_269, %add3A_276, %add3A_279 : vector<16xi1>, vector<16xi32>
        tpu.vector_store_idx %arg7[%select_n3A_280], %broadcast_in_dim3A_5 : memref<12816xf32, #tpu.memory_space<vmem>>[vector<16xi32>], vector<16xf32>,
        %get3A_281 = arith.constant 80 : index
        %get3A_282 = tpu.vector_load %arg5[%get3A_281] {strides = array<i32>} : memref<160xi32, #tpu.memory_space<vmem>>, vector<16xi32>,
        %lt3A_283 = arith.constant 80 : i32
        %lt3A_284 = vector.broadcast %lt3A_283 : i32 to vector<16xi32>
        %lt3A_285 = arith.cmpi slt, %get3A_282, %lt3A_284 : vector<16xi32>
        %add3A_286 = arith.constant 80 : i32
        %add3A_287 = vector.broadcast %add3A_286 : i32 to vector<16xi32>
        %add3A_288 = arith.addi %iota3A, %add3A_287 : vector<16xi32>
        %mul3A_289 = arith.constant 80 : i32
        %mul3A_290 = vector.broadcast %mul3A_289 : i32 to vector<16xi32>
        %mul3A_291 = arith.muli %add3A_288, %mul3A_290 : vector<16xi32>
        %add3A_292 = arith.addi %mul3A_291, %get3A_282 : vector<16xi32>
        %add3A_293 = arith.constant 12800 : i32
        %add3A_294 = vector.broadcast %add3A_293 : i32 to vector<16xi32>
        %add3A_295 = arith.addi %add3A_294, %iota3A : vector<16xi32>
        %select_n3A_296 = arith.select %lt3A_285, %add3A_292, %add3A_295 : vector<16xi1>, vector<16xi32>
        tpu.vector_store_idx %arg7[%select_n3A_296], %broadcast_in_dim3A_5 : memref<12816xf32, #tpu.memory_space<vmem>>[vector<16xi32>], vector<16xf32>,
        %get3A_297 = arith.constant 96 : index
        %get3A_298 = tpu.vector_load %arg5[%get3A_297] {strides = array<i32>} : memref<160xi32, #tpu.memory_space<vmem>>, vector<16xi32>,
        %lt3A_299 = arith.constant 80 : i32
        %lt3A_300 = vector.broadcast %lt3A_299 : i32 to vector<16xi32>
        %lt3A_301 = arith.cmpi slt, %get3A_298, %lt3A_300 : vector<16xi32>
        %add3A_302 = arith.constant 96 : i32
        %add3A_303 = vector.broadcast %add3A_302 : i32 to vector<16xi32>
        %add3A_304 = arith.addi %iota3A, %add3A_303 : vector<16xi32>
        %mul3A_305 = arith.constant 80 : i32
        %mul3A_306 = vector.broadcast %mul3A_305 : i32 to vector<16xi32>
        %mul3A_307 = arith.muli %add3A_304, %mul3A_306 : vector<16xi32>
        %add3A_308 = arith.addi %mul3A_307, %get3A_298 : vector<16xi32>
        %add3A_309 = arith.constant 12800 : i32
        %add3A_310 = vector.broadcast %add3A_309 : i32 to vector<16xi32>
        %add3A_311 = arith.addi %add3A_310, %iota3A : vector<16xi32>
        %select_n3A_312 = arith.select %lt3A_301, %add3A_308, %add3A_311 : vector<16xi1>, vector<16xi32>
        tpu.vector_store_idx %arg7[%select_n3A_312], %broadcast_in_dim3A_5 : memref<12816xf32, #tpu.memory_space<vmem>>[vector<16xi32>], vector<16xf32>,
        %get3A_313 = arith.constant 112 : index
        %get3A_314 = tpu.vector_load %arg5[%get3A_313] {strides = array<i32>} : memref<160xi32, #tpu.memory_space<vmem>>, vector<16xi32>,
        %lt3A_315 = arith.constant 80 : i32
        %lt3A_316 = vector.broadcast %lt3A_315 : i32 to vector<16xi32>
        %lt3A_317 = arith.cmpi slt, %get3A_314, %lt3A_316 : vector<16xi32>
        %add3A_318 = arith.constant 112 : i32
        %add3A_319 = vector.broadcast %add3A_318 : i32 to vector<16xi32>
        %add3A_320 = arith.addi %iota3A, %add3A_319 : vector<16xi32>
        %mul3A_321 = arith.constant 80 : i32
        %mul3A_322 = vector.broadcast %mul3A_321 : i32 to vector<16xi32>
        %mul3A_323 = arith.muli %add3A_320, %mul3A_322 : vector<16xi32>
        %add3A_324 = arith.addi %mul3A_323, %get3A_314 : vector<16xi32>
        %add3A_325 = arith.constant 12800 : i32
        %add3A_326 = vector.broadcast %add3A_325 : i32 to vector<16xi32>
        %add3A_327 = arith.addi %add3A_326, %iota3A : vector<16xi32>
        %select_n3A_328 = arith.select %lt3A_317, %add3A_324, %add3A_327 : vector<16xi1>, vector<16xi32>
        tpu.vector_store_idx %arg7[%select_n3A_328], %broadcast_in_dim3A_5 : memref<12816xf32, #tpu.memory_space<vmem>>[vector<16xi32>], vector<16xf32>,
        %get3A_329 = arith.constant 128 : index
        %get3A_330 = tpu.vector_load %arg5[%get3A_329] {strides = array<i32>} : memref<160xi32, #tpu.memory_space<vmem>>, vector<16xi32>,
        %lt3A_331 = arith.constant 80 : i32
        %lt3A_332 = vector.broadcast %lt3A_331 : i32 to vector<16xi32>
        %lt3A_333 = arith.cmpi slt, %get3A_330, %lt3A_332 : vector<16xi32>
        %add3A_334 = arith.constant 128 : i32
        %add3A_335 = vector.broadcast %add3A_334 : i32 to vector<16xi32>
        %add3A_336 = arith.addi %iota3A, %add3A_335 : vector<16xi32>
        %mul3A_337 = arith.constant 80 : i32
        %mul3A_338 = vector.broadcast %mul3A_337 : i32 to vector<16xi32>
        %mul3A_339 = arith.muli %add3A_336, %mul3A_338 : vector<16xi32>
        %add3A_340 = arith.addi %mul3A_339, %get3A_330 : vector<16xi32>
        %add3A_341 = arith.constant 12800 : i32
        %add3A_342 = vector.broadcast %add3A_341 : i32 to vector<16xi32>
        %add3A_343 = arith.addi %add3A_342, %iota3A : vector<16xi32>
        %select_n3A_344 = arith.select %lt3A_333, %add3A_340, %add3A_343 : vector<16xi1>, vector<16xi32>
        tpu.vector_store_idx %arg7[%select_n3A_344], %broadcast_in_dim3A_5 : memref<12816xf32, #tpu.memory_space<vmem>>[vector<16xi32>], vector<16xf32>,
        %get3A_345 = arith.constant 144 : index
        %get3A_346 = tpu.vector_load %arg5[%get3A_345] {strides = array<i32>} : memref<160xi32, #tpu.memory_space<vmem>>, vector<16xi32>,
        %lt3A_347 = arith.constant 80 : i32
        %lt3A_348 = vector.broadcast %lt3A_347 : i32 to vector<16xi32>
        %lt3A_349 = arith.cmpi slt, %get3A_346, %lt3A_348 : vector<16xi32>
        %add3A_350 = arith.constant 144 : i32
        %add3A_351 = vector.broadcast %add3A_350 : i32 to vector<16xi32>
        %add3A_352 = arith.addi %iota3A, %add3A_351 : vector<16xi32>
        %mul3A_353 = arith.constant 80 : i32
        %mul3A_354 = vector.broadcast %mul3A_353 : i32 to vector<16xi32>
        %mul3A_355 = arith.muli %add3A_352, %mul3A_354 : vector<16xi32>
        %add3A_356 = arith.addi %mul3A_355, %get3A_346 : vector<16xi32>
        %add3A_357 = arith.constant 12800 : i32
        %add3A_358 = vector.broadcast %add3A_357 : i32 to vector<16xi32>
        %add3A_359 = arith.addi %add3A_358, %iota3A : vector<16xi32>
        %select_n3A_360 = arith.select %lt3A_349, %add3A_356, %add3A_359 : vector<16xi1>, vector<16xi32>
        tpu.vector_store_idx %arg7[%select_n3A_360], %broadcast_in_dim3A_5 : memref<12816xf32, #tpu.memory_space<vmem>>[vector<16xi32>], vector<16xf32>,
      }
      %scan3A_16 = arith.constant 28 : i32
    } else {
    }
    return
  }
}

module attributes {stable_mosaic.version = 14 : i64} {
  func.func @_atss_kernel(%arg0: i32, %arg1: memref<4x8400xf32, #tpu.memory_space<vmem>>, %arg2: memref<1x32x1xi32, #tpu.memory_space<vmem>>, %arg3: memref<1x32x4xf32, #tpu.memory_space<vmem>>, %arg4: memref<1x32x1xf32, #tpu.memory_space<vmem>>, %arg5: memref<1x4x8400xf32, #tpu.memory_space<vmem>>, %arg6: memref<1x1x8400xi32, #tpu.memory_space<vmem>>, %arg7: memref<1x4x8400xf32, #tpu.memory_space<vmem>>, %arg8: memref<1x1x8400xf32, #tpu.memory_space<vmem>>, %arg9: memref<1x1x8400xi32, #tpu.memory_space<vmem>>) attributes {dimension_semantics = [#tpu.dimension_semantics<arbitrary>], iteration_bounds = array<i64: 16>, scalar_prefetch = 0 : i64, scratch_operands = 0 : i64, tpu.core_type = #tpu.core_type<tc>, window_params = [{pipeline_mode = #tpu.pipeline_mode<synchronous>, transform_indices = @transform_0, window_bounds = array<i64: 4, 8400>}, {transform_indices = @transform_1, window_bounds = array<i64: 1, 32, 1>}, {transform_indices = @transform_2, window_bounds = array<i64: 1, 32, 4>}, {transform_indices = @transform_3, window_bounds = array<i64: 1, 32, 1>}, {transform_indices = @transform_4, window_bounds = array<i64: 1, 4, 8400>}, {transform_indices = @transform_5, window_bounds = array<i64: 1, 1, 8400>}, {transform_indices = @transform_6, window_bounds = array<i64: 1, 4, 8400>}, {transform_indices = @transform_7, window_bounds = array<i64: 1, 1, 8400>}, {transform_indices = @transform_8, window_bounds = array<i64: 1, 1, 8400>}]} {
    %get3A = arith.constant 0 : index
    %get3A_0 = arith.constant 0 : index
    %get3A_1 = vector.load %arg1[%get3A, %get3A_0] : memref<4x8400xf32, #tpu.memory_space<vmem>>, vector<1x8400xf32>
    %get3A_2 = arith.constant 1 : index
    %get3A_3 = arith.constant 0 : index
    %get3A_4 = vector.load %arg1[%get3A_2, %get3A_3] : memref<4x8400xf32, #tpu.memory_space<vmem>>, vector<1x8400xf32>
    %get3A_5 = arith.constant 2 : index
    %get3A_6 = arith.constant 0 : index
    %get3A_7 = vector.load %arg1[%get3A_5, %get3A_6] : memref<4x8400xf32, #tpu.memory_space<vmem>>, vector<1x8400xf32>
    %get3A_8 = arith.constant 3 : index
    %get3A_9 = arith.constant 0 : index
    %get3A_10 = vector.load %arg1[%get3A_8, %get3A_9] : memref<4x8400xf32, #tpu.memory_space<vmem>>, vector<1x8400xf32>
    %add3A = arith.addf %get3A_1, %get3A_7 : vector<1x8400xf32>
    %mul3A = arith.constant 5.000000e-01 : f32
    %mul3A_11 = vector.broadcast %mul3A : f32 to vector<1x8400xf32>
    %mul3A_12 = arith.mulf %add3A, %mul3A_11 : vector<1x8400xf32>
    %add3A_13 = arith.addf %get3A_4, %get3A_10 : vector<1x8400xf32>
    %mul3A_14 = arith.constant 5.000000e-01 : f32
    %mul3A_15 = vector.broadcast %mul3A_14 : f32 to vector<1x8400xf32>
    %mul3A_16 = arith.mulf %add3A_13, %mul3A_15 : vector<1x8400xf32>
    %get3A_17 = arith.constant 0 : index
    %get3A_18 = arith.constant 0 : index
    %get3A_19 = arith.constant 0 : index
    %get3A_20 = vector.load %arg3[%get3A_17, %get3A_18, %get3A_19] : memref<1x32x4xf32, #tpu.memory_space<vmem>>, vector<1x32x4xf32>
    %get3A_21 = vector.shape_cast %get3A_20 : vector<1x32x4xf32> to vector<32x4xf32>
    %slice3A = vector.extract_strided_slice %get3A_21 {offsets = [0, 0], sizes = [32, 1], strides = [1, 1]} : vector<32x4xf32> to vector<32x1xf32>
    %slice3A_22 = vector.extract_strided_slice %get3A_21 {offsets = [0, 1], sizes = [32, 1], strides = [1, 1]} : vector<32x4xf32> to vector<32x1xf32>
    %slice3A_23 = vector.extract_strided_slice %get3A_21 {offsets = [0, 2], sizes = [32, 1], strides = [1, 1]} : vector<32x4xf32> to vector<32x1xf32>
    %slice3A_24 = vector.extract_strided_slice %get3A_21 {offsets = [0, 3], sizes = [32, 1], strides = [1, 1]} : vector<32x4xf32> to vector<32x1xf32>
    %add3A_25 = arith.addf %slice3A, %slice3A_23 : vector<32x1xf32>
    %mul3A_26 = arith.constant 5.000000e-01 : f32
    %mul3A_27 = vector.broadcast %mul3A_26 : f32 to vector<32x1xf32>
    %mul3A_28 = arith.mulf %add3A_25, %mul3A_27 : vector<32x1xf32>
    %add3A_29 = arith.addf %slice3A_22, %slice3A_24 : vector<32x1xf32>
    %mul3A_30 = arith.constant 5.000000e-01 : f32
    %mul3A_31 = vector.broadcast %mul3A_30 : f32 to vector<32x1xf32>
    %mul3A_32 = arith.mulf %add3A_29, %mul3A_31 : vector<32x1xf32>
    %sub3A = vector.broadcast %mul3A_28 : vector<32x1xf32> to vector<32x8400xf32>
    %sub3A_33 = vector.broadcast %mul3A_12 : vector<1x8400xf32> to vector<32x8400xf32>
    %sub3A_34 = arith.subf %sub3A, %sub3A_33 : vector<32x8400xf32>
    %sub3A_35 = vector.broadcast %mul3A_32 : vector<32x1xf32> to vector<32x8400xf32>
    %sub3A_36 = vector.broadcast %mul3A_16 : vector<1x8400xf32> to vector<32x8400xf32>
    %sub3A_37 = arith.subf %sub3A_35, %sub3A_36 : vector<32x8400xf32>
    %mul3A_38 = arith.mulf %sub3A_34, %sub3A_34 : vector<32x8400xf32>
    %mul3A_39 = arith.mulf %sub3A_37, %sub3A_37 : vector<32x8400xf32>
    %add3A_40 = arith.addf %mul3A_38, %mul3A_39 : vector<32x8400xf32>
    %sqrt3A = math.sqrt %add3A_40 : vector<32x8400xf32>
    %min3A = vector.broadcast %slice3A_23 : vector<32x1xf32> to vector<32x8400xf32>
    %min3A_41 = vector.broadcast %get3A_7 : vector<1x8400xf32> to vector<32x8400xf32>
    %min3A_42 = arith.minimumf %min3A, %min3A_41 : vector<32x8400xf32>
    %max3A = vector.broadcast %slice3A : vector<32x1xf32> to vector<32x8400xf32>
    %max3A_43 = vector.broadcast %get3A_1 : vector<1x8400xf32> to vector<32x8400xf32>
    %max3A_44 = arith.maximumf %max3A, %max3A_43 : vector<32x8400xf32>
    %sub3A_45 = arith.subf %min3A_42, %max3A_44 : vector<32x8400xf32>
    %max3A_46 = arith.constant 0.000000e+00 : f32
    %max3A_47 = vector.broadcast %max3A_46 : f32 to vector<32x8400xf32>
    %max3A_48 = arith.maximumf %sub3A_45, %max3A_47 : vector<32x8400xf32>
    %min3A_49 = vector.broadcast %slice3A_24 : vector<32x1xf32> to vector<32x8400xf32>
    %min3A_50 = vector.broadcast %get3A_10 : vector<1x8400xf32> to vector<32x8400xf32>
    %min3A_51 = arith.minimumf %min3A_49, %min3A_50 : vector<32x8400xf32>
    %max3A_52 = vector.broadcast %slice3A_22 : vector<32x1xf32> to vector<32x8400xf32>
    %max3A_53 = vector.broadcast %get3A_4 : vector<1x8400xf32> to vector<32x8400xf32>
    %max3A_54 = arith.maximumf %max3A_52, %max3A_53 : vector<32x8400xf32>
    %sub3A_55 = arith.subf %min3A_51, %max3A_54 : vector<32x8400xf32>
    %max3A_56 = arith.constant 0.000000e+00 : f32
    %max3A_57 = vector.broadcast %max3A_56 : f32 to vector<32x8400xf32>
    %max3A_58 = arith.maximumf %sub3A_55, %max3A_57 : vector<32x8400xf32>
    %mul3A_59 = arith.mulf %max3A_48, %max3A_58 : vector<32x8400xf32>
    %sub3A_60 = arith.subf %slice3A_23, %slice3A : vector<32x1xf32>
    %sub3A_61 = arith.subf %slice3A_24, %slice3A_22 : vector<32x1xf32>
    %mul3A_62 = arith.mulf %sub3A_60, %sub3A_61 : vector<32x1xf32>
    %sub3A_63 = arith.subf %get3A_7, %get3A_1 : vector<1x8400xf32>
    %sub3A_64 = arith.subf %get3A_10, %get3A_4 : vector<1x8400xf32>
    %mul3A_65 = arith.mulf %sub3A_63, %sub3A_64 : vector<1x8400xf32>
    %add3A_66 = vector.broadcast %mul3A_62 : vector<32x1xf32> to vector<32x8400xf32>
    %add3A_67 = vector.broadcast %mul3A_65 : vector<1x8400xf32> to vector<32x8400xf32>
    %add3A_68 = arith.addf %add3A_66, %add3A_67 : vector<32x8400xf32>
    %sub3A_69 = arith.subf %add3A_68, %mul3A_59 : vector<32x8400xf32>
    %max3A_70 = arith.constant 9.99999997E-7 : f32
    %max3A_71 = vector.broadcast %max3A_70 : f32 to vector<32x8400xf32>
    %max3A_72 = arith.maximumf %sub3A_69, %max3A_71 : vector<32x8400xf32>
    %div3A = arith.divf %mul3A_59, %max3A_72 : vector<32x8400xf32>
    %get3A_73 = arith.constant 0 : index
    %get3A_74 = arith.constant 0 : index
    %get3A_75 = arith.constant 0 : index
    %get3A_76 = vector.load %arg4[%get3A_73, %get3A_74, %get3A_75] : memref<1x32x1xf32, #tpu.memory_space<vmem>>, vector<1x32x1xf32>
    %get3A_77 = vector.shape_cast %get3A_76 : vector<1x32x1xf32> to vector<32x1xf32>
    %broadcast_in_dim3A = arith.constant 0.000000e+00 : f32
    %broadcast_in_dim3A_78 = vector.broadcast %broadcast_in_dim3A : f32 to vector<32x1xf32>
    %mul3A_79 = arith.constant 1.250000e-01 : f32
    %mul3A_80 = vector.broadcast %mul3A_79 : f32 to vector<32x1xf32>
    %mul3A_81 = arith.mulf %mul3A_28, %mul3A_80 : vector<32x1xf32>
    %sub3A_82 = arith.constant 5.000000e-01 : f32
    %sub3A_83 = vector.broadcast %sub3A_82 : f32 to vector<32x1xf32>
    %sub3A_84 = arith.subf %mul3A_81, %sub3A_83 : vector<32x1xf32>
    %round3A = math.roundeven %sub3A_84 : vector<32x1xf32>
    %convert_element_type3A = arith.fptosi %round3A : vector<32x1xf32> to vector<32x1xi32>
    %mul3A_85 = arith.constant 1.250000e-01 : f32
    %mul3A_86 = vector.broadcast %mul3A_85 : f32 to vector<32x1xf32>
    %mul3A_87 = arith.mulf %mul3A_32, %mul3A_86 : vector<32x1xf32>
    %sub3A_88 = arith.constant 5.000000e-01 : f32
    %sub3A_89 = vector.broadcast %sub3A_88 : f32 to vector<32x1xf32>
    %sub3A_90 = arith.subf %mul3A_87, %sub3A_89 : vector<32x1xf32>
    %round3A_91 = math.roundeven %sub3A_90 : vector<32x1xf32>
    %convert_element_type3A_92 = arith.fptosi %round3A_91 : vector<32x1xf32> to vector<32x1xi32>
    %sub3A_93 = arith.constant 3 : i32
    %sub3A_94 = vector.broadcast %sub3A_93 : i32 to vector<32x1xi32>
    %sub3A_95 = arith.subi %convert_element_type3A, %sub3A_94 : vector<32x1xi32>
    %jit3A = arith.constant 0 : i32
    %jit3A_96 = arith.constant 73 : i32
    %max3A_97 = vector.broadcast %jit3A : i32 to vector<32x1xi32>
    %max3A_98 = arith.maxsi %max3A_97, %sub3A_95 : vector<32x1xi32>
    %min3A_99 = vector.broadcast %jit3A_96 : i32 to vector<32x1xi32>
    %min3A_100 = arith.minsi %min3A_99, %max3A_98 : vector<32x1xi32>
    %sub3A_101 = arith.constant 3 : i32
    %sub3A_102 = vector.broadcast %sub3A_101 : i32 to vector<32x1xi32>
    %sub3A_103 = arith.subi %convert_element_type3A_92, %sub3A_102 : vector<32x1xi32>
    %jit3A_104 = arith.constant 0 : i32
    %jit3A_105 = arith.constant 73 : i32
    %max3A_106 = vector.broadcast %jit3A_104 : i32 to vector<32x1xi32>
    %max3A_107 = arith.maxsi %max3A_106, %sub3A_103 : vector<32x1xi32>
    %min3A_108 = vector.broadcast %jit3A_105 : i32 to vector<32x1xi32>
    %min3A_109 = arith.minsi %min3A_108, %max3A_107 : vector<32x1xi32>
    %iota3A = tpu.iota {dimensions = array<i32: 1>} : vector<32x49xi32>
    %jit3A_110 = arith.constant 7 : i32
    %eq3A = arith.constant 0 : i32
    %eq3A_111 = arith.cmpi eq, %jit3A_110, %eq3A : i32
    %jit3A_112 = arith.constant 1 : i32
    %select_n3A = arith.select %eq3A_111, %jit3A_112, %jit3A_110 : i32
    %rem3A = vector.broadcast %select_n3A : i32 to vector<32x49xi32>
    %rem3A_113 = arith.remsi %iota3A, %rem3A : vector<32x49xi32>
    %ne3A = arith.constant 0 : i32
    %ne3A_114 = vector.broadcast %ne3A : i32 to vector<32x49xi32>
    %ne3A_115 = arith.cmpi ne, %rem3A_113, %ne3A_114 : vector<32x49xi32>
    %lt3A = arith.constant 0 : i32
    %lt3A_116 = vector.broadcast %lt3A : i32 to vector<32x49xi32>
    %lt3A_117 = arith.cmpi slt, %rem3A_113, %lt3A_116 : vector<32x49xi32>
    %lt3A_118 = arith.constant 0 : i32
    %lt3A_119 = arith.cmpi slt, %select_n3A, %lt3A_118 : i32
    %ne3A_120 = vector.broadcast %lt3A_119 : i1 to vector<32x49xi1>
    %ne3A_121 = vector.broadcast %ne3A_120 : vector<32x49xi1> to vector<32x49xi1>
    %ne3A_122 = arith.xori %lt3A_117, %ne3A_121 : vector<32x49xi1>
    %and3A = arith.andi %ne3A_122, %ne3A_115 : vector<32x49xi1>
    %add3A_123 = vector.broadcast %select_n3A : i32 to vector<32x49xi32>
    %add3A_124 = arith.addi %rem3A_113, %add3A_123 : vector<32x49xi32>
    %select_n3A_125 = arith.select %and3A, %add3A_124, %rem3A_113 : vector<32x49xi1>, vector<32x49xi32>
    %add3A_126 = vector.broadcast %min3A_100 : vector<32x1xi32> to vector<32x49xi32>
    %add3A_127 = arith.addi %add3A_126, %select_n3A_125 : vector<32x49xi32>
    %jit3A_128 = arith.constant 7 : i32
    %div3A_129 = vector.broadcast %jit3A_128 : i32 to vector<32x49xi32>
    %div3A_130 = arith.divsi %iota3A, %div3A_129 : vector<32x49xi32>
    %sign3A = arith.constant 0 : i32
    %sign3A_131 = vector.broadcast %sign3A : i32 to vector<32x49xi32>
    %sign3A_132 = arith.cmpi sgt, %iota3A, %sign3A_131 : vector<32x49xi32>
    %sign3A_133 = arith.extui %sign3A_132 : vector<32x49xi1> to vector<32x49xi32>
    %sign3A_134 = arith.constant 0 : i32
    %sign3A_135 = vector.broadcast %sign3A_134 : i32 to vector<32x49xi32>
    %sign3A_136 = arith.cmpi slt, %iota3A, %sign3A_135 : vector<32x49xi32>
    %sign3A_137 = arith.extui %sign3A_136 : vector<32x49xi1> to vector<32x49xi32>
    %sign3A_138 = arith.subi %sign3A_133, %sign3A_137 : vector<32x49xi32>
    %sign3A_139 = arith.constant 0 : i32
    %sign3A_140 = arith.cmpi sgt, %jit3A_128, %sign3A_139 : i32
    %sign3A_141 = arith.extui %sign3A_140 : i1 to i32
    %sign3A_142 = arith.constant 0 : i32
    %sign3A_143 = arith.cmpi slt, %jit3A_128, %sign3A_142 : i32
    %sign3A_144 = arith.extui %sign3A_143 : i1 to i32
    %sign3A_145 = arith.subi %sign3A_141, %sign3A_144 : i32
    %ne3A_146 = vector.broadcast %sign3A_145 : i32 to vector<32x49xi32>
    %ne3A_147 = arith.cmpi ne, %sign3A_138, %ne3A_146 : vector<32x49xi32>
    %rem3A_148 = vector.broadcast %jit3A_128 : i32 to vector<32x49xi32>
    %rem3A_149 = arith.remsi %iota3A, %rem3A_148 : vector<32x49xi32>
    %ne3A_150 = arith.constant 0 : i32
    %ne3A_151 = vector.broadcast %ne3A_150 : i32 to vector<32x49xi32>
    %ne3A_152 = arith.cmpi ne, %rem3A_149, %ne3A_151 : vector<32x49xi32>
    %and3A_153 = arith.andi %ne3A_147, %ne3A_152 : vector<32x49xi1>
    %sub3A_154 = arith.constant 1 : i32
    %sub3A_155 = vector.broadcast %sub3A_154 : i32 to vector<32x49xi32>
    %sub3A_156 = arith.subi %div3A_130, %sub3A_155 : vector<32x49xi32>
    %select_n3A_157 = arith.select %and3A_153, %sub3A_156, %div3A_130 : vector<32x49xi1>, vector<32x49xi32>
    %add3A_158 = vector.broadcast %min3A_109 : vector<32x1xi32> to vector<32x49xi32>
    %add3A_159 = arith.addi %add3A_158, %select_n3A_157 : vector<32x49xi32>
    %convert_element_type3A_160 = arith.sitofp %add3A_127 : vector<32x49xi32> to vector<32x49xf32>
    %add3A_161 = arith.constant 5.000000e-01 : f32
    %add3A_162 = vector.broadcast %add3A_161 : f32 to vector<32x49xf32>
    %add3A_163 = arith.addf %convert_element_type3A_160, %add3A_162 : vector<32x49xf32>
    %mul3A_164 = arith.constant 8.000000e+00 : f32
    %mul3A_165 = vector.broadcast %mul3A_164 : f32 to vector<32x49xf32>
    %mul3A_166 = arith.mulf %add3A_163, %mul3A_165 : vector<32x49xf32>
    %convert_element_type3A_167 = arith.sitofp %add3A_159 : vector<32x49xi32> to vector<32x49xf32>
    %add3A_168 = arith.constant 5.000000e-01 : f32
    %add3A_169 = vector.broadcast %add3A_168 : f32 to vector<32x49xf32>
    %add3A_170 = arith.addf %convert_element_type3A_167, %add3A_169 : vector<32x49xf32>
    %mul3A_171 = arith.constant 8.000000e+00 : f32
    %mul3A_172 = vector.broadcast %mul3A_171 : f32 to vector<32x49xf32>
    %mul3A_173 = arith.mulf %add3A_170, %mul3A_172 : vector<32x49xf32>
    %sub3A_174 = vector.broadcast %mul3A_28 : vector<32x1xf32> to vector<32x49xf32>
    %sub3A_175 = arith.subf %sub3A_174, %mul3A_166 : vector<32x49xf32>
    %sub3A_176 = vector.broadcast %mul3A_32 : vector<32x1xf32> to vector<32x49xf32>
    %sub3A_177 = arith.subf %sub3A_176, %mul3A_173 : vector<32x49xf32>
    %mul3A_178 = arith.mulf %sub3A_175, %sub3A_175 : vector<32x49xf32>
    %mul3A_179 = arith.mulf %sub3A_177, %sub3A_177 : vector<32x49xf32>
    %add3A_180 = arith.addf %mul3A_178, %mul3A_179 : vector<32x49xf32>
    %sqrt3A_181 = math.sqrt %add3A_180 : vector<32x49xf32>
    %add3A_182 = arith.constant 2.000000e+01 : f32
    %add3A_183 = vector.broadcast %add3A_182 : f32 to vector<32x49xf32>
    %add3A_184 = arith.addf %mul3A_166, %add3A_183 : vector<32x49xf32>
    %min3A_185 = vector.broadcast %slice3A_23 : vector<32x1xf32> to vector<32x49xf32>
    %min3A_186 = arith.minimumf %min3A_185, %add3A_184 : vector<32x49xf32>
    %sub3A_187 = arith.constant 2.000000e+01 : f32
    %sub3A_188 = vector.broadcast %sub3A_187 : f32 to vector<32x49xf32>
    %sub3A_189 = arith.subf %mul3A_166, %sub3A_188 : vector<32x49xf32>
    %max3A_190 = vector.broadcast %slice3A : vector<32x1xf32> to vector<32x49xf32>
    %max3A_191 = arith.maximumf %max3A_190, %sub3A_189 : vector<32x49xf32>
    %sub3A_192 = arith.subf %min3A_186, %max3A_191 : vector<32x49xf32>
    %max3A_193 = arith.constant 0.000000e+00 : f32
    %max3A_194 = vector.broadcast %max3A_193 : f32 to vector<32x49xf32>
    %max3A_195 = arith.maximumf %sub3A_192, %max3A_194 : vector<32x49xf32>
    %add3A_196 = arith.constant 2.000000e+01 : f32
    %add3A_197 = vector.broadcast %add3A_196 : f32 to vector<32x49xf32>
    %add3A_198 = arith.addf %mul3A_173, %add3A_197 : vector<32x49xf32>
    %min3A_199 = vector.broadcast %slice3A_24 : vector<32x1xf32> to vector<32x49xf32>
    %min3A_200 = arith.minimumf %min3A_199, %add3A_198 : vector<32x49xf32>
    %sub3A_201 = arith.constant 2.000000e+01 : f32
    %sub3A_202 = vector.broadcast %sub3A_201 : f32 to vector<32x49xf32>
    %sub3A_203 = arith.subf %mul3A_173, %sub3A_202 : vector<32x49xf32>
    %max3A_204 = vector.broadcast %slice3A_22 : vector<32x1xf32> to vector<32x49xf32>
    %max3A_205 = arith.maximumf %max3A_204, %sub3A_203 : vector<32x49xf32>
    %sub3A_206 = arith.subf %min3A_200, %max3A_205 : vector<32x49xf32>
    %max3A_207 = arith.constant 0.000000e+00 : f32
    %max3A_208 = vector.broadcast %max3A_207 : f32 to vector<32x49xf32>
    %max3A_209 = arith.maximumf %sub3A_206, %max3A_208 : vector<32x49xf32>
    %mul3A_210 = arith.mulf %max3A_195, %max3A_209 : vector<32x49xf32>
    %add3A_211 = arith.constant 1.600000e+03 : f32
    %add3A_212 = vector.broadcast %add3A_211 : f32 to vector<32x1xf32>
    %add3A_213 = arith.addf %mul3A_62, %add3A_212 : vector<32x1xf32>
    %sub3A_214 = vector.broadcast %add3A_213 : vector<32x1xf32> to vector<32x49xf32>
    %sub3A_215 = arith.subf %sub3A_214, %mul3A_210 : vector<32x49xf32>
    %max3A_216 = arith.constant 9.99999997E-7 : f32
    %max3A_217 = vector.broadcast %max3A_216 : f32 to vector<32x49xf32>
    %max3A_218 = arith.maximumf %sub3A_215, %max3A_217 : vector<32x49xf32>
    %div3A_219 = arith.divf %mul3A_210, %max3A_218 : vector<32x49xf32>
    %broadcast_in_dim3A_220 = arith.constant 0.000000e+00 : f32
    %broadcast_in_dim3A_221 = vector.broadcast %broadcast_in_dim3A_220 : f32 to vector<32x49xf32>
    %reduce_min3A = arith.constant dense<0x7F800000> : vector<32xf32>
    %reduce_min3A_222 = vector.multi_reduction <minimumf>, %sqrt3A_181, %reduce_min3A [1] : vector<32x49xf32> to vector<32xf32>
    %broadcast_in_dim3A_223 = vector.shape_cast %reduce_min3A_222 : vector<32xf32> to vector<32x1xf32>
    %eq3A_224 = vector.broadcast %broadcast_in_dim3A_223 : vector<32x1xf32> to vector<32x49xf32>
    %eq3A_225 = arith.cmpf oeq, %sqrt3A_181, %eq3A_224 : vector<32x49xf32>
    %jit3A_226 = arith.constant 49 : i32
    %broadcast_in_dim3A_227 = vector.broadcast %jit3A_226 : i32 to vector<32x49xi32>
    %select_n3A_228 = arith.select %eq3A_225, %iota3A, %broadcast_in_dim3A_227 : vector<32x49xi1>, vector<32x49xi32>
    %reduce_min3A_229 = arith.constant dense<2147483647> : vector<32xi32>
    %reduce_min3A_230 = vector.multi_reduction <minsi>, %select_n3A_228, %reduce_min3A_229 [1] : vector<32x49xi32> to vector<32xi32>
    %broadcast_in_dim3A_231 = vector.shape_cast %reduce_min3A_230 : vector<32xi32> to vector<32x1xi32>
    %eq3A_232 = vector.broadcast %broadcast_in_dim3A_231 : vector<32x1xi32> to vector<32x49xi32>
    %eq3A_233 = arith.cmpi eq, %iota3A, %eq3A_232 : vector<32x49xi32>
    %jit3A_234 = arith.constant 1.000000e+00 : f32
    %broadcast_in_dim3A_235 = vector.broadcast %jit3A_234 : f32 to vector<32x49xf32>
    %select_n3A_236 = arith.select %eq3A_233, %broadcast_in_dim3A_235, %broadcast_in_dim3A_221 : vector<32x49xi1>, vector<32x49xf32>
    %jit3A_237 = arith.constant 3.000000e+38 : f32
    %broadcast_in_dim3A_238 = vector.broadcast %jit3A_237 : f32 to vector<32x49xf32>
    %select_n3A_239 = arith.select %eq3A_233, %broadcast_in_dim3A_238, %sqrt3A_181 : vector<32x49xi1>, vector<32x49xf32>
    %reduce_min3A_240 = arith.constant dense<0x7F800000> : vector<32xf32>
    %reduce_min3A_241 = vector.multi_reduction <minimumf>, %select_n3A_239, %reduce_min3A_240 [1] : vector<32x49xf32> to vector<32xf32>
    %broadcast_in_dim3A_242 = vector.shape_cast %reduce_min3A_241 : vector<32xf32> to vector<32x1xf32>
    %eq3A_243 = vector.broadcast %broadcast_in_dim3A_242 : vector<32x1xf32> to vector<32x49xf32>
    %eq3A_244 = arith.cmpf oeq, %select_n3A_239, %eq3A_243 : vector<32x49xf32>
    %jit3A_245 = arith.constant 49 : i32
    %broadcast_in_dim3A_246 = vector.broadcast %jit3A_245 : i32 to vector<32x49xi32>
    %select_n3A_247 = arith.select %eq3A_244, %iota3A, %broadcast_in_dim3A_246 : vector<32x49xi1>, vector<32x49xi32>
    %reduce_min3A_248 = arith.constant dense<2147483647> : vector<32xi32>
    %reduce_min3A_249 = vector.multi_reduction <minsi>, %select_n3A_247, %reduce_min3A_248 [1] : vector<32x49xi32> to vector<32xi32>
    %broadcast_in_dim3A_250 = vector.shape_cast %reduce_min3A_249 : vector<32xi32> to vector<32x1xi32>
    %eq3A_251 = vector.broadcast %broadcast_in_dim3A_250 : vector<32x1xi32> to vector<32x49xi32>
    %eq3A_252 = arith.cmpi eq, %iota3A, %eq3A_251 : vector<32x49xi32>
    %jit3A_253 = arith.constant 1.000000e+00 : f32
    %broadcast_in_dim3A_254 = vector.broadcast %jit3A_253 : f32 to vector<32x49xf32>
    %select_n3A_255 = arith.select %eq3A_252, %broadcast_in_dim3A_254, %select_n3A_236 : vector<32x49xi1>, vector<32x49xf32>
    %jit3A_256 = arith.constant 3.000000e+38 : f32
    %broadcast_in_dim3A_257 = vector.broadcast %jit3A_256 : f32 to vector<32x49xf32>
    %select_n3A_258 = arith.select %eq3A_252, %broadcast_in_dim3A_257, %select_n3A_239 : vector<32x49xi1>, vector<32x49xf32>
    %reduce_min3A_259 = arith.constant dense<0x7F800000> : vector<32xf32>
    %reduce_min3A_260 = vector.multi_reduction <minimumf>, %select_n3A_258, %reduce_min3A_259 [1] : vector<32x49xf32> to vector<32xf32>
    %broadcast_in_dim3A_261 = vector.shape_cast %reduce_min3A_260 : vector<32xf32> to vector<32x1xf32>
    %eq3A_262 = vector.broadcast %broadcast_in_dim3A_261 : vector<32x1xf32> to vector<32x49xf32>
    %eq3A_263 = arith.cmpf oeq, %select_n3A_258, %eq3A_262 : vector<32x49xf32>
    %jit3A_264 = arith.constant 49 : i32
    %broadcast_in_dim3A_265 = vector.broadcast %jit3A_264 : i32 to vector<32x49xi32>
    %select_n3A_266 = arith.select %eq3A_263, %iota3A, %broadcast_in_dim3A_265 : vector<32x49xi1>, vector<32x49xi32>
    %reduce_min3A_267 = arith.constant dense<2147483647> : vector<32xi32>
    %reduce_min3A_268 = vector.multi_reduction <minsi>, %select_n3A_266, %reduce_min3A_267 [1] : vector<32x49xi32> to vector<32xi32>
    %broadcast_in_dim3A_269 = vector.shape_cast %reduce_min3A_268 : vector<32xi32> to vector<32x1xi32>
    %eq3A_270 = vector.broadcast %broadcast_in_dim3A_269 : vector<32x1xi32> to vector<32x49xi32>
    %eq3A_271 = arith.cmpi eq, %iota3A, %eq3A_270 : vector<32x49xi32>
    %jit3A_272 = arith.constant 1.000000e+00 : f32
    %broadcast_in_dim3A_273 = vector.broadcast %jit3A_272 : f32 to vector<32x49xf32>
    %select_n3A_274 = arith.select %eq3A_271, %broadcast_in_dim3A_273, %select_n3A_255 : vector<32x49xi1>, vector<32x49xf32>
    %jit3A_275 = arith.constant 3.000000e+38 : f32
    %broadcast_in_dim3A_276 = vector.broadcast %jit3A_275 : f32 to vector<32x49xf32>
    %select_n3A_277 = arith.select %eq3A_271, %broadcast_in_dim3A_276, %select_n3A_258 : vector<32x49xi1>, vector<32x49xf32>
    %reduce_min3A_278 = arith.constant dense<0x7F800000> : vector<32xf32>
    %reduce_min3A_279 = vector.multi_reduction <minimumf>, %select_n3A_277, %reduce_min3A_278 [1] : vector<32x49xf32> to vector<32xf32>
    %broadcast_in_dim3A_280 = vector.shape_cast %reduce_min3A_279 : vector<32xf32> to vector<32x1xf32>
    %eq3A_281 = vector.broadcast %broadcast_in_dim3A_280 : vector<32x1xf32> to vector<32x49xf32>
    %eq3A_282 = arith.cmpf oeq, %select_n3A_277, %eq3A_281 : vector<32x49xf32>
    %jit3A_283 = arith.constant 49 : i32
    %broadcast_in_dim3A_284 = vector.broadcast %jit3A_283 : i32 to vector<32x49xi32>
    %select_n3A_285 = arith.select %eq3A_282, %iota3A, %broadcast_in_dim3A_284 : vector<32x49xi1>, vector<32x49xi32>
    %reduce_min3A_286 = arith.constant dense<2147483647> : vector<32xi32>
    %reduce_min3A_287 = vector.multi_reduction <minsi>, %select_n3A_285, %reduce_min3A_286 [1] : vector<32x49xi32> to vector<32xi32>
    %broadcast_in_dim3A_288 = vector.shape_cast %reduce_min3A_287 : vector<32xi32> to vector<32x1xi32>
    %eq3A_289 = vector.broadcast %broadcast_in_dim3A_288 : vector<32x1xi32> to vector<32x49xi32>
    %eq3A_290 = arith.cmpi eq, %iota3A, %eq3A_289 : vector<32x49xi32>
    %jit3A_291 = arith.constant 1.000000e+00 : f32
    %broadcast_in_dim3A_292 = vector.broadcast %jit3A_291 : f32 to vector<32x49xf32>
    %select_n3A_293 = arith.select %eq3A_290, %broadcast_in_dim3A_292, %select_n3A_274 : vector<32x49xi1>, vector<32x49xf32>
    %jit3A_294 = arith.constant 3.000000e+38 : f32
    %broadcast_in_dim3A_295 = vector.broadcast %jit3A_294 : f32 to vector<32x49xf32>
    %select_n3A_296 = arith.select %eq3A_290, %broadcast_in_dim3A_295, %select_n3A_277 : vector<32x49xi1>, vector<32x49xf32>
    %reduce_min3A_297 = arith.constant dense<0x7F800000> : vector<32xf32>
    %reduce_min3A_298 = vector.multi_reduction <minimumf>, %select_n3A_296, %reduce_min3A_297 [1] : vector<32x49xf32> to vector<32xf32>
    %broadcast_in_dim3A_299 = vector.shape_cast %reduce_min3A_298 : vector<32xf32> to vector<32x1xf32>
    %eq3A_300 = vector.broadcast %broadcast_in_dim3A_299 : vector<32x1xf32> to vector<32x49xf32>
    %eq3A_301 = arith.cmpf oeq, %select_n3A_296, %eq3A_300 : vector<32x49xf32>
    %jit3A_302 = arith.constant 49 : i32
    %broadcast_in_dim3A_303 = vector.broadcast %jit3A_302 : i32 to vector<32x49xi32>
    %select_n3A_304 = arith.select %eq3A_301, %iota3A, %broadcast_in_dim3A_303 : vector<32x49xi1>, vector<32x49xi32>
    %reduce_min3A_305 = arith.constant dense<2147483647> : vector<32xi32>
    %reduce_min3A_306 = vector.multi_reduction <minsi>, %select_n3A_304, %reduce_min3A_305 [1] : vector<32x49xi32> to vector<32xi32>
    %broadcast_in_dim3A_307 = vector.shape_cast %reduce_min3A_306 : vector<32xi32> to vector<32x1xi32>
    %eq3A_308 = vector.broadcast %broadcast_in_dim3A_307 : vector<32x1xi32> to vector<32x49xi32>
    %eq3A_309 = arith.cmpi eq, %iota3A, %eq3A_308 : vector<32x49xi32>
    %jit3A_310 = arith.constant 1.000000e+00 : f32
    %broadcast_in_dim3A_311 = vector.broadcast %jit3A_310 : f32 to vector<32x49xf32>
    %select_n3A_312 = arith.select %eq3A_309, %broadcast_in_dim3A_311, %select_n3A_293 : vector<32x49xi1>, vector<32x49xf32>
    %jit3A_313 = arith.constant 3.000000e+38 : f32
    %broadcast_in_dim3A_314 = vector.broadcast %jit3A_313 : f32 to vector<32x49xf32>
    %select_n3A_315 = arith.select %eq3A_309, %broadcast_in_dim3A_314, %select_n3A_296 : vector<32x49xi1>, vector<32x49xf32>
    %reduce_min3A_316 = arith.constant dense<0x7F800000> : vector<32xf32>
    %reduce_min3A_317 = vector.multi_reduction <minimumf>, %select_n3A_315, %reduce_min3A_316 [1] : vector<32x49xf32> to vector<32xf32>
    %broadcast_in_dim3A_318 = vector.shape_cast %reduce_min3A_317 : vector<32xf32> to vector<32x1xf32>
    %eq3A_319 = vector.broadcast %broadcast_in_dim3A_318 : vector<32x1xf32> to vector<32x49xf32>
    %eq3A_320 = arith.cmpf oeq, %select_n3A_315, %eq3A_319 : vector<32x49xf32>
    %jit3A_321 = arith.constant 49 : i32
    %broadcast_in_dim3A_322 = vector.broadcast %jit3A_321 : i32 to vector<32x49xi32>
    %select_n3A_323 = arith.select %eq3A_320, %iota3A, %broadcast_in_dim3A_322 : vector<32x49xi1>, vector<32x49xi32>
    %reduce_min3A_324 = arith.constant dense<2147483647> : vector<32xi32>
    %reduce_min3A_325 = vector.multi_reduction <minsi>, %select_n3A_323, %reduce_min3A_324 [1] : vector<32x49xi32> to vector<32xi32>
    %broadcast_in_dim3A_326 = vector.shape_cast %reduce_min3A_325 : vector<32xi32> to vector<32x1xi32>
    %eq3A_327 = vector.broadcast %broadcast_in_dim3A_326 : vector<32x1xi32> to vector<32x49xi32>
    %eq3A_328 = arith.cmpi eq, %iota3A, %eq3A_327 : vector<32x49xi32>
    %jit3A_329 = arith.constant 1.000000e+00 : f32
    %broadcast_in_dim3A_330 = vector.broadcast %jit3A_329 : f32 to vector<32x49xf32>
    %select_n3A_331 = arith.select %eq3A_328, %broadcast_in_dim3A_330, %select_n3A_312 : vector<32x49xi1>, vector<32x49xf32>
    %jit3A_332 = arith.constant 3.000000e+38 : f32
    %broadcast_in_dim3A_333 = vector.broadcast %jit3A_332 : f32 to vector<32x49xf32>
    %select_n3A_334 = arith.select %eq3A_328, %broadcast_in_dim3A_333, %select_n3A_315 : vector<32x49xi1>, vector<32x49xf32>
    %reduce_min3A_335 = arith.constant dense<0x7F800000> : vector<32xf32>
    %reduce_min3A_336 = vector.multi_reduction <minimumf>, %select_n3A_334, %reduce_min3A_335 [1] : vector<32x49xf32> to vector<32xf32>
    %broadcast_in_dim3A_337 = vector.shape_cast %reduce_min3A_336 : vector<32xf32> to vector<32x1xf32>
    %eq3A_338 = vector.broadcast %broadcast_in_dim3A_337 : vector<32x1xf32> to vector<32x49xf32>
    %eq3A_339 = arith.cmpf oeq, %select_n3A_334, %eq3A_338 : vector<32x49xf32>
    %jit3A_340 = arith.constant 49 : i32
    %broadcast_in_dim3A_341 = vector.broadcast %jit3A_340 : i32 to vector<32x49xi32>
    %select_n3A_342 = arith.select %eq3A_339, %iota3A, %broadcast_in_dim3A_341 : vector<32x49xi1>, vector<32x49xi32>
    %reduce_min3A_343 = arith.constant dense<2147483647> : vector<32xi32>
    %reduce_min3A_344 = vector.multi_reduction <minsi>, %select_n3A_342, %reduce_min3A_343 [1] : vector<32x49xi32> to vector<32xi32>
    %broadcast_in_dim3A_345 = vector.shape_cast %reduce_min3A_344 : vector<32xi32> to vector<32x1xi32>
    %eq3A_346 = vector.broadcast %broadcast_in_dim3A_345 : vector<32x1xi32> to vector<32x49xi32>
    %eq3A_347 = arith.cmpi eq, %iota3A, %eq3A_346 : vector<32x49xi32>
    %jit3A_348 = arith.constant 1.000000e+00 : f32
    %broadcast_in_dim3A_349 = vector.broadcast %jit3A_348 : f32 to vector<32x49xf32>
    %select_n3A_350 = arith.select %eq3A_347, %broadcast_in_dim3A_349, %select_n3A_331 : vector<32x49xi1>, vector<32x49xf32>
    %jit3A_351 = arith.constant 3.000000e+38 : f32
    %broadcast_in_dim3A_352 = vector.broadcast %jit3A_351 : f32 to vector<32x49xf32>
    %select_n3A_353 = arith.select %eq3A_347, %broadcast_in_dim3A_352, %select_n3A_334 : vector<32x49xi1>, vector<32x49xf32>
    %reduce_min3A_354 = arith.constant dense<0x7F800000> : vector<32xf32>
    %reduce_min3A_355 = vector.multi_reduction <minimumf>, %select_n3A_353, %reduce_min3A_354 [1] : vector<32x49xf32> to vector<32xf32>
    %broadcast_in_dim3A_356 = vector.shape_cast %reduce_min3A_355 : vector<32xf32> to vector<32x1xf32>
    %eq3A_357 = vector.broadcast %broadcast_in_dim3A_356 : vector<32x1xf32> to vector<32x49xf32>
    %eq3A_358 = arith.cmpf oeq, %select_n3A_353, %eq3A_357 : vector<32x49xf32>
    %jit3A_359 = arith.constant 49 : i32
    %broadcast_in_dim3A_360 = vector.broadcast %jit3A_359 : i32 to vector<32x49xi32>
    %select_n3A_361 = arith.select %eq3A_358, %iota3A, %broadcast_in_dim3A_360 : vector<32x49xi1>, vector<32x49xi32>
    %reduce_min3A_362 = arith.constant dense<2147483647> : vector<32xi32>
    %reduce_min3A_363 = vector.multi_reduction <minsi>, %select_n3A_361, %reduce_min3A_362 [1] : vector<32x49xi32> to vector<32xi32>
    %broadcast_in_dim3A_364 = vector.shape_cast %reduce_min3A_363 : vector<32xi32> to vector<32x1xi32>
    %eq3A_365 = vector.broadcast %broadcast_in_dim3A_364 : vector<32x1xi32> to vector<32x49xi32>
    %eq3A_366 = arith.cmpi eq, %iota3A, %eq3A_365 : vector<32x49xi32>
    %jit3A_367 = arith.constant 1.000000e+00 : f32
    %broadcast_in_dim3A_368 = vector.broadcast %jit3A_367 : f32 to vector<32x49xf32>
    %select_n3A_369 = arith.select %eq3A_366, %broadcast_in_dim3A_368, %select_n3A_350 : vector<32x49xi1>, vector<32x49xf32>
    %jit3A_370 = arith.constant 3.000000e+38 : f32
    %broadcast_in_dim3A_371 = vector.broadcast %jit3A_370 : f32 to vector<32x49xf32>
    %select_n3A_372 = arith.select %eq3A_366, %broadcast_in_dim3A_371, %select_n3A_353 : vector<32x49xi1>, vector<32x49xf32>
    %reduce_min3A_373 = arith.constant dense<0x7F800000> : vector<32xf32>
    %reduce_min3A_374 = vector.multi_reduction <minimumf>, %select_n3A_372, %reduce_min3A_373 [1] : vector<32x49xf32> to vector<32xf32>
    %broadcast_in_dim3A_375 = vector.shape_cast %reduce_min3A_374 : vector<32xf32> to vector<32x1xf32>
    %eq3A_376 = vector.broadcast %broadcast_in_dim3A_375 : vector<32x1xf32> to vector<32x49xf32>
    %eq3A_377 = arith.cmpf oeq, %select_n3A_372, %eq3A_376 : vector<32x49xf32>
    %jit3A_378 = arith.constant 49 : i32
    %broadcast_in_dim3A_379 = vector.broadcast %jit3A_378 : i32 to vector<32x49xi32>
    %select_n3A_380 = arith.select %eq3A_377, %iota3A, %broadcast_in_dim3A_379 : vector<32x49xi1>, vector<32x49xi32>
    %reduce_min3A_381 = arith.constant dense<2147483647> : vector<32xi32>
    %reduce_min3A_382 = vector.multi_reduction <minsi>, %select_n3A_380, %reduce_min3A_381 [1] : vector<32x49xi32> to vector<32xi32>
    %broadcast_in_dim3A_383 = vector.shape_cast %reduce_min3A_382 : vector<32xi32> to vector<32x1xi32>
    %eq3A_384 = vector.broadcast %broadcast_in_dim3A_383 : vector<32x1xi32> to vector<32x49xi32>
    %eq3A_385 = arith.cmpi eq, %iota3A, %eq3A_384 : vector<32x49xi32>
    %jit3A_386 = arith.constant 1.000000e+00 : f32
    %broadcast_in_dim3A_387 = vector.broadcast %jit3A_386 : f32 to vector<32x49xf32>
    %select_n3A_388 = arith.select %eq3A_385, %broadcast_in_dim3A_387, %select_n3A_369 : vector<32x49xi1>, vector<32x49xf32>
    %jit3A_389 = arith.constant 7 : i32
    %div3A_390 = vector.broadcast %jit3A_389 : i32 to vector<32x1xi32>
    %div3A_391 = arith.divsi %broadcast_in_dim3A_383, %div3A_390 : vector<32x1xi32>
    %sign3A_392 = arith.constant 0 : i32
    %sign3A_393 = vector.broadcast %sign3A_392 : i32 to vector<32x1xi32>
    %sign3A_394 = arith.cmpi sgt, %broadcast_in_dim3A_383, %sign3A_393 : vector<32x1xi32>
    %sign3A_395 = arith.extui %sign3A_394 : vector<32x1xi1> to vector<32x1xi32>
    %sign3A_396 = arith.constant 0 : i32
    %sign3A_397 = vector.broadcast %sign3A_396 : i32 to vector<32x1xi32>
    %sign3A_398 = arith.cmpi slt, %broadcast_in_dim3A_383, %sign3A_397 : vector<32x1xi32>
    %sign3A_399 = arith.extui %sign3A_398 : vector<32x1xi1> to vector<32x1xi32>
    %sign3A_400 = arith.subi %sign3A_395, %sign3A_399 : vector<32x1xi32>
    %sign3A_401 = arith.constant 0 : i32
    %sign3A_402 = arith.cmpi sgt, %jit3A_389, %sign3A_401 : i32
    %sign3A_403 = arith.extui %sign3A_402 : i1 to i32
    %sign3A_404 = arith.constant 0 : i32
    %sign3A_405 = arith.cmpi slt, %jit3A_389, %sign3A_404 : i32
    %sign3A_406 = arith.extui %sign3A_405 : i1 to i32
    %sign3A_407 = arith.subi %sign3A_403, %sign3A_406 : i32
    %ne3A_408 = vector.broadcast %sign3A_407 : i32 to vector<32x1xi32>
    %ne3A_409 = arith.cmpi ne, %sign3A_400, %ne3A_408 : vector<32x1xi32>
    %rem3A_410 = vector.broadcast %jit3A_389 : i32 to vector<32x1xi32>
    %rem3A_411 = arith.remsi %broadcast_in_dim3A_383, %rem3A_410 : vector<32x1xi32>
    %ne3A_412 = arith.constant 0 : i32
    %ne3A_413 = vector.broadcast %ne3A_412 : i32 to vector<32x1xi32>
    %ne3A_414 = arith.cmpi ne, %rem3A_411, %ne3A_413 : vector<32x1xi32>
    %and3A_415 = arith.andi %ne3A_409, %ne3A_414 : vector<32x1xi1>
    %sub3A_416 = arith.constant 1 : i32
    %sub3A_417 = vector.broadcast %sub3A_416 : i32 to vector<32x1xi32>
    %sub3A_418 = arith.subi %div3A_391, %sub3A_417 : vector<32x1xi32>
    %select_n3A_419 = arith.select %and3A_415, %sub3A_418, %div3A_391 : vector<32x1xi1>, vector<32x1xi32>
    %add3A_420 = arith.addi %min3A_109, %select_n3A_419 : vector<32x1xi32>
    %mul3A_421 = arith.constant 80 : i32
    %mul3A_422 = vector.broadcast %mul3A_421 : i32 to vector<32x1xi32>
    %mul3A_423 = arith.muli %add3A_420, %mul3A_422 : vector<32x1xi32>
    %jit3A_424 = arith.constant 7 : i32
    %eq3A_425 = arith.constant 0 : i32
    %eq3A_426 = arith.cmpi eq, %jit3A_424, %eq3A_425 : i32
    %jit3A_427 = arith.constant 1 : i32
    %select_n3A_428 = arith.select %eq3A_426, %jit3A_427, %jit3A_424 : i32
    %rem3A_429 = vector.broadcast %select_n3A_428 : i32 to vector<32x1xi32>
    %rem3A_430 = arith.remsi %broadcast_in_dim3A_383, %rem3A_429 : vector<32x1xi32>
    %ne3A_431 = arith.constant 0 : i32
    %ne3A_432 = vector.broadcast %ne3A_431 : i32 to vector<32x1xi32>
    %ne3A_433 = arith.cmpi ne, %rem3A_430, %ne3A_432 : vector<32x1xi32>
    %lt3A_434 = arith.constant 0 : i32
    %lt3A_435 = vector.broadcast %lt3A_434 : i32 to vector<32x1xi32>
    %lt3A_436 = arith.cmpi slt, %rem3A_430, %lt3A_435 : vector<32x1xi32>
    %lt3A_437 = arith.constant 0 : i32
    %lt3A_438 = arith.cmpi slt, %select_n3A_428, %lt3A_437 : i32
    %ne3A_439 = vector.broadcast %lt3A_438 : i1 to vector<32x1xi1>
    %ne3A_440 = vector.broadcast %ne3A_439 : vector<32x1xi1> to vector<32x1xi1>
    %ne3A_441 = arith.xori %lt3A_436, %ne3A_440 : vector<32x1xi1>
    %and3A_442 = arith.andi %ne3A_441, %ne3A_433 : vector<32x1xi1>
    %add3A_443 = vector.broadcast %select_n3A_428 : i32 to vector<32x1xi32>
    %add3A_444 = arith.addi %rem3A_430, %add3A_443 : vector<32x1xi32>
    %select_n3A_445 = arith.select %and3A_442, %add3A_444, %rem3A_430 : vector<32x1xi1>, vector<32x1xi32>
    %add3A_446 = arith.addi %min3A_100, %select_n3A_445 : vector<32x1xi32>
    %add3A_447 = arith.addi %mul3A_423, %add3A_446 : vector<32x1xi32>
    %slice3A_448 = vector.extract_strided_slice %sqrt3A {offsets = [0, 0], sizes = [32, 6400], strides = [1, 1]} : vector<32x8400xf32> to vector<32x6400xf32>
    %iota3A_449 = tpu.iota {dimensions = array<i32: 1>} : vector<32x6400xi32>
    %lt3A_450 = vector.broadcast %broadcast_in_dim3A_375 : vector<32x1xf32> to vector<32x6400xf32>
    %lt3A_451 = arith.cmpf olt, %slice3A_448, %lt3A_450 : vector<32x6400xf32>
    %eq3A_452 = vector.broadcast %broadcast_in_dim3A_375 : vector<32x1xf32> to vector<32x6400xf32>
    %eq3A_453 = arith.cmpf oeq, %slice3A_448, %eq3A_452 : vector<32x6400xf32>
    %le3A = vector.broadcast %add3A_447 : vector<32x1xi32> to vector<32x6400xi32>
    %le3A_454 = arith.cmpi sle, %iota3A_449, %le3A : vector<32x6400xi32>
    %and3A_455 = arith.andi %eq3A_453, %le3A_454 : vector<32x6400xi1>
    %or3A = arith.ori %lt3A_451, %and3A_455 : vector<32x6400xi1>
    %jit3A_456 = arith.constant 0.000000e+00 : f32
    %broadcast_in_dim3A_457 = vector.shape_cast %get3A_77 : vector<32x1xf32> to vector<32x1xf32>
    %broadcast_in_dim3A_458 = vector.broadcast %broadcast_in_dim3A_457 : vector<32x1xf32> to vector<32x6400xf32>
    %broadcast_in_dim3A_459 = vector.broadcast %jit3A_456 : f32 to vector<32x6400xf32>
    %select_n3A_460 = arith.select %or3A, %broadcast_in_dim3A_458, %broadcast_in_dim3A_459 : vector<32x6400xi1>, vector<32x6400xf32>
    %mul3A_461 = arith.mulf %select_n3A_388, %div3A_219 : vector<32x49xf32>
    %reduce_sum3A = arith.constant dense<0.000000e+00> : vector<32xf32>
    %reduce_sum3A_462 = vector.multi_reduction <add>, %mul3A_461, %reduce_sum3A [1] : vector<32x49xf32> to vector<32xf32>
    %broadcast_in_dim3A_463 = vector.shape_cast %reduce_sum3A_462 : vector<32xf32> to vector<32x1xf32>
    %add3A_464 = arith.addf %broadcast_in_dim3A_78, %broadcast_in_dim3A_463 : vector<32x1xf32>
    %mul3A_465 = arith.constant 6.250000e-02 : f32
    %mul3A_466 = vector.broadcast %mul3A_465 : f32 to vector<32x1xf32>
    %mul3A_467 = arith.mulf %mul3A_28, %mul3A_466 : vector<32x1xf32>
    %sub3A_468 = arith.constant 5.000000e-01 : f32
    %sub3A_469 = vector.broadcast %sub3A_468 : f32 to vector<32x1xf32>
    %sub3A_470 = arith.subf %mul3A_467, %sub3A_469 : vector<32x1xf32>
    %round3A_471 = math.roundeven %sub3A_470 : vector<32x1xf32>
    %convert_element_type3A_472 = arith.fptosi %round3A_471 : vector<32x1xf32> to vector<32x1xi32>
    %mul3A_473 = arith.constant 6.250000e-02 : f32
    %mul3A_474 = vector.broadcast %mul3A_473 : f32 to vector<32x1xf32>
    %mul3A_475 = arith.mulf %mul3A_32, %mul3A_474 : vector<32x1xf32>
    %sub3A_476 = arith.constant 5.000000e-01 : f32
    %sub3A_477 = vector.broadcast %sub3A_476 : f32 to vector<32x1xf32>
    %sub3A_478 = arith.subf %mul3A_475, %sub3A_477 : vector<32x1xf32>
    %round3A_479 = math.roundeven %sub3A_478 : vector<32x1xf32>
    %convert_element_type3A_480 = arith.fptosi %round3A_479 : vector<32x1xf32> to vector<32x1xi32>
    %sub3A_481 = arith.constant 3 : i32
    %sub3A_482 = vector.broadcast %sub3A_481 : i32 to vector<32x1xi32>
    %sub3A_483 = arith.subi %convert_element_type3A_472, %sub3A_482 : vector<32x1xi32>
    %jit3A_484 = arith.constant 0 : i32
    %jit3A_485 = arith.constant 33 : i32
    %max3A_486 = vector.broadcast %jit3A_484 : i32 to vector<32x1xi32>
    %max3A_487 = arith.maxsi %max3A_486, %sub3A_483 : vector<32x1xi32>
    %min3A_488 = vector.broadcast %jit3A_485 : i32 to vector<32x1xi32>
    %min3A_489 = arith.minsi %min3A_488, %max3A_487 : vector<32x1xi32>
    %sub3A_490 = arith.constant 3 : i32
    %sub3A_491 = vector.broadcast %sub3A_490 : i32 to vector<32x1xi32>
    %sub3A_492 = arith.subi %convert_element_type3A_480, %sub3A_491 : vector<32x1xi32>
    %jit3A_493 = arith.constant 0 : i32
    %jit3A_494 = arith.constant 33 : i32
    %max3A_495 = vector.broadcast %jit3A_493 : i32 to vector<32x1xi32>
    %max3A_496 = arith.maxsi %max3A_495, %sub3A_492 : vector<32x1xi32>
    %min3A_497 = vector.broadcast %jit3A_494 : i32 to vector<32x1xi32>
    %min3A_498 = arith.minsi %min3A_497, %max3A_496 : vector<32x1xi32>
    %iota3A_499 = tpu.iota {dimensions = array<i32: 1>} : vector<32x49xi32>
    %jit3A_500 = arith.constant 7 : i32
    %eq3A_501 = arith.constant 0 : i32
    %eq3A_502 = arith.cmpi eq, %jit3A_500, %eq3A_501 : i32
    %jit3A_503 = arith.constant 1 : i32
    %select_n3A_504 = arith.select %eq3A_502, %jit3A_503, %jit3A_500 : i32
    %rem3A_505 = vector.broadcast %select_n3A_504 : i32 to vector<32x49xi32>
    %rem3A_506 = arith.remsi %iota3A_499, %rem3A_505 : vector<32x49xi32>
    %ne3A_507 = arith.constant 0 : i32
    %ne3A_508 = vector.broadcast %ne3A_507 : i32 to vector<32x49xi32>
    %ne3A_509 = arith.cmpi ne, %rem3A_506, %ne3A_508 : vector<32x49xi32>
    %lt3A_510 = arith.constant 0 : i32
    %lt3A_511 = vector.broadcast %lt3A_510 : i32 to vector<32x49xi32>
    %lt3A_512 = arith.cmpi slt, %rem3A_506, %lt3A_511 : vector<32x49xi32>
    %lt3A_513 = arith.constant 0 : i32
    %lt3A_514 = arith.cmpi slt, %select_n3A_504, %lt3A_513 : i32
    %ne3A_515 = vector.broadcast %lt3A_514 : i1 to vector<32x49xi1>
    %ne3A_516 = vector.broadcast %ne3A_515 : vector<32x49xi1> to vector<32x49xi1>
    %ne3A_517 = arith.xori %lt3A_512, %ne3A_516 : vector<32x49xi1>
    %and3A_518 = arith.andi %ne3A_517, %ne3A_509 : vector<32x49xi1>
    %add3A_519 = vector.broadcast %select_n3A_504 : i32 to vector<32x49xi32>
    %add3A_520 = arith.addi %rem3A_506, %add3A_519 : vector<32x49xi32>
    %select_n3A_521 = arith.select %and3A_518, %add3A_520, %rem3A_506 : vector<32x49xi1>, vector<32x49xi32>
    %add3A_522 = vector.broadcast %min3A_489 : vector<32x1xi32> to vector<32x49xi32>
    %add3A_523 = arith.addi %add3A_522, %select_n3A_521 : vector<32x49xi32>
    %jit3A_524 = arith.constant 7 : i32
    %div3A_525 = vector.broadcast %jit3A_524 : i32 to vector<32x49xi32>
    %div3A_526 = arith.divsi %iota3A_499, %div3A_525 : vector<32x49xi32>
    %sign3A_527 = arith.constant 0 : i32
    %sign3A_528 = vector.broadcast %sign3A_527 : i32 to vector<32x49xi32>
    %sign3A_529 = arith.cmpi sgt, %iota3A_499, %sign3A_528 : vector<32x49xi32>
    %sign3A_530 = arith.extui %sign3A_529 : vector<32x49xi1> to vector<32x49xi32>
    %sign3A_531 = arith.constant 0 : i32
    %sign3A_532 = vector.broadcast %sign3A_531 : i32 to vector<32x49xi32>
    %sign3A_533 = arith.cmpi slt, %iota3A_499, %sign3A_532 : vector<32x49xi32>
    %sign3A_534 = arith.extui %sign3A_533 : vector<32x49xi1> to vector<32x49xi32>
    %sign3A_535 = arith.subi %sign3A_530, %sign3A_534 : vector<32x49xi32>
    %sign3A_536 = arith.constant 0 : i32
    %sign3A_537 = arith.cmpi sgt, %jit3A_524, %sign3A_536 : i32
    %sign3A_538 = arith.extui %sign3A_537 : i1 to i32
    %sign3A_539 = arith.constant 0 : i32
    %sign3A_540 = arith.cmpi slt, %jit3A_524, %sign3A_539 : i32
    %sign3A_541 = arith.extui %sign3A_540 : i1 to i32
    %sign3A_542 = arith.subi %sign3A_538, %sign3A_541 : i32
    %ne3A_543 = vector.broadcast %sign3A_542 : i32 to vector<32x49xi32>
    %ne3A_544 = arith.cmpi ne, %sign3A_535, %ne3A_543 : vector<32x49xi32>
    %rem3A_545 = vector.broadcast %jit3A_524 : i32 to vector<32x49xi32>
    %rem3A_546 = arith.remsi %iota3A_499, %rem3A_545 : vector<32x49xi32>
    %ne3A_547 = arith.constant 0 : i32
    %ne3A_548 = vector.broadcast %ne3A_547 : i32 to vector<32x49xi32>
    %ne3A_549 = arith.cmpi ne, %rem3A_546, %ne3A_548 : vector<32x49xi32>
    %and3A_550 = arith.andi %ne3A_544, %ne3A_549 : vector<32x49xi1>
    %sub3A_551 = arith.constant 1 : i32
    %sub3A_552 = vector.broadcast %sub3A_551 : i32 to vector<32x49xi32>
    %sub3A_553 = arith.subi %div3A_526, %sub3A_552 : vector<32x49xi32>
    %select_n3A_554 = arith.select %and3A_550, %sub3A_553, %div3A_526 : vector<32x49xi1>, vector<32x49xi32>
    %add3A_555 = vector.broadcast %min3A_498 : vector<32x1xi32> to vector<32x49xi32>
    %add3A_556 = arith.addi %add3A_555, %select_n3A_554 : vector<32x49xi32>
    %convert_element_type3A_557 = arith.sitofp %add3A_523 : vector<32x49xi32> to vector<32x49xf32>
    %add3A_558 = arith.constant 5.000000e-01 : f32
    %add3A_559 = vector.broadcast %add3A_558 : f32 to vector<32x49xf32>
    %add3A_560 = arith.addf %convert_element_type3A_557, %add3A_559 : vector<32x49xf32>
    %mul3A_561 = arith.constant 1.600000e+01 : f32
    %mul3A_562 = vector.broadcast %mul3A_561 : f32 to vector<32x49xf32>
    %mul3A_563 = arith.mulf %add3A_560, %mul3A_562 : vector<32x49xf32>
    %convert_element_type3A_564 = arith.sitofp %add3A_556 : vector<32x49xi32> to vector<32x49xf32>
    %add3A_565 = arith.constant 5.000000e-01 : f32
    %add3A_566 = vector.broadcast %add3A_565 : f32 to vector<32x49xf32>
    %add3A_567 = arith.addf %convert_element_type3A_564, %add3A_566 : vector<32x49xf32>
    %mul3A_568 = arith.constant 1.600000e+01 : f32
    %mul3A_569 = vector.broadcast %mul3A_568 : f32 to vector<32x49xf32>
    %mul3A_570 = arith.mulf %add3A_567, %mul3A_569 : vector<32x49xf32>
    %sub3A_571 = vector.broadcast %mul3A_28 : vector<32x1xf32> to vector<32x49xf32>
    %sub3A_572 = arith.subf %sub3A_571, %mul3A_563 : vector<32x49xf32>
    %sub3A_573 = vector.broadcast %mul3A_32 : vector<32x1xf32> to vector<32x49xf32>
    %sub3A_574 = arith.subf %sub3A_573, %mul3A_570 : vector<32x49xf32>
    %mul3A_575 = arith.mulf %sub3A_572, %sub3A_572 : vector<32x49xf32>
    %mul3A_576 = arith.mulf %sub3A_574, %sub3A_574 : vector<32x49xf32>
    %add3A_577 = arith.addf %mul3A_575, %mul3A_576 : vector<32x49xf32>
    %sqrt3A_578 = math.sqrt %add3A_577 : vector<32x49xf32>
    %add3A_579 = arith.constant 4.000000e+01 : f32
    %add3A_580 = vector.broadcast %add3A_579 : f32 to vector<32x49xf32>
    %add3A_581 = arith.addf %mul3A_563, %add3A_580 : vector<32x49xf32>
    %min3A_582 = vector.broadcast %slice3A_23 : vector<32x1xf32> to vector<32x49xf32>
    %min3A_583 = arith.minimumf %min3A_582, %add3A_581 : vector<32x49xf32>
    %sub3A_584 = arith.constant 4.000000e+01 : f32
    %sub3A_585 = vector.broadcast %sub3A_584 : f32 to vector<32x49xf32>
    %sub3A_586 = arith.subf %mul3A_563, %sub3A_585 : vector<32x49xf32>
    %max3A_587 = vector.broadcast %slice3A : vector<32x1xf32> to vector<32x49xf32>
    %max3A_588 = arith.maximumf %max3A_587, %sub3A_586 : vector<32x49xf32>
    %sub3A_589 = arith.subf %min3A_583, %max3A_588 : vector<32x49xf32>
    %max3A_590 = arith.constant 0.000000e+00 : f32
    %max3A_591 = vector.broadcast %max3A_590 : f32 to vector<32x49xf32>
    %max3A_592 = arith.maximumf %sub3A_589, %max3A_591 : vector<32x49xf32>
    %add3A_593 = arith.constant 4.000000e+01 : f32
    %add3A_594 = vector.broadcast %add3A_593 : f32 to vector<32x49xf32>
    %add3A_595 = arith.addf %mul3A_570, %add3A_594 : vector<32x49xf32>
    %min3A_596 = vector.broadcast %slice3A_24 : vector<32x1xf32> to vector<32x49xf32>
    %min3A_597 = arith.minimumf %min3A_596, %add3A_595 : vector<32x49xf32>
    %sub3A_598 = arith.constant 4.000000e+01 : f32
    %sub3A_599 = vector.broadcast %sub3A_598 : f32 to vector<32x49xf32>
    %sub3A_600 = arith.subf %mul3A_570, %sub3A_599 : vector<32x49xf32>
    %max3A_601 = vector.broadcast %slice3A_22 : vector<32x1xf32> to vector<32x49xf32>
    %max3A_602 = arith.maximumf %max3A_601, %sub3A_600 : vector<32x49xf32>
    %sub3A_603 = arith.subf %min3A_597, %max3A_602 : vector<32x49xf32>
    %max3A_604 = arith.constant 0.000000e+00 : f32
    %max3A_605 = vector.broadcast %max3A_604 : f32 to vector<32x49xf32>
    %max3A_606 = arith.maximumf %sub3A_603, %max3A_605 : vector<32x49xf32>
    %mul3A_607 = arith.mulf %max3A_592, %max3A_606 : vector<32x49xf32>
    %add3A_608 = arith.constant 6.400000e+03 : f32
    %add3A_609 = vector.broadcast %add3A_608 : f32 to vector<32x1xf32>
    %add3A_610 = arith.addf %mul3A_62, %add3A_609 : vector<32x1xf32>
    %sub3A_611 = vector.broadcast %add3A_610 : vector<32x1xf32> to vector<32x49xf32>
    %sub3A_612 = arith.subf %sub3A_611, %mul3A_607 : vector<32x49xf32>
    %max3A_613 = arith.constant 9.99999997E-7 : f32
    %max3A_614 = vector.broadcast %max3A_613 : f32 to vector<32x49xf32>
    %max3A_615 = arith.maximumf %sub3A_612, %max3A_614 : vector<32x49xf32>
    %div3A_616 = arith.divf %mul3A_607, %max3A_615 : vector<32x49xf32>
    %broadcast_in_dim3A_617 = arith.constant 0.000000e+00 : f32
    %broadcast_in_dim3A_618 = vector.broadcast %broadcast_in_dim3A_617 : f32 to vector<32x49xf32>
    %reduce_min3A_619 = arith.constant dense<0x7F800000> : vector<32xf32>
    %reduce_min3A_620 = vector.multi_reduction <minimumf>, %sqrt3A_578, %reduce_min3A_619 [1] : vector<32x49xf32> to vector<32xf32>
    %broadcast_in_dim3A_621 = vector.shape_cast %reduce_min3A_620 : vector<32xf32> to vector<32x1xf32>
    %eq3A_622 = vector.broadcast %broadcast_in_dim3A_621 : vector<32x1xf32> to vector<32x49xf32>
    %eq3A_623 = arith.cmpf oeq, %sqrt3A_578, %eq3A_622 : vector<32x49xf32>
    %jit3A_624 = arith.constant 49 : i32
    %broadcast_in_dim3A_625 = vector.broadcast %jit3A_624 : i32 to vector<32x49xi32>
    %select_n3A_626 = arith.select %eq3A_623, %iota3A_499, %broadcast_in_dim3A_625 : vector<32x49xi1>, vector<32x49xi32>
    %reduce_min3A_627 = arith.constant dense<2147483647> : vector<32xi32>
    %reduce_min3A_628 = vector.multi_reduction <minsi>, %select_n3A_626, %reduce_min3A_627 [1] : vector<32x49xi32> to vector<32xi32>
    %broadcast_in_dim3A_629 = vector.shape_cast %reduce_min3A_628 : vector<32xi32> to vector<32x1xi32>
    %eq3A_630 = vector.broadcast %broadcast_in_dim3A_629 : vector<32x1xi32> to vector<32x49xi32>
    %eq3A_631 = arith.cmpi eq, %iota3A_499, %eq3A_630 : vector<32x49xi32>
    %jit3A_632 = arith.constant 1.000000e+00 : f32
    %broadcast_in_dim3A_633 = vector.broadcast %jit3A_632 : f32 to vector<32x49xf32>
    %select_n3A_634 = arith.select %eq3A_631, %broadcast_in_dim3A_633, %broadcast_in_dim3A_618 : vector<32x49xi1>, vector<32x49xf32>
    %jit3A_635 = arith.constant 3.000000e+38 : f32
    %broadcast_in_dim3A_636 = vector.broadcast %jit3A_635 : f32 to vector<32x49xf32>
    %select_n3A_637 = arith.select %eq3A_631, %broadcast_in_dim3A_636, %sqrt3A_578 : vector<32x49xi1>, vector<32x49xf32>
    %reduce_min3A_638 = arith.constant dense<0x7F800000> : vector<32xf32>
    %reduce_min3A_639 = vector.multi_reduction <minimumf>, %select_n3A_637, %reduce_min3A_638 [1] : vector<32x49xf32> to vector<32xf32>
    %broadcast_in_dim3A_640 = vector.shape_cast %reduce_min3A_639 : vector<32xf32> to vector<32x1xf32>
    %eq3A_641 = vector.broadcast %broadcast_in_dim3A_640 : vector<32x1xf32> to vector<32x49xf32>
    %eq3A_642 = arith.cmpf oeq, %select_n3A_637, %eq3A_641 : vector<32x49xf32>
    %jit3A_643 = arith.constant 49 : i32
    %broadcast_in_dim3A_644 = vector.broadcast %jit3A_643 : i32 to vector<32x49xi32>
    %select_n3A_645 = arith.select %eq3A_642, %iota3A_499, %broadcast_in_dim3A_644 : vector<32x49xi1>, vector<32x49xi32>
    %reduce_min3A_646 = arith.constant dense<2147483647> : vector<32xi32>
    %reduce_min3A_647 = vector.multi_reduction <minsi>, %select_n3A_645, %reduce_min3A_646 [1] : vector<32x49xi32> to vector<32xi32>
    %broadcast_in_dim3A_648 = vector.shape_cast %reduce_min3A_647 : vector<32xi32> to vector<32x1xi32>
    %eq3A_649 = vector.broadcast %broadcast_in_dim3A_648 : vector<32x1xi32> to vector<32x49xi32>
    %eq3A_650 = arith.cmpi eq, %iota3A_499, %eq3A_649 : vector<32x49xi32>
    %jit3A_651 = arith.constant 1.000000e+00 : f32
    %broadcast_in_dim3A_652 = vector.broadcast %jit3A_651 : f32 to vector<32x49xf32>
    %select_n3A_653 = arith.select %eq3A_650, %broadcast_in_dim3A_652, %select_n3A_634 : vector<32x49xi1>, vector<32x49xf32>
    %jit3A_654 = arith.constant 3.000000e+38 : f32
    %broadcast_in_dim3A_655 = vector.broadcast %jit3A_654 : f32 to vector<32x49xf32>
    %select_n3A_656 = arith.select %eq3A_650, %broadcast_in_dim3A_655, %select_n3A_637 : vector<32x49xi1>, vector<32x49xf32>
    %reduce_min3A_657 = arith.constant dense<0x7F800000> : vector<32xf32>
    %reduce_min3A_658 = vector.multi_reduction <minimumf>, %select_n3A_656, %reduce_min3A_657 [1] : vector<32x49xf32> to vector<32xf32>
    %broadcast_in_dim3A_659 = vector.shape_cast %reduce_min3A_658 : vector<32xf32> to vector<32x1xf32>
    %eq3A_660 = vector.broadcast %broadcast_in_dim3A_659 : vector<32x1xf32> to vector<32x49xf32>
    %eq3A_661 = arith.cmpf oeq, %select_n3A_656, %eq3A_660 : vector<32x49xf32>
    %jit3A_662 = arith.constant 49 : i32
    %broadcast_in_dim3A_663 = vector.broadcast %jit3A_662 : i32 to vector<32x49xi32>
    %select_n3A_664 = arith.select %eq3A_661, %iota3A_499, %broadcast_in_dim3A_663 : vector<32x49xi1>, vector<32x49xi32>
    %reduce_min3A_665 = arith.constant dense<2147483647> : vector<32xi32>
    %reduce_min3A_666 = vector.multi_reduction <minsi>, %select_n3A_664, %reduce_min3A_665 [1] : vector<32x49xi32> to vector<32xi32>
    %broadcast_in_dim3A_667 = vector.shape_cast %reduce_min3A_666 : vector<32xi32> to vector<32x1xi32>
    %eq3A_668 = vector.broadcast %broadcast_in_dim3A_667 : vector<32x1xi32> to vector<32x49xi32>
    %eq3A_669 = arith.cmpi eq, %iota3A_499, %eq3A_668 : vector<32x49xi32>
    %jit3A_670 = arith.constant 1.000000e+00 : f32
    %broadcast_in_dim3A_671 = vector.broadcast %jit3A_670 : f32 to vector<32x49xf32>
    %select_n3A_672 = arith.select %eq3A_669, %broadcast_in_dim3A_671, %select_n3A_653 : vector<32x49xi1>, vector<32x49xf32>
    %jit3A_673 = arith.constant 3.000000e+38 : f32
    %broadcast_in_dim3A_674 = vector.broadcast %jit3A_673 : f32 to vector<32x49xf32>
    %select_n3A_675 = arith.select %eq3A_669, %broadcast_in_dim3A_674, %select_n3A_656 : vector<32x49xi1>, vector<32x49xf32>
    %reduce_min3A_676 = arith.constant dense<0x7F800000> : vector<32xf32>
    %reduce_min3A_677 = vector.multi_reduction <minimumf>, %select_n3A_675, %reduce_min3A_676 [1] : vector<32x49xf32> to vector<32xf32>
    %broadcast_in_dim3A_678 = vector.shape_cast %reduce_min3A_677 : vector<32xf32> to vector<32x1xf32>
    %eq3A_679 = vector.broadcast %broadcast_in_dim3A_678 : vector<32x1xf32> to vector<32x49xf32>
    %eq3A_680 = arith.cmpf oeq, %select_n3A_675, %eq3A_679 : vector<32x49xf32>
    %jit3A_681 = arith.constant 49 : i32
    %broadcast_in_dim3A_682 = vector.broadcast %jit3A_681 : i32 to vector<32x49xi32>
    %select_n3A_683 = arith.select %eq3A_680, %iota3A_499, %broadcast_in_dim3A_682 : vector<32x49xi1>, vector<32x49xi32>
    %reduce_min3A_684 = arith.constant dense<2147483647> : vector<32xi32>
    %reduce_min3A_685 = vector.multi_reduction <minsi>, %select_n3A_683, %reduce_min3A_684 [1] : vector<32x49xi32> to vector<32xi32>
    %broadcast_in_dim3A_686 = vector.shape_cast %reduce_min3A_685 : vector<32xi32> to vector<32x1xi32>
    %eq3A_687 = vector.broadcast %broadcast_in_dim3A_686 : vector<32x1xi32> to vector<32x49xi32>
    %eq3A_688 = arith.cmpi eq, %iota3A_499, %eq3A_687 : vector<32x49xi32>
    %jit3A_689 = arith.constant 1.000000e+00 : f32
    %broadcast_in_dim3A_690 = vector.broadcast %jit3A_689 : f32 to vector<32x49xf32>
    %select_n3A_691 = arith.select %eq3A_688, %broadcast_in_dim3A_690, %select_n3A_672 : vector<32x49xi1>, vector<32x49xf32>
    %jit3A_692 = arith.constant 3.000000e+38 : f32
    %broadcast_in_dim3A_693 = vector.broadcast %jit3A_692 : f32 to vector<32x49xf32>
    %select_n3A_694 = arith.select %eq3A_688, %broadcast_in_dim3A_693, %select_n3A_675 : vector<32x49xi1>, vector<32x49xf32>
    %reduce_min3A_695 = arith.constant dense<0x7F800000> : vector<32xf32>
    %reduce_min3A_696 = vector.multi_reduction <minimumf>, %select_n3A_694, %reduce_min3A_695 [1] : vector<32x49xf32> to vector<32xf32>
    %broadcast_in_dim3A_697 = vector.shape_cast %reduce_min3A_696 : vector<32xf32> to vector<32x1xf32>
    %eq3A_698 = vector.broadcast %broadcast_in_dim3A_697 : vector<32x1xf32> to vector<32x49xf32>
    %eq3A_699 = arith.cmpf oeq, %select_n3A_694, %eq3A_698 : vector<32x49xf32>
    %jit3A_700 = arith.constant 49 : i32
    %broadcast_in_dim3A_701 = vector.broadcast %jit3A_700 : i32 to vector<32x49xi32>
    %select_n3A_702 = arith.select %eq3A_699, %iota3A_499, %broadcast_in_dim3A_701 : vector<32x49xi1>, vector<32x49xi32>
    %reduce_min3A_703 = arith.constant dense<2147483647> : vector<32xi32>
    %reduce_min3A_704 = vector.multi_reduction <minsi>, %select_n3A_702, %reduce_min3A_703 [1] : vector<32x49xi32> to vector<32xi32>
    %broadcast_in_dim3A_705 = vector.shape_cast %reduce_min3A_704 : vector<32xi32> to vector<32x1xi32>
    %eq3A_706 = vector.broadcast %broadcast_in_dim3A_705 : vector<32x1xi32> to vector<32x49xi32>
    %eq3A_707 = arith.cmpi eq, %iota3A_499, %eq3A_706 : vector<32x49xi32>
    %jit3A_708 = arith.constant 1.000000e+00 : f32
    %broadcast_in_dim3A_709 = vector.broadcast %jit3A_708 : f32 to vector<32x49xf32>
    %select_n3A_710 = arith.select %eq3A_707, %broadcast_in_dim3A_709, %select_n3A_691 : vector<32x49xi1>, vector<32x49xf32>
    %jit3A_711 = arith.constant 3.000000e+38 : f32
    %broadcast_in_dim3A_712 = vector.broadcast %jit3A_711 : f32 to vector<32x49xf32>
    %select_n3A_713 = arith.select %eq3A_707, %broadcast_in_dim3A_712, %select_n3A_694 : vector<32x49xi1>, vector<32x49xf32>
    %reduce_min3A_714 = arith.constant dense<0x7F800000> : vector<32xf32>
    %reduce_min3A_715 = vector.multi_reduction <minimumf>, %select_n3A_713, %reduce_min3A_714 [1] : vector<32x49xf32> to vector<32xf32>
    %broadcast_in_dim3A_716 = vector.shape_cast %reduce_min3A_715 : vector<32xf32> to vector<32x1xf32>
    %eq3A_717 = vector.broadcast %broadcast_in_dim3A_716 : vector<32x1xf32> to vector<32x49xf32>
    %eq3A_718 = arith.cmpf oeq, %select_n3A_713, %eq3A_717 : vector<32x49xf32>
    %jit3A_719 = arith.constant 49 : i32
    %broadcast_in_dim3A_720 = vector.broadcast %jit3A_719 : i32 to vector<32x49xi32>
    %select_n3A_721 = arith.select %eq3A_718, %iota3A_499, %broadcast_in_dim3A_720 : vector<32x49xi1>, vector<32x49xi32>
    %reduce_min3A_722 = arith.constant dense<2147483647> : vector<32xi32>
    %reduce_min3A_723 = vector.multi_reduction <minsi>, %select_n3A_721, %reduce_min3A_722 [1] : vector<32x49xi32> to vector<32xi32>
    %broadcast_in_dim3A_724 = vector.shape_cast %reduce_min3A_723 : vector<32xi32> to vector<32x1xi32>
    %eq3A_725 = vector.broadcast %broadcast_in_dim3A_724 : vector<32x1xi32> to vector<32x49xi32>
    %eq3A_726 = arith.cmpi eq, %iota3A_499, %eq3A_725 : vector<32x49xi32>
    %jit3A_727 = arith.constant 1.000000e+00 : f32
    %broadcast_in_dim3A_728 = vector.broadcast %jit3A_727 : f32 to vector<32x49xf32>
    %select_n3A_729 = arith.select %eq3A_726, %broadcast_in_dim3A_728, %select_n3A_710 : vector<32x49xi1>, vector<32x49xf32>
    %jit3A_730 = arith.constant 3.000000e+38 : f32
    %broadcast_in_dim3A_731 = vector.broadcast %jit3A_730 : f32 to vector<32x49xf32>
    %select_n3A_732 = arith.select %eq3A_726, %broadcast_in_dim3A_731, %select_n3A_713 : vector<32x49xi1>, vector<32x49xf32>
    %reduce_min3A_733 = arith.constant dense<0x7F800000> : vector<32xf32>
    %reduce_min3A_734 = vector.multi_reduction <minimumf>, %select_n3A_732, %reduce_min3A_733 [1] : vector<32x49xf32> to vector<32xf32>
    %broadcast_in_dim3A_735 = vector.shape_cast %reduce_min3A_734 : vector<32xf32> to vector<32x1xf32>
    %eq3A_736 = vector.broadcast %broadcast_in_dim3A_735 : vector<32x1xf32> to vector<32x49xf32>
    %eq3A_737 = arith.cmpf oeq, %select_n3A_732, %eq3A_736 : vector<32x49xf32>
    %jit3A_738 = arith.constant 49 : i32
    %broadcast_in_dim3A_739 = vector.broadcast %jit3A_738 : i32 to vector<32x49xi32>
    %select_n3A_740 = arith.select %eq3A_737, %iota3A_499, %broadcast_in_dim3A_739 : vector<32x49xi1>, vector<32x49xi32>
    %reduce_min3A_741 = arith.constant dense<2147483647> : vector<32xi32>
    %reduce_min3A_742 = vector.multi_reduction <minsi>, %select_n3A_740, %reduce_min3A_741 [1] : vector<32x49xi32> to vector<32xi32>
    %broadcast_in_dim3A_743 = vector.shape_cast %reduce_min3A_742 : vector<32xi32> to vector<32x1xi32>
    %eq3A_744 = vector.broadcast %broadcast_in_dim3A_743 : vector<32x1xi32> to vector<32x49xi32>
    %eq3A_745 = arith.cmpi eq, %iota3A_499, %eq3A_744 : vector<32x49xi32>
    %jit3A_746 = arith.constant 1.000000e+00 : f32
    %broadcast_in_dim3A_747 = vector.broadcast %jit3A_746 : f32 to vector<32x49xf32>
    %select_n3A_748 = arith.select %eq3A_745, %broadcast_in_dim3A_747, %select_n3A_729 : vector<32x49xi1>, vector<32x49xf32>
    %jit3A_749 = arith.constant 3.000000e+38 : f32
    %broadcast_in_dim3A_750 = vector.broadcast %jit3A_749 : f32 to vector<32x49xf32>
    %select_n3A_751 = arith.select %eq3A_745, %broadcast_in_dim3A_750, %select_n3A_732 : vector<32x49xi1>, vector<32x49xf32>
    %reduce_min3A_752 = arith.constant dense<0x7F800000> : vector<32xf32>
    %reduce_min3A_753 = vector.multi_reduction <minimumf>, %select_n3A_751, %reduce_min3A_752 [1] : vector<32x49xf32> to vector<32xf32>
    %broadcast_in_dim3A_754 = vector.shape_cast %reduce_min3A_753 : vector<32xf32> to vector<32x1xf32>
    %eq3A_755 = vector.broadcast %broadcast_in_dim3A_754 : vector<32x1xf32> to vector<32x49xf32>
    %eq3A_756 = arith.cmpf oeq, %select_n3A_751, %eq3A_755 : vector<32x49xf32>
    %jit3A_757 = arith.constant 49 : i32
    %broadcast_in_dim3A_758 = vector.broadcast %jit3A_757 : i32 to vector<32x49xi32>
    %select_n3A_759 = arith.select %eq3A_756, %iota3A_499, %broadcast_in_dim3A_758 : vector<32x49xi1>, vector<32x49xi32>
    %reduce_min3A_760 = arith.constant dense<2147483647> : vector<32xi32>
    %reduce_min3A_761 = vector.multi_reduction <minsi>, %select_n3A_759, %reduce_min3A_760 [1] : vector<32x49xi32> to vector<32xi32>
    %broadcast_in_dim3A_762 = vector.shape_cast %reduce_min3A_761 : vector<32xi32> to vector<32x1xi32>
    %eq3A_763 = vector.broadcast %broadcast_in_dim3A_762 : vector<32x1xi32> to vector<32x49xi32>
    %eq3A_764 = arith.cmpi eq, %iota3A_499, %eq3A_763 : vector<32x49xi32>
    %jit3A_765 = arith.constant 1.000000e+00 : f32
    %broadcast_in_dim3A_766 = vector.broadcast %jit3A_765 : f32 to vector<32x49xf32>
    %select_n3A_767 = arith.select %eq3A_764, %broadcast_in_dim3A_766, %select_n3A_748 : vector<32x49xi1>, vector<32x49xf32>
    %jit3A_768 = arith.constant 3.000000e+38 : f32
    %broadcast_in_dim3A_769 = vector.broadcast %jit3A_768 : f32 to vector<32x49xf32>
    %select_n3A_770 = arith.select %eq3A_764, %broadcast_in_dim3A_769, %select_n3A_751 : vector<32x49xi1>, vector<32x49xf32>
    %reduce_min3A_771 = arith.constant dense<0x7F800000> : vector<32xf32>
    %reduce_min3A_772 = vector.multi_reduction <minimumf>, %select_n3A_770, %reduce_min3A_771 [1] : vector<32x49xf32> to vector<32xf32>
    %broadcast_in_dim3A_773 = vector.shape_cast %reduce_min3A_772 : vector<32xf32> to vector<32x1xf32>
    %eq3A_774 = vector.broadcast %broadcast_in_dim3A_773 : vector<32x1xf32> to vector<32x49xf32>
    %eq3A_775 = arith.cmpf oeq, %select_n3A_770, %eq3A_774 : vector<32x49xf32>
    %jit3A_776 = arith.constant 49 : i32
    %broadcast_in_dim3A_777 = vector.broadcast %jit3A_776 : i32 to vector<32x49xi32>
    %select_n3A_778 = arith.select %eq3A_775, %iota3A_499, %broadcast_in_dim3A_777 : vector<32x49xi1>, vector<32x49xi32>
    %reduce_min3A_779 = arith.constant dense<2147483647> : vector<32xi32>
    %reduce_min3A_780 = vector.multi_reduction <minsi>, %select_n3A_778, %reduce_min3A_779 [1] : vector<32x49xi32> to vector<32xi32>
    %broadcast_in_dim3A_781 = vector.shape_cast %reduce_min3A_780 : vector<32xi32> to vector<32x1xi32>
    %eq3A_782 = vector.broadcast %broadcast_in_dim3A_781 : vector<32x1xi32> to vector<32x49xi32>
    %eq3A_783 = arith.cmpi eq, %iota3A_499, %eq3A_782 : vector<32x49xi32>
    %jit3A_784 = arith.constant 1.000000e+00 : f32
    %broadcast_in_dim3A_785 = vector.broadcast %jit3A_784 : f32 to vector<32x49xf32>
    %select_n3A_786 = arith.select %eq3A_783, %broadcast_in_dim3A_785, %select_n3A_767 : vector<32x49xi1>, vector<32x49xf32>
    %jit3A_787 = arith.constant 7 : i32
    %div3A_788 = vector.broadcast %jit3A_787 : i32 to vector<32x1xi32>
    %div3A_789 = arith.divsi %broadcast_in_dim3A_781, %div3A_788 : vector<32x1xi32>
    %sign3A_790 = arith.constant 0 : i32
    %sign3A_791 = vector.broadcast %sign3A_790 : i32 to vector<32x1xi32>
    %sign3A_792 = arith.cmpi sgt, %broadcast_in_dim3A_781, %sign3A_791 : vector<32x1xi32>
    %sign3A_793 = arith.extui %sign3A_792 : vector<32x1xi1> to vector<32x1xi32>
    %sign3A_794 = arith.constant 0 : i32
    %sign3A_795 = vector.broadcast %sign3A_794 : i32 to vector<32x1xi32>
    %sign3A_796 = arith.cmpi slt, %broadcast_in_dim3A_781, %sign3A_795 : vector<32x1xi32>
    %sign3A_797 = arith.extui %sign3A_796 : vector<32x1xi1> to vector<32x1xi32>
    %sign3A_798 = arith.subi %sign3A_793, %sign3A_797 : vector<32x1xi32>
    %sign3A_799 = arith.constant 0 : i32
    %sign3A_800 = arith.cmpi sgt, %jit3A_787, %sign3A_799 : i32
    %sign3A_801 = arith.extui %sign3A_800 : i1 to i32
    %sign3A_802 = arith.constant 0 : i32
    %sign3A_803 = arith.cmpi slt, %jit3A_787, %sign3A_802 : i32
    %sign3A_804 = arith.extui %sign3A_803 : i1 to i32
    %sign3A_805 = arith.subi %sign3A_801, %sign3A_804 : i32
    %ne3A_806 = vector.broadcast %sign3A_805 : i32 to vector<32x1xi32>
    %ne3A_807 = arith.cmpi ne, %sign3A_798, %ne3A_806 : vector<32x1xi32>
    %rem3A_808 = vector.broadcast %jit3A_787 : i32 to vector<32x1xi32>
    %rem3A_809 = arith.remsi %broadcast_in_dim3A_781, %rem3A_808 : vector<32x1xi32>
    %ne3A_810 = arith.constant 0 : i32
    %ne3A_811 = vector.broadcast %ne3A_810 : i32 to vector<32x1xi32>
    %ne3A_812 = arith.cmpi ne, %rem3A_809, %ne3A_811 : vector<32x1xi32>
    %and3A_813 = arith.andi %ne3A_807, %ne3A_812 : vector<32x1xi1>
    %sub3A_814 = arith.constant 1 : i32
    %sub3A_815 = vector.broadcast %sub3A_814 : i32 to vector<32x1xi32>
    %sub3A_816 = arith.subi %div3A_789, %sub3A_815 : vector<32x1xi32>
    %select_n3A_817 = arith.select %and3A_813, %sub3A_816, %div3A_789 : vector<32x1xi1>, vector<32x1xi32>
    %add3A_818 = arith.addi %min3A_498, %select_n3A_817 : vector<32x1xi32>
    %mul3A_819 = arith.constant 40 : i32
    %mul3A_820 = vector.broadcast %mul3A_819 : i32 to vector<32x1xi32>
    %mul3A_821 = arith.muli %add3A_818, %mul3A_820 : vector<32x1xi32>
    %jit3A_822 = arith.constant 7 : i32
    %eq3A_823 = arith.constant 0 : i32
    %eq3A_824 = arith.cmpi eq, %jit3A_822, %eq3A_823 : i32
    %jit3A_825 = arith.constant 1 : i32
    %select_n3A_826 = arith.select %eq3A_824, %jit3A_825, %jit3A_822 : i32
    %rem3A_827 = vector.broadcast %select_n3A_826 : i32 to vector<32x1xi32>
    %rem3A_828 = arith.remsi %broadcast_in_dim3A_781, %rem3A_827 : vector<32x1xi32>
    %ne3A_829 = arith.constant 0 : i32
    %ne3A_830 = vector.broadcast %ne3A_829 : i32 to vector<32x1xi32>
    %ne3A_831 = arith.cmpi ne, %rem3A_828, %ne3A_830 : vector<32x1xi32>
    %lt3A_832 = arith.constant 0 : i32
    %lt3A_833 = vector.broadcast %lt3A_832 : i32 to vector<32x1xi32>
    %lt3A_834 = arith.cmpi slt, %rem3A_828, %lt3A_833 : vector<32x1xi32>
    %lt3A_835 = arith.constant 0 : i32
    %lt3A_836 = arith.cmpi slt, %select_n3A_826, %lt3A_835 : i32
    %ne3A_837 = vector.broadcast %lt3A_836 : i1 to vector<32x1xi1>
    %ne3A_838 = vector.broadcast %ne3A_837 : vector<32x1xi1> to vector<32x1xi1>
    %ne3A_839 = arith.xori %lt3A_834, %ne3A_838 : vector<32x1xi1>
    %and3A_840 = arith.andi %ne3A_839, %ne3A_831 : vector<32x1xi1>
    %add3A_841 = vector.broadcast %select_n3A_826 : i32 to vector<32x1xi32>
    %add3A_842 = arith.addi %rem3A_828, %add3A_841 : vector<32x1xi32>
    %select_n3A_843 = arith.select %and3A_840, %add3A_842, %rem3A_828 : vector<32x1xi1>, vector<32x1xi32>
    %add3A_844 = arith.addi %min3A_489, %select_n3A_843 : vector<32x1xi32>
    %add3A_845 = arith.addi %mul3A_821, %add3A_844 : vector<32x1xi32>
    %slice3A_846 = vector.extract_strided_slice %sqrt3A {offsets = [0, 6400], sizes = [32, 1600], strides = [1, 1]} : vector<32x8400xf32> to vector<32x1600xf32>
    %iota3A_847 = tpu.iota {dimensions = array<i32: 1>} : vector<32x1600xi32>
    %lt3A_848 = vector.broadcast %broadcast_in_dim3A_773 : vector<32x1xf32> to vector<32x1600xf32>
    %lt3A_849 = arith.cmpf olt, %slice3A_846, %lt3A_848 : vector<32x1600xf32>
    %eq3A_850 = vector.broadcast %broadcast_in_dim3A_773 : vector<32x1xf32> to vector<32x1600xf32>
    %eq3A_851 = arith.cmpf oeq, %slice3A_846, %eq3A_850 : vector<32x1600xf32>
    %le3A_852 = vector.broadcast %add3A_845 : vector<32x1xi32> to vector<32x1600xi32>
    %le3A_853 = arith.cmpi sle, %iota3A_847, %le3A_852 : vector<32x1600xi32>
    %and3A_854 = arith.andi %eq3A_851, %le3A_853 : vector<32x1600xi1>
    %or3A_855 = arith.ori %lt3A_849, %and3A_854 : vector<32x1600xi1>
    %jit3A_856 = arith.constant 0.000000e+00 : f32
    %broadcast_in_dim3A_857 = vector.shape_cast %get3A_77 : vector<32x1xf32> to vector<32x1xf32>
    %broadcast_in_dim3A_858 = vector.broadcast %broadcast_in_dim3A_857 : vector<32x1xf32> to vector<32x1600xf32>
    %broadcast_in_dim3A_859 = vector.broadcast %jit3A_856 : f32 to vector<32x1600xf32>
    %select_n3A_860 = arith.select %or3A_855, %broadcast_in_dim3A_858, %broadcast_in_dim3A_859 : vector<32x1600xi1>, vector<32x1600xf32>
    %mul3A_861 = arith.mulf %select_n3A_786, %div3A_616 : vector<32x49xf32>
    %reduce_sum3A_862 = arith.constant dense<0.000000e+00> : vector<32xf32>
    %reduce_sum3A_863 = vector.multi_reduction <add>, %mul3A_861, %reduce_sum3A_862 [1] : vector<32x49xf32> to vector<32xf32>
    %broadcast_in_dim3A_864 = vector.shape_cast %reduce_sum3A_863 : vector<32xf32> to vector<32x1xf32>
    %add3A_865 = arith.addf %add3A_464, %broadcast_in_dim3A_864 : vector<32x1xf32>
    %mul3A_866 = arith.constant 3.125000e-02 : f32
    %mul3A_867 = vector.broadcast %mul3A_866 : f32 to vector<32x1xf32>
    %mul3A_868 = arith.mulf %mul3A_28, %mul3A_867 : vector<32x1xf32>
    %sub3A_869 = arith.constant 5.000000e-01 : f32
    %sub3A_870 = vector.broadcast %sub3A_869 : f32 to vector<32x1xf32>
    %sub3A_871 = arith.subf %mul3A_868, %sub3A_870 : vector<32x1xf32>
    %round3A_872 = math.roundeven %sub3A_871 : vector<32x1xf32>
    %convert_element_type3A_873 = arith.fptosi %round3A_872 : vector<32x1xf32> to vector<32x1xi32>
    %mul3A_874 = arith.constant 3.125000e-02 : f32
    %mul3A_875 = vector.broadcast %mul3A_874 : f32 to vector<32x1xf32>
    %mul3A_876 = arith.mulf %mul3A_32, %mul3A_875 : vector<32x1xf32>
    %sub3A_877 = arith.constant 5.000000e-01 : f32
    %sub3A_878 = vector.broadcast %sub3A_877 : f32 to vector<32x1xf32>
    %sub3A_879 = arith.subf %mul3A_876, %sub3A_878 : vector<32x1xf32>
    %round3A_880 = math.roundeven %sub3A_879 : vector<32x1xf32>
    %convert_element_type3A_881 = arith.fptosi %round3A_880 : vector<32x1xf32> to vector<32x1xi32>
    %sub3A_882 = arith.constant 3 : i32
    %sub3A_883 = vector.broadcast %sub3A_882 : i32 to vector<32x1xi32>
    %sub3A_884 = arith.subi %convert_element_type3A_873, %sub3A_883 : vector<32x1xi32>
    %jit3A_885 = arith.constant 0 : i32
    %jit3A_886 = arith.constant 13 : i32
    %max3A_887 = vector.broadcast %jit3A_885 : i32 to vector<32x1xi32>
    %max3A_888 = arith.maxsi %max3A_887, %sub3A_884 : vector<32x1xi32>
    %min3A_889 = vector.broadcast %jit3A_886 : i32 to vector<32x1xi32>
    %min3A_890 = arith.minsi %min3A_889, %max3A_888 : vector<32x1xi32>
    %sub3A_891 = arith.constant 3 : i32
    %sub3A_892 = vector.broadcast %sub3A_891 : i32 to vector<32x1xi32>
    %sub3A_893 = arith.subi %convert_element_type3A_881, %sub3A_892 : vector<32x1xi32>
    %jit3A_894 = arith.constant 0 : i32
    %jit3A_895 = arith.constant 13 : i32
    %max3A_896 = vector.broadcast %jit3A_894 : i32 to vector<32x1xi32>
    %max3A_897 = arith.maxsi %max3A_896, %sub3A_893 : vector<32x1xi32>
    %min3A_898 = vector.broadcast %jit3A_895 : i32 to vector<32x1xi32>
    %min3A_899 = arith.minsi %min3A_898, %max3A_897 : vector<32x1xi32>
    %iota3A_900 = tpu.iota {dimensions = array<i32: 1>} : vector<32x49xi32>
    %jit3A_901 = arith.constant 7 : i32
    %eq3A_902 = arith.constant 0 : i32
    %eq3A_903 = arith.cmpi eq, %jit3A_901, %eq3A_902 : i32
    %jit3A_904 = arith.constant 1 : i32
    %select_n3A_905 = arith.select %eq3A_903, %jit3A_904, %jit3A_901 : i32
    %rem3A_906 = vector.broadcast %select_n3A_905 : i32 to vector<32x49xi32>
    %rem3A_907 = arith.remsi %iota3A_900, %rem3A_906 : vector<32x49xi32>
    %ne3A_908 = arith.constant 0 : i32
    %ne3A_909 = vector.broadcast %ne3A_908 : i32 to vector<32x49xi32>
    %ne3A_910 = arith.cmpi ne, %rem3A_907, %ne3A_909 : vector<32x49xi32>
    %lt3A_911 = arith.constant 0 : i32
    %lt3A_912 = vector.broadcast %lt3A_911 : i32 to vector<32x49xi32>
    %lt3A_913 = arith.cmpi slt, %rem3A_907, %lt3A_912 : vector<32x49xi32>
    %lt3A_914 = arith.constant 0 : i32
    %lt3A_915 = arith.cmpi slt, %select_n3A_905, %lt3A_914 : i32
    %ne3A_916 = vector.broadcast %lt3A_915 : i1 to vector<32x49xi1>
    %ne3A_917 = vector.broadcast %ne3A_916 : vector<32x49xi1> to vector<32x49xi1>
    %ne3A_918 = arith.xori %lt3A_913, %ne3A_917 : vector<32x49xi1>
    %and3A_919 = arith.andi %ne3A_918, %ne3A_910 : vector<32x49xi1>
    %add3A_920 = vector.broadcast %select_n3A_905 : i32 to vector<32x49xi32>
    %add3A_921 = arith.addi %rem3A_907, %add3A_920 : vector<32x49xi32>
    %select_n3A_922 = arith.select %and3A_919, %add3A_921, %rem3A_907 : vector<32x49xi1>, vector<32x49xi32>
    %add3A_923 = vector.broadcast %min3A_890 : vector<32x1xi32> to vector<32x49xi32>
    %add3A_924 = arith.addi %add3A_923, %select_n3A_922 : vector<32x49xi32>
    %jit3A_925 = arith.constant 7 : i32
    %div3A_926 = vector.broadcast %jit3A_925 : i32 to vector<32x49xi32>
    %div3A_927 = arith.divsi %iota3A_900, %div3A_926 : vector<32x49xi32>
    %sign3A_928 = arith.constant 0 : i32
    %sign3A_929 = vector.broadcast %sign3A_928 : i32 to vector<32x49xi32>
    %sign3A_930 = arith.cmpi sgt, %iota3A_900, %sign3A_929 : vector<32x49xi32>
    %sign3A_931 = arith.extui %sign3A_930 : vector<32x49xi1> to vector<32x49xi32>
    %sign3A_932 = arith.constant 0 : i32
    %sign3A_933 = vector.broadcast %sign3A_932 : i32 to vector<32x49xi32>
    %sign3A_934 = arith.cmpi slt, %iota3A_900, %sign3A_933 : vector<32x49xi32>
    %sign3A_935 = arith.extui %sign3A_934 : vector<32x49xi1> to vector<32x49xi32>
    %sign3A_936 = arith.subi %sign3A_931, %sign3A_935 : vector<32x49xi32>
    %sign3A_937 = arith.constant 0 : i32
    %sign3A_938 = arith.cmpi sgt, %jit3A_925, %sign3A_937 : i32
    %sign3A_939 = arith.extui %sign3A_938 : i1 to i32
    %sign3A_940 = arith.constant 0 : i32
    %sign3A_941 = arith.cmpi slt, %jit3A_925, %sign3A_940 : i32
    %sign3A_942 = arith.extui %sign3A_941 : i1 to i32
    %sign3A_943 = arith.subi %sign3A_939, %sign3A_942 : i32
    %ne3A_944 = vector.broadcast %sign3A_943 : i32 to vector<32x49xi32>
    %ne3A_945 = arith.cmpi ne, %sign3A_936, %ne3A_944 : vector<32x49xi32>
    %rem3A_946 = vector.broadcast %jit3A_925 : i32 to vector<32x49xi32>
    %rem3A_947 = arith.remsi %iota3A_900, %rem3A_946 : vector<32x49xi32>
    %ne3A_948 = arith.constant 0 : i32
    %ne3A_949 = vector.broadcast %ne3A_948 : i32 to vector<32x49xi32>
    %ne3A_950 = arith.cmpi ne, %rem3A_947, %ne3A_949 : vector<32x49xi32>
    %and3A_951 = arith.andi %ne3A_945, %ne3A_950 : vector<32x49xi1>
    %sub3A_952 = arith.constant 1 : i32
    %sub3A_953 = vector.broadcast %sub3A_952 : i32 to vector<32x49xi32>
    %sub3A_954 = arith.subi %div3A_927, %sub3A_953 : vector<32x49xi32>
    %select_n3A_955 = arith.select %and3A_951, %sub3A_954, %div3A_927 : vector<32x49xi1>, vector<32x49xi32>
    %add3A_956 = vector.broadcast %min3A_899 : vector<32x1xi32> to vector<32x49xi32>
    %add3A_957 = arith.addi %add3A_956, %select_n3A_955 : vector<32x49xi32>
    %convert_element_type3A_958 = arith.sitofp %add3A_924 : vector<32x49xi32> to vector<32x49xf32>
    %add3A_959 = arith.constant 5.000000e-01 : f32
    %add3A_960 = vector.broadcast %add3A_959 : f32 to vector<32x49xf32>
    %add3A_961 = arith.addf %convert_element_type3A_958, %add3A_960 : vector<32x49xf32>
    %mul3A_962 = arith.constant 3.200000e+01 : f32
    %mul3A_963 = vector.broadcast %mul3A_962 : f32 to vector<32x49xf32>
    %mul3A_964 = arith.mulf %add3A_961, %mul3A_963 : vector<32x49xf32>
    %convert_element_type3A_965 = arith.sitofp %add3A_957 : vector<32x49xi32> to vector<32x49xf32>
    %add3A_966 = arith.constant 5.000000e-01 : f32
    %add3A_967 = vector.broadcast %add3A_966 : f32 to vector<32x49xf32>
    %add3A_968 = arith.addf %convert_element_type3A_965, %add3A_967 : vector<32x49xf32>
    %mul3A_969 = arith.constant 3.200000e+01 : f32
    %mul3A_970 = vector.broadcast %mul3A_969 : f32 to vector<32x49xf32>
    %mul3A_971 = arith.mulf %add3A_968, %mul3A_970 : vector<32x49xf32>
    %sub3A_972 = vector.broadcast %mul3A_28 : vector<32x1xf32> to vector<32x49xf32>
    %sub3A_973 = arith.subf %sub3A_972, %mul3A_964 : vector<32x49xf32>
    %sub3A_974 = vector.broadcast %mul3A_32 : vector<32x1xf32> to vector<32x49xf32>
    %sub3A_975 = arith.subf %sub3A_974, %mul3A_971 : vector<32x49xf32>
    %mul3A_976 = arith.mulf %sub3A_973, %sub3A_973 : vector<32x49xf32>
    %mul3A_977 = arith.mulf %sub3A_975, %sub3A_975 : vector<32x49xf32>
    %add3A_978 = arith.addf %mul3A_976, %mul3A_977 : vector<32x49xf32>
    %sqrt3A_979 = math.sqrt %add3A_978 : vector<32x49xf32>
    %add3A_980 = arith.constant 8.000000e+01 : f32
    %add3A_981 = vector.broadcast %add3A_980 : f32 to vector<32x49xf32>
    %add3A_982 = arith.addf %mul3A_964, %add3A_981 : vector<32x49xf32>
    %min3A_983 = vector.broadcast %slice3A_23 : vector<32x1xf32> to vector<32x49xf32>
    %min3A_984 = arith.minimumf %min3A_983, %add3A_982 : vector<32x49xf32>
    %sub3A_985 = arith.constant 8.000000e+01 : f32
    %sub3A_986 = vector.broadcast %sub3A_985 : f32 to vector<32x49xf32>
    %sub3A_987 = arith.subf %mul3A_964, %sub3A_986 : vector<32x49xf32>
    %max3A_988 = vector.broadcast %slice3A : vector<32x1xf32> to vector<32x49xf32>
    %max3A_989 = arith.maximumf %max3A_988, %sub3A_987 : vector<32x49xf32>
    %sub3A_990 = arith.subf %min3A_984, %max3A_989 : vector<32x49xf32>
    %max3A_991 = arith.constant 0.000000e+00 : f32
    %max3A_992 = vector.broadcast %max3A_991 : f32 to vector<32x49xf32>
    %max3A_993 = arith.maximumf %sub3A_990, %max3A_992 : vector<32x49xf32>
    %add3A_994 = arith.constant 8.000000e+01 : f32
    %add3A_995 = vector.broadcast %add3A_994 : f32 to vector<32x49xf32>
    %add3A_996 = arith.addf %mul3A_971, %add3A_995 : vector<32x49xf32>
    %min3A_997 = vector.broadcast %slice3A_24 : vector<32x1xf32> to vector<32x49xf32>
    %min3A_998 = arith.minimumf %min3A_997, %add3A_996 : vector<32x49xf32>
    %sub3A_999 = arith.constant 8.000000e+01 : f32
    %sub3A_1000 = vector.broadcast %sub3A_999 : f32 to vector<32x49xf32>
    %sub3A_1001 = arith.subf %mul3A_971, %sub3A_1000 : vector<32x49xf32>
    %max3A_1002 = vector.broadcast %slice3A_22 : vector<32x1xf32> to vector<32x49xf32>
    %max3A_1003 = arith.maximumf %max3A_1002, %sub3A_1001 : vector<32x49xf32>
    %sub3A_1004 = arith.subf %min3A_998, %max3A_1003 : vector<32x49xf32>
    %max3A_1005 = arith.constant 0.000000e+00 : f32
    %max3A_1006 = vector.broadcast %max3A_1005 : f32 to vector<32x49xf32>
    %max3A_1007 = arith.maximumf %sub3A_1004, %max3A_1006 : vector<32x49xf32>
    %mul3A_1008 = arith.mulf %max3A_993, %max3A_1007 : vector<32x49xf32>
    %add3A_1009 = arith.constant 2.560000e+04 : f32
    %add3A_1010 = vector.broadcast %add3A_1009 : f32 to vector<32x1xf32>
    %add3A_1011 = arith.addf %mul3A_62, %add3A_1010 : vector<32x1xf32>
    %sub3A_1012 = vector.broadcast %add3A_1011 : vector<32x1xf32> to vector<32x49xf32>
    %sub3A_1013 = arith.subf %sub3A_1012, %mul3A_1008 : vector<32x49xf32>
    %max3A_1014 = arith.constant 9.99999997E-7 : f32
    %max3A_1015 = vector.broadcast %max3A_1014 : f32 to vector<32x49xf32>
    %max3A_1016 = arith.maximumf %sub3A_1013, %max3A_1015 : vector<32x49xf32>
    %div3A_1017 = arith.divf %mul3A_1008, %max3A_1016 : vector<32x49xf32>
    %broadcast_in_dim3A_1018 = arith.constant 0.000000e+00 : f32
    %broadcast_in_dim3A_1019 = vector.broadcast %broadcast_in_dim3A_1018 : f32 to vector<32x49xf32>
    %reduce_min3A_1020 = arith.constant dense<0x7F800000> : vector<32xf32>
    %reduce_min3A_1021 = vector.multi_reduction <minimumf>, %sqrt3A_979, %reduce_min3A_1020 [1] : vector<32x49xf32> to vector<32xf32>
    %broadcast_in_dim3A_1022 = vector.shape_cast %reduce_min3A_1021 : vector<32xf32> to vector<32x1xf32>
    %eq3A_1023 = vector.broadcast %broadcast_in_dim3A_1022 : vector<32x1xf32> to vector<32x49xf32>
    %eq3A_1024 = arith.cmpf oeq, %sqrt3A_979, %eq3A_1023 : vector<32x49xf32>
    %jit3A_1025 = arith.constant 49 : i32
    %broadcast_in_dim3A_1026 = vector.broadcast %jit3A_1025 : i32 to vector<32x49xi32>
    %select_n3A_1027 = arith.select %eq3A_1024, %iota3A_900, %broadcast_in_dim3A_1026 : vector<32x49xi1>, vector<32x49xi32>
    %reduce_min3A_1028 = arith.constant dense<2147483647> : vector<32xi32>
    %reduce_min3A_1029 = vector.multi_reduction <minsi>, %select_n3A_1027, %reduce_min3A_1028 [1] : vector<32x49xi32> to vector<32xi32>
    %broadcast_in_dim3A_1030 = vector.shape_cast %reduce_min3A_1029 : vector<32xi32> to vector<32x1xi32>
    %eq3A_1031 = vector.broadcast %broadcast_in_dim3A_1030 : vector<32x1xi32> to vector<32x49xi32>
    %eq3A_1032 = arith.cmpi eq, %iota3A_900, %eq3A_1031 : vector<32x49xi32>
    %jit3A_1033 = arith.constant 1.000000e+00 : f32
    %broadcast_in_dim3A_1034 = vector.broadcast %jit3A_1033 : f32 to vector<32x49xf32>
    %select_n3A_1035 = arith.select %eq3A_1032, %broadcast_in_dim3A_1034, %broadcast_in_dim3A_1019 : vector<32x49xi1>, vector<32x49xf32>
    %jit3A_1036 = arith.constant 3.000000e+38 : f32
    %broadcast_in_dim3A_1037 = vector.broadcast %jit3A_1036 : f32 to vector<32x49xf32>
    %select_n3A_1038 = arith.select %eq3A_1032, %broadcast_in_dim3A_1037, %sqrt3A_979 : vector<32x49xi1>, vector<32x49xf32>
    %reduce_min3A_1039 = arith.constant dense<0x7F800000> : vector<32xf32>
    %reduce_min3A_1040 = vector.multi_reduction <minimumf>, %select_n3A_1038, %reduce_min3A_1039 [1] : vector<32x49xf32> to vector<32xf32>
    %broadcast_in_dim3A_1041 = vector.shape_cast %reduce_min3A_1040 : vector<32xf32> to vector<32x1xf32>
    %eq3A_1042 = vector.broadcast %broadcast_in_dim3A_1041 : vector<32x1xf32> to vector<32x49xf32>
    %eq3A_1043 = arith.cmpf oeq, %select_n3A_1038, %eq3A_1042 : vector<32x49xf32>
    %jit3A_1044 = arith.constant 49 : i32
    %broadcast_in_dim3A_1045 = vector.broadcast %jit3A_1044 : i32 to vector<32x49xi32>
    %select_n3A_1046 = arith.select %eq3A_1043, %iota3A_900, %broadcast_in_dim3A_1045 : vector<32x49xi1>, vector<32x49xi32>
    %reduce_min3A_1047 = arith.constant dense<2147483647> : vector<32xi32>
    %reduce_min3A_1048 = vector.multi_reduction <minsi>, %select_n3A_1046, %reduce_min3A_1047 [1] : vector<32x49xi32> to vector<32xi32>
    %broadcast_in_dim3A_1049 = vector.shape_cast %reduce_min3A_1048 : vector<32xi32> to vector<32x1xi32>
    %eq3A_1050 = vector.broadcast %broadcast_in_dim3A_1049 : vector<32x1xi32> to vector<32x49xi32>
    %eq3A_1051 = arith.cmpi eq, %iota3A_900, %eq3A_1050 : vector<32x49xi32>
    %jit3A_1052 = arith.constant 1.000000e+00 : f32
    %broadcast_in_dim3A_1053 = vector.broadcast %jit3A_1052 : f32 to vector<32x49xf32>
    %select_n3A_1054 = arith.select %eq3A_1051, %broadcast_in_dim3A_1053, %select_n3A_1035 : vector<32x49xi1>, vector<32x49xf32>
    %jit3A_1055 = arith.constant 3.000000e+38 : f32
    %broadcast_in_dim3A_1056 = vector.broadcast %jit3A_1055 : f32 to vector<32x49xf32>
    %select_n3A_1057 = arith.select %eq3A_1051, %broadcast_in_dim3A_1056, %select_n3A_1038 : vector<32x49xi1>, vector<32x49xf32>
    %reduce_min3A_1058 = arith.constant dense<0x7F800000> : vector<32xf32>
    %reduce_min3A_1059 = vector.multi_reduction <minimumf>, %select_n3A_1057, %reduce_min3A_1058 [1] : vector<32x49xf32> to vector<32xf32>
    %broadcast_in_dim3A_1060 = vector.shape_cast %reduce_min3A_1059 : vector<32xf32> to vector<32x1xf32>
    %eq3A_1061 = vector.broadcast %broadcast_in_dim3A_1060 : vector<32x1xf32> to vector<32x49xf32>
    %eq3A_1062 = arith.cmpf oeq, %select_n3A_1057, %eq3A_1061 : vector<32x49xf32>
    %jit3A_1063 = arith.constant 49 : i32
    %broadcast_in_dim3A_1064 = vector.broadcast %jit3A_1063 : i32 to vector<32x49xi32>
    %select_n3A_1065 = arith.select %eq3A_1062, %iota3A_900, %broadcast_in_dim3A_1064 : vector<32x49xi1>, vector<32x49xi32>
    %reduce_min3A_1066 = arith.constant dense<2147483647> : vector<32xi32>
    %reduce_min3A_1067 = vector.multi_reduction <minsi>, %select_n3A_1065, %reduce_min3A_1066 [1] : vector<32x49xi32> to vector<32xi32>
    %broadcast_in_dim3A_1068 = vector.shape_cast %reduce_min3A_1067 : vector<32xi32> to vector<32x1xi32>
    %eq3A_1069 = vector.broadcast %broadcast_in_dim3A_1068 : vector<32x1xi32> to vector<32x49xi32>
    %eq3A_1070 = arith.cmpi eq, %iota3A_900, %eq3A_1069 : vector<32x49xi32>
    %jit3A_1071 = arith.constant 1.000000e+00 : f32
    %broadcast_in_dim3A_1072 = vector.broadcast %jit3A_1071 : f32 to vector<32x49xf32>
    %select_n3A_1073 = arith.select %eq3A_1070, %broadcast_in_dim3A_1072, %select_n3A_1054 : vector<32x49xi1>, vector<32x49xf32>
    %jit3A_1074 = arith.constant 3.000000e+38 : f32
    %broadcast_in_dim3A_1075 = vector.broadcast %jit3A_1074 : f32 to vector<32x49xf32>
    %select_n3A_1076 = arith.select %eq3A_1070, %broadcast_in_dim3A_1075, %select_n3A_1057 : vector<32x49xi1>, vector<32x49xf32>
    %reduce_min3A_1077 = arith.constant dense<0x7F800000> : vector<32xf32>
    %reduce_min3A_1078 = vector.multi_reduction <minimumf>, %select_n3A_1076, %reduce_min3A_1077 [1] : vector<32x49xf32> to vector<32xf32>
    %broadcast_in_dim3A_1079 = vector.shape_cast %reduce_min3A_1078 : vector<32xf32> to vector<32x1xf32>
    %eq3A_1080 = vector.broadcast %broadcast_in_dim3A_1079 : vector<32x1xf32> to vector<32x49xf32>
    %eq3A_1081 = arith.cmpf oeq, %select_n3A_1076, %eq3A_1080 : vector<32x49xf32>
    %jit3A_1082 = arith.constant 49 : i32
    %broadcast_in_dim3A_1083 = vector.broadcast %jit3A_1082 : i32 to vector<32x49xi32>
    %select_n3A_1084 = arith.select %eq3A_1081, %iota3A_900, %broadcast_in_dim3A_1083 : vector<32x49xi1>, vector<32x49xi32>
    %reduce_min3A_1085 = arith.constant dense<2147483647> : vector<32xi32>
    %reduce_min3A_1086 = vector.multi_reduction <minsi>, %select_n3A_1084, %reduce_min3A_1085 [1] : vector<32x49xi32> to vector<32xi32>
    %broadcast_in_dim3A_1087 = vector.shape_cast %reduce_min3A_1086 : vector<32xi32> to vector<32x1xi32>
    %eq3A_1088 = vector.broadcast %broadcast_in_dim3A_1087 : vector<32x1xi32> to vector<32x49xi32>
    %eq3A_1089 = arith.cmpi eq, %iota3A_900, %eq3A_1088 : vector<32x49xi32>
    %jit3A_1090 = arith.constant 1.000000e+00 : f32
    %broadcast_in_dim3A_1091 = vector.broadcast %jit3A_1090 : f32 to vector<32x49xf32>
    %select_n3A_1092 = arith.select %eq3A_1089, %broadcast_in_dim3A_1091, %select_n3A_1073 : vector<32x49xi1>, vector<32x49xf32>
    %jit3A_1093 = arith.constant 3.000000e+38 : f32
    %broadcast_in_dim3A_1094 = vector.broadcast %jit3A_1093 : f32 to vector<32x49xf32>
    %select_n3A_1095 = arith.select %eq3A_1089, %broadcast_in_dim3A_1094, %select_n3A_1076 : vector<32x49xi1>, vector<32x49xf32>
    %reduce_min3A_1096 = arith.constant dense<0x7F800000> : vector<32xf32>
    %reduce_min3A_1097 = vector.multi_reduction <minimumf>, %select_n3A_1095, %reduce_min3A_1096 [1] : vector<32x49xf32> to vector<32xf32>
    %broadcast_in_dim3A_1098 = vector.shape_cast %reduce_min3A_1097 : vector<32xf32> to vector<32x1xf32>
    %eq3A_1099 = vector.broadcast %broadcast_in_dim3A_1098 : vector<32x1xf32> to vector<32x49xf32>
    %eq3A_1100 = arith.cmpf oeq, %select_n3A_1095, %eq3A_1099 : vector<32x49xf32>
    %jit3A_1101 = arith.constant 49 : i32
    %broadcast_in_dim3A_1102 = vector.broadcast %jit3A_1101 : i32 to vector<32x49xi32>
    %select_n3A_1103 = arith.select %eq3A_1100, %iota3A_900, %broadcast_in_dim3A_1102 : vector<32x49xi1>, vector<32x49xi32>
    %reduce_min3A_1104 = arith.constant dense<2147483647> : vector<32xi32>
    %reduce_min3A_1105 = vector.multi_reduction <minsi>, %select_n3A_1103, %reduce_min3A_1104 [1] : vector<32x49xi32> to vector<32xi32>
    %broadcast_in_dim3A_1106 = vector.shape_cast %reduce_min3A_1105 : vector<32xi32> to vector<32x1xi32>
    %eq3A_1107 = vector.broadcast %broadcast_in_dim3A_1106 : vector<32x1xi32> to vector<32x49xi32>
    %eq3A_1108 = arith.cmpi eq, %iota3A_900, %eq3A_1107 : vector<32x49xi32>
    %jit3A_1109 = arith.constant 1.000000e+00 : f32
    %broadcast_in_dim3A_1110 = vector.broadcast %jit3A_1109 : f32 to vector<32x49xf32>
    %select_n3A_1111 = arith.select %eq3A_1108, %broadcast_in_dim3A_1110, %select_n3A_1092 : vector<32x49xi1>, vector<32x49xf32>
    %jit3A_1112 = arith.constant 3.000000e+38 : f32
    %broadcast_in_dim3A_1113 = vector.broadcast %jit3A_1112 : f32 to vector<32x49xf32>
    %select_n3A_1114 = arith.select %eq3A_1108, %broadcast_in_dim3A_1113, %select_n3A_1095 : vector<32x49xi1>, vector<32x49xf32>
    %reduce_min3A_1115 = arith.constant dense<0x7F800000> : vector<32xf32>
    %reduce_min3A_1116 = vector.multi_reduction <minimumf>, %select_n3A_1114, %reduce_min3A_1115 [1] : vector<32x49xf32> to vector<32xf32>
    %broadcast_in_dim3A_1117 = vector.shape_cast %reduce_min3A_1116 : vector<32xf32> to vector<32x1xf32>
    %eq3A_1118 = vector.broadcast %broadcast_in_dim3A_1117 : vector<32x1xf32> to vector<32x49xf32>
    %eq3A_1119 = arith.cmpf oeq, %select_n3A_1114, %eq3A_1118 : vector<32x49xf32>
    %jit3A_1120 = arith.constant 49 : i32
    %broadcast_in_dim3A_1121 = vector.broadcast %jit3A_1120 : i32 to vector<32x49xi32>
    %select_n3A_1122 = arith.select %eq3A_1119, %iota3A_900, %broadcast_in_dim3A_1121 : vector<32x49xi1>, vector<32x49xi32>
    %reduce_min3A_1123 = arith.constant dense<2147483647> : vector<32xi32>
    %reduce_min3A_1124 = vector.multi_reduction <minsi>, %select_n3A_1122, %reduce_min3A_1123 [1] : vector<32x49xi32> to vector<32xi32>
    %broadcast_in_dim3A_1125 = vector.shape_cast %reduce_min3A_1124 : vector<32xi32> to vector<32x1xi32>
    %eq3A_1126 = vector.broadcast %broadcast_in_dim3A_1125 : vector<32x1xi32> to vector<32x49xi32>
    %eq3A_1127 = arith.cmpi eq, %iota3A_900, %eq3A_1126 : vector<32x49xi32>
    %jit3A_1128 = arith.constant 1.000000e+00 : f32
    %broadcast_in_dim3A_1129 = vector.broadcast %jit3A_1128 : f32 to vector<32x49xf32>
    %select_n3A_1130 = arith.select %eq3A_1127, %broadcast_in_dim3A_1129, %select_n3A_1111 : vector<32x49xi1>, vector<32x49xf32>
    %jit3A_1131 = arith.constant 3.000000e+38 : f32
    %broadcast_in_dim3A_1132 = vector.broadcast %jit3A_1131 : f32 to vector<32x49xf32>
    %select_n3A_1133 = arith.select %eq3A_1127, %broadcast_in_dim3A_1132, %select_n3A_1114 : vector<32x49xi1>, vector<32x49xf32>
    %reduce_min3A_1134 = arith.constant dense<0x7F800000> : vector<32xf32>
    %reduce_min3A_1135 = vector.multi_reduction <minimumf>, %select_n3A_1133, %reduce_min3A_1134 [1] : vector<32x49xf32> to vector<32xf32>
    %broadcast_in_dim3A_1136 = vector.shape_cast %reduce_min3A_1135 : vector<32xf32> to vector<32x1xf32>
    %eq3A_1137 = vector.broadcast %broadcast_in_dim3A_1136 : vector<32x1xf32> to vector<32x49xf32>
    %eq3A_1138 = arith.cmpf oeq, %select_n3A_1133, %eq3A_1137 : vector<32x49xf32>
    %jit3A_1139 = arith.constant 49 : i32
    %broadcast_in_dim3A_1140 = vector.broadcast %jit3A_1139 : i32 to vector<32x49xi32>
    %select_n3A_1141 = arith.select %eq3A_1138, %iota3A_900, %broadcast_in_dim3A_1140 : vector<32x49xi1>, vector<32x49xi32>
    %reduce_min3A_1142 = arith.constant dense<2147483647> : vector<32xi32>
    %reduce_min3A_1143 = vector.multi_reduction <minsi>, %select_n3A_1141, %reduce_min3A_1142 [1] : vector<32x49xi32> to vector<32xi32>
    %broadcast_in_dim3A_1144 = vector.shape_cast %reduce_min3A_1143 : vector<32xi32> to vector<32x1xi32>
    %eq3A_1145 = vector.broadcast %broadcast_in_dim3A_1144 : vector<32x1xi32> to vector<32x49xi32>
    %eq3A_1146 = arith.cmpi eq, %iota3A_900, %eq3A_1145 : vector<32x49xi32>
    %jit3A_1147 = arith.constant 1.000000e+00 : f32
    %broadcast_in_dim3A_1148 = vector.broadcast %jit3A_1147 : f32 to vector<32x49xf32>
    %select_n3A_1149 = arith.select %eq3A_1146, %broadcast_in_dim3A_1148, %select_n3A_1130 : vector<32x49xi1>, vector<32x49xf32>
    %jit3A_1150 = arith.constant 3.000000e+38 : f32
    %broadcast_in_dim3A_1151 = vector.broadcast %jit3A_1150 : f32 to vector<32x49xf32>
    %select_n3A_1152 = arith.select %eq3A_1146, %broadcast_in_dim3A_1151, %select_n3A_1133 : vector<32x49xi1>, vector<32x49xf32>
    %reduce_min3A_1153 = arith.constant dense<0x7F800000> : vector<32xf32>
    %reduce_min3A_1154 = vector.multi_reduction <minimumf>, %select_n3A_1152, %reduce_min3A_1153 [1] : vector<32x49xf32> to vector<32xf32>
    %broadcast_in_dim3A_1155 = vector.shape_cast %reduce_min3A_1154 : vector<32xf32> to vector<32x1xf32>
    %eq3A_1156 = vector.broadcast %broadcast_in_dim3A_1155 : vector<32x1xf32> to vector<32x49xf32>
    %eq3A_1157 = arith.cmpf oeq, %select_n3A_1152, %eq3A_1156 : vector<32x49xf32>
    %jit3A_1158 = arith.constant 49 : i32
    %broadcast_in_dim3A_1159 = vector.broadcast %jit3A_1158 : i32 to vector<32x49xi32>
    %select_n3A_1160 = arith.select %eq3A_1157, %iota3A_900, %broadcast_in_dim3A_1159 : vector<32x49xi1>, vector<32x49xi32>
    %reduce_min3A_1161 = arith.constant dense<2147483647> : vector<32xi32>
    %reduce_min3A_1162 = vector.multi_reduction <minsi>, %select_n3A_1160, %reduce_min3A_1161 [1] : vector<32x49xi32> to vector<32xi32>
    %broadcast_in_dim3A_1163 = vector.shape_cast %reduce_min3A_1162 : vector<32xi32> to vector<32x1xi32>
    %eq3A_1164 = vector.broadcast %broadcast_in_dim3A_1163 : vector<32x1xi32> to vector<32x49xi32>
    %eq3A_1165 = arith.cmpi eq, %iota3A_900, %eq3A_1164 : vector<32x49xi32>
    %jit3A_1166 = arith.constant 1.000000e+00 : f32
    %broadcast_in_dim3A_1167 = vector.broadcast %jit3A_1166 : f32 to vector<32x49xf32>
    %select_n3A_1168 = arith.select %eq3A_1165, %broadcast_in_dim3A_1167, %select_n3A_1149 : vector<32x49xi1>, vector<32x49xf32>
    %jit3A_1169 = arith.constant 3.000000e+38 : f32
    %broadcast_in_dim3A_1170 = vector.broadcast %jit3A_1169 : f32 to vector<32x49xf32>
    %select_n3A_1171 = arith.select %eq3A_1165, %broadcast_in_dim3A_1170, %select_n3A_1152 : vector<32x49xi1>, vector<32x49xf32>
    %reduce_min3A_1172 = arith.constant dense<0x7F800000> : vector<32xf32>
    %reduce_min3A_1173 = vector.multi_reduction <minimumf>, %select_n3A_1171, %reduce_min3A_1172 [1] : vector<32x49xf32> to vector<32xf32>
    %broadcast_in_dim3A_1174 = vector.shape_cast %reduce_min3A_1173 : vector<32xf32> to vector<32x1xf32>
    %eq3A_1175 = vector.broadcast %broadcast_in_dim3A_1174 : vector<32x1xf32> to vector<32x49xf32>
    %eq3A_1176 = arith.cmpf oeq, %select_n3A_1171, %eq3A_1175 : vector<32x49xf32>
    %jit3A_1177 = arith.constant 49 : i32
    %broadcast_in_dim3A_1178 = vector.broadcast %jit3A_1177 : i32 to vector<32x49xi32>
    %select_n3A_1179 = arith.select %eq3A_1176, %iota3A_900, %broadcast_in_dim3A_1178 : vector<32x49xi1>, vector<32x49xi32>
    %reduce_min3A_1180 = arith.constant dense<2147483647> : vector<32xi32>
    %reduce_min3A_1181 = vector.multi_reduction <minsi>, %select_n3A_1179, %reduce_min3A_1180 [1] : vector<32x49xi32> to vector<32xi32>
    %broadcast_in_dim3A_1182 = vector.shape_cast %reduce_min3A_1181 : vector<32xi32> to vector<32x1xi32>
    %eq3A_1183 = vector.broadcast %broadcast_in_dim3A_1182 : vector<32x1xi32> to vector<32x49xi32>
    %eq3A_1184 = arith.cmpi eq, %iota3A_900, %eq3A_1183 : vector<32x49xi32>
    %jit3A_1185 = arith.constant 1.000000e+00 : f32
    %broadcast_in_dim3A_1186 = vector.broadcast %jit3A_1185 : f32 to vector<32x49xf32>
    %select_n3A_1187 = arith.select %eq3A_1184, %broadcast_in_dim3A_1186, %select_n3A_1168 : vector<32x49xi1>, vector<32x49xf32>
    %jit3A_1188 = arith.constant 7 : i32
    %div3A_1189 = vector.broadcast %jit3A_1188 : i32 to vector<32x1xi32>
    %div3A_1190 = arith.divsi %broadcast_in_dim3A_1182, %div3A_1189 : vector<32x1xi32>
    %sign3A_1191 = arith.constant 0 : i32
    %sign3A_1192 = vector.broadcast %sign3A_1191 : i32 to vector<32x1xi32>
    %sign3A_1193 = arith.cmpi sgt, %broadcast_in_dim3A_1182, %sign3A_1192 : vector<32x1xi32>
    %sign3A_1194 = arith.extui %sign3A_1193 : vector<32x1xi1> to vector<32x1xi32>
    %sign3A_1195 = arith.constant 0 : i32
    %sign3A_1196 = vector.broadcast %sign3A_1195 : i32 to vector<32x1xi32>
    %sign3A_1197 = arith.cmpi slt, %broadcast_in_dim3A_1182, %sign3A_1196 : vector<32x1xi32>
    %sign3A_1198 = arith.extui %sign3A_1197 : vector<32x1xi1> to vector<32x1xi32>
    %sign3A_1199 = arith.subi %sign3A_1194, %sign3A_1198 : vector<32x1xi32>
    %sign3A_1200 = arith.constant 0 : i32
    %sign3A_1201 = arith.cmpi sgt, %jit3A_1188, %sign3A_1200 : i32
    %sign3A_1202 = arith.extui %sign3A_1201 : i1 to i32
    %sign3A_1203 = arith.constant 0 : i32
    %sign3A_1204 = arith.cmpi slt, %jit3A_1188, %sign3A_1203 : i32
    %sign3A_1205 = arith.extui %sign3A_1204 : i1 to i32
    %sign3A_1206 = arith.subi %sign3A_1202, %sign3A_1205 : i32
    %ne3A_1207 = vector.broadcast %sign3A_1206 : i32 to vector<32x1xi32>
    %ne3A_1208 = arith.cmpi ne, %sign3A_1199, %ne3A_1207 : vector<32x1xi32>
    %rem3A_1209 = vector.broadcast %jit3A_1188 : i32 to vector<32x1xi32>
    %rem3A_1210 = arith.remsi %broadcast_in_dim3A_1182, %rem3A_1209 : vector<32x1xi32>
    %ne3A_1211 = arith.constant 0 : i32
    %ne3A_1212 = vector.broadcast %ne3A_1211 : i32 to vector<32x1xi32>
    %ne3A_1213 = arith.cmpi ne, %rem3A_1210, %ne3A_1212 : vector<32x1xi32>
    %and3A_1214 = arith.andi %ne3A_1208, %ne3A_1213 : vector<32x1xi1>
    %sub3A_1215 = arith.constant 1 : i32
    %sub3A_1216 = vector.broadcast %sub3A_1215 : i32 to vector<32x1xi32>
    %sub3A_1217 = arith.subi %div3A_1190, %sub3A_1216 : vector<32x1xi32>
    %select_n3A_1218 = arith.select %and3A_1214, %sub3A_1217, %div3A_1190 : vector<32x1xi1>, vector<32x1xi32>
    %add3A_1219 = arith.addi %min3A_899, %select_n3A_1218 : vector<32x1xi32>
    %mul3A_1220 = arith.constant 20 : i32
    %mul3A_1221 = vector.broadcast %mul3A_1220 : i32 to vector<32x1xi32>
    %mul3A_1222 = arith.muli %add3A_1219, %mul3A_1221 : vector<32x1xi32>
    %jit3A_1223 = arith.constant 7 : i32
    %eq3A_1224 = arith.constant 0 : i32
    %eq3A_1225 = arith.cmpi eq, %jit3A_1223, %eq3A_1224 : i32
    %jit3A_1226 = arith.constant 1 : i32
    %select_n3A_1227 = arith.select %eq3A_1225, %jit3A_1226, %jit3A_1223 : i32
    %rem3A_1228 = vector.broadcast %select_n3A_1227 : i32 to vector<32x1xi32>
    %rem3A_1229 = arith.remsi %broadcast_in_dim3A_1182, %rem3A_1228 : vector<32x1xi32>
    %ne3A_1230 = arith.constant 0 : i32
    %ne3A_1231 = vector.broadcast %ne3A_1230 : i32 to vector<32x1xi32>
    %ne3A_1232 = arith.cmpi ne, %rem3A_1229, %ne3A_1231 : vector<32x1xi32>
    %lt3A_1233 = arith.constant 0 : i32
    %lt3A_1234 = vector.broadcast %lt3A_1233 : i32 to vector<32x1xi32>
    %lt3A_1235 = arith.cmpi slt, %rem3A_1229, %lt3A_1234 : vector<32x1xi32>
    %lt3A_1236 = arith.constant 0 : i32
    %lt3A_1237 = arith.cmpi slt, %select_n3A_1227, %lt3A_1236 : i32
    %ne3A_1238 = vector.broadcast %lt3A_1237 : i1 to vector<32x1xi1>
    %ne3A_1239 = vector.broadcast %ne3A_1238 : vector<32x1xi1> to vector<32x1xi1>
    %ne3A_1240 = arith.xori %lt3A_1235, %ne3A_1239 : vector<32x1xi1>
    %and3A_1241 = arith.andi %ne3A_1240, %ne3A_1232 : vector<32x1xi1>
    %add3A_1242 = vector.broadcast %select_n3A_1227 : i32 to vector<32x1xi32>
    %add3A_1243 = arith.addi %rem3A_1229, %add3A_1242 : vector<32x1xi32>
    %select_n3A_1244 = arith.select %and3A_1241, %add3A_1243, %rem3A_1229 : vector<32x1xi1>, vector<32x1xi32>
    %add3A_1245 = arith.addi %min3A_890, %select_n3A_1244 : vector<32x1xi32>
    %add3A_1246 = arith.addi %mul3A_1222, %add3A_1245 : vector<32x1xi32>
    %slice3A_1247 = vector.extract_strided_slice %sqrt3A {offsets = [0, 8000], sizes = [32, 400], strides = [1, 1]} : vector<32x8400xf32> to vector<32x400xf32>
    %iota3A_1248 = tpu.iota {dimensions = array<i32: 1>} : vector<32x400xi32>
    %lt3A_1249 = vector.broadcast %broadcast_in_dim3A_1174 : vector<32x1xf32> to vector<32x400xf32>
    %lt3A_1250 = arith.cmpf olt, %slice3A_1247, %lt3A_1249 : vector<32x400xf32>
    %eq3A_1251 = vector.broadcast %broadcast_in_dim3A_1174 : vector<32x1xf32> to vector<32x400xf32>
    %eq3A_1252 = arith.cmpf oeq, %slice3A_1247, %eq3A_1251 : vector<32x400xf32>
    %le3A_1253 = vector.broadcast %add3A_1246 : vector<32x1xi32> to vector<32x400xi32>
    %le3A_1254 = arith.cmpi sle, %iota3A_1248, %le3A_1253 : vector<32x400xi32>
    %and3A_1255 = arith.andi %eq3A_1252, %le3A_1254 : vector<32x400xi1>
    %or3A_1256 = arith.ori %lt3A_1250, %and3A_1255 : vector<32x400xi1>
    %jit3A_1257 = arith.constant 0.000000e+00 : f32
    %broadcast_in_dim3A_1258 = vector.shape_cast %get3A_77 : vector<32x1xf32> to vector<32x1xf32>
    %broadcast_in_dim3A_1259 = vector.broadcast %broadcast_in_dim3A_1258 : vector<32x1xf32> to vector<32x400xf32>
    %broadcast_in_dim3A_1260 = vector.broadcast %jit3A_1257 : f32 to vector<32x400xf32>
    %select_n3A_1261 = arith.select %or3A_1256, %broadcast_in_dim3A_1259, %broadcast_in_dim3A_1260 : vector<32x400xi1>, vector<32x400xf32>
    %mul3A_1262 = arith.mulf %select_n3A_1187, %div3A_1017 : vector<32x49xf32>
    %reduce_sum3A_1263 = arith.constant dense<0.000000e+00> : vector<32xf32>
    %reduce_sum3A_1264 = vector.multi_reduction <add>, %mul3A_1262, %reduce_sum3A_1263 [1] : vector<32x49xf32> to vector<32xf32>
    %broadcast_in_dim3A_1265 = vector.shape_cast %reduce_sum3A_1264 : vector<32xf32> to vector<32x1xf32>
    %add3A_1266 = arith.addf %add3A_865, %broadcast_in_dim3A_1265 : vector<32x1xf32>
    %concatenate3A = tpu.concatenate %select_n3A_460, %select_n3A_860, %select_n3A_1261 in 1 : vector<32x6400xf32>, vector<32x1600xf32>, vector<32x400xf32> -> vector<32x8400xf32>
    %div3A_1267 = arith.constant 2.700000e+01 : f32
    %div3A_1268 = vector.broadcast %div3A_1267 : f32 to vector<32x1xf32>
    %div3A_1269 = arith.divf %add3A_1266, %div3A_1268 : vector<32x1xf32>
    %broadcast_in_dim3A_1270 = arith.constant 0.000000e+00 : f32
    %broadcast_in_dim3A_1271 = vector.broadcast %broadcast_in_dim3A_1270 : f32 to vector<32x1xf32>
    %sub3A_1272 = vector.broadcast %div3A_1269 : vector<32x1xf32> to vector<32x49xf32>
    %sub3A_1273 = arith.subf %div3A_219, %sub3A_1272 : vector<32x49xf32>
    %integer_pow3A = arith.mulf %sub3A_1273, %sub3A_1273 : vector<32x49xf32>
    %mul3A_1274 = arith.mulf %select_n3A_388, %integer_pow3A : vector<32x49xf32>
    %reduce_sum3A_1275 = arith.constant dense<0.000000e+00> : vector<32xf32>
    %reduce_sum3A_1276 = vector.multi_reduction <add>, %mul3A_1274, %reduce_sum3A_1275 [1] : vector<32x49xf32> to vector<32xf32>
    %broadcast_in_dim3A_1277 = vector.shape_cast %reduce_sum3A_1276 : vector<32xf32> to vector<32x1xf32>
    %add3A_1278 = arith.addf %broadcast_in_dim3A_1271, %broadcast_in_dim3A_1277 : vector<32x1xf32>
    %sub3A_1279 = vector.broadcast %div3A_1269 : vector<32x1xf32> to vector<32x49xf32>
    %sub3A_1280 = arith.subf %div3A_616, %sub3A_1279 : vector<32x49xf32>
    %integer_pow3A_1281 = arith.mulf %sub3A_1280, %sub3A_1280 : vector<32x49xf32>
    %mul3A_1282 = arith.mulf %select_n3A_786, %integer_pow3A_1281 : vector<32x49xf32>
    %reduce_sum3A_1283 = arith.constant dense<0.000000e+00> : vector<32xf32>
    %reduce_sum3A_1284 = vector.multi_reduction <add>, %mul3A_1282, %reduce_sum3A_1283 [1] : vector<32x49xf32> to vector<32xf32>
    %broadcast_in_dim3A_1285 = vector.shape_cast %reduce_sum3A_1284 : vector<32xf32> to vector<32x1xf32>
    %add3A_1286 = arith.addf %add3A_1278, %broadcast_in_dim3A_1285 : vector<32x1xf32>
    %sub3A_1287 = vector.broadcast %div3A_1269 : vector<32x1xf32> to vector<32x49xf32>
    %sub3A_1288 = arith.subf %div3A_1017, %sub3A_1287 : vector<32x49xf32>
    %integer_pow3A_1289 = arith.mulf %sub3A_1288, %sub3A_1288 : vector<32x49xf32>
    %mul3A_1290 = arith.mulf %select_n3A_1187, %integer_pow3A_1289 : vector<32x49xf32>
    %reduce_sum3A_1291 = arith.constant dense<0.000000e+00> : vector<32xf32>
    %reduce_sum3A_1292 = vector.multi_reduction <add>, %mul3A_1290, %reduce_sum3A_1291 [1] : vector<32x49xf32> to vector<32xf32>
    %broadcast_in_dim3A_1293 = vector.shape_cast %reduce_sum3A_1292 : vector<32xf32> to vector<32x1xf32>
    %add3A_1294 = arith.addf %add3A_1286, %broadcast_in_dim3A_1293 : vector<32x1xf32>
    %div3A_1295 = arith.constant 2.600000e+01 : f32
    %div3A_1296 = vector.broadcast %div3A_1295 : f32 to vector<32x1xf32>
    %div3A_1297 = arith.divf %add3A_1294, %div3A_1296 : vector<32x1xf32>
    %sqrt3A_1298 = math.sqrt %div3A_1297 : vector<32x1xf32>
    %add3A_1299 = arith.addf %div3A_1269, %sqrt3A_1298 : vector<32x1xf32>
    %sub3A_1300 = vector.broadcast %mul3A_12 : vector<1x8400xf32> to vector<32x8400xf32>
    %sub3A_1301 = vector.broadcast %slice3A : vector<32x1xf32> to vector<32x8400xf32>
    %sub3A_1302 = arith.subf %sub3A_1300, %sub3A_1301 : vector<32x8400xf32>
    %sub3A_1303 = vector.broadcast %mul3A_16 : vector<1x8400xf32> to vector<32x8400xf32>
    %sub3A_1304 = vector.broadcast %slice3A_22 : vector<32x1xf32> to vector<32x8400xf32>
    %sub3A_1305 = arith.subf %sub3A_1303, %sub3A_1304 : vector<32x8400xf32>
    %min3A_1306 = arith.minimumf %sub3A_1302, %sub3A_1305 : vector<32x8400xf32>
    %sub3A_1307 = vector.broadcast %slice3A_23 : vector<32x1xf32> to vector<32x8400xf32>
    %sub3A_1308 = vector.broadcast %mul3A_12 : vector<1x8400xf32> to vector<32x8400xf32>
    %sub3A_1309 = arith.subf %sub3A_1307, %sub3A_1308 : vector<32x8400xf32>
    %sub3A_1310 = vector.broadcast %slice3A_24 : vector<32x1xf32> to vector<32x8400xf32>
    %sub3A_1311 = vector.broadcast %mul3A_16 : vector<1x8400xf32> to vector<32x8400xf32>
    %sub3A_1312 = arith.subf %sub3A_1310, %sub3A_1311 : vector<32x8400xf32>
    %min3A_1313 = arith.minimumf %sub3A_1309, %sub3A_1312 : vector<32x8400xf32>
    %min3A_1314 = arith.minimumf %min3A_1306, %min3A_1313 : vector<32x8400xf32>
    %gt3A = arith.constant 9.99999971E-10 : f32
    %gt3A_1315 = vector.broadcast %gt3A : f32 to vector<32x8400xf32>
    %gt3A_1316 = arith.cmpf ogt, %min3A_1314, %gt3A_1315 : vector<32x8400xf32>
    %gt3A_1317 = vector.broadcast %add3A_1299 : vector<32x1xf32> to vector<32x8400xf32>
    %gt3A_1318 = arith.cmpf ogt, %div3A, %gt3A_1317 : vector<32x8400xf32>
    %and3A_1319 = arith.andi %gt3A_1318, %gt3A_1316 : vector<32x8400xi1>
    %jit3A_1320 = arith.constant 0.000000e+00 : f32
    %broadcast_in_dim3A_1321 = vector.broadcast %jit3A_1320 : f32 to vector<32x8400xf32>
    %select_n3A_1322 = arith.select %and3A_1319, %concatenate3A, %broadcast_in_dim3A_1321 : vector<32x8400xi1>, vector<32x8400xf32>
    %reduce_sum3A_1323 = arith.constant dense<0.000000e+00> : vector<8400xf32>
    %reduce_sum3A_1324 = vector.multi_reduction <add>, %select_n3A_1322, %reduce_sum3A_1323 [0] : vector<32x8400xf32> to vector<8400xf32>
    %broadcast_in_dim3A_1325 = vector.shape_cast %reduce_sum3A_1324 : vector<8400xf32> to vector<1x8400xf32>
    %gt3A_1326 = arith.constant 1.000000e+00 : f32
    %gt3A_1327 = vector.broadcast %gt3A_1326 : f32 to vector<1x8400xf32>
    %gt3A_1328 = arith.cmpf ogt, %broadcast_in_dim3A_1325, %gt3A_1327 : vector<1x8400xf32>
    %reduce_max3A = arith.constant dense<0xFF800000> : vector<8400xf32>
    %reduce_max3A_1329 = vector.multi_reduction <maximumf>, %div3A, %reduce_max3A [0] : vector<32x8400xf32> to vector<8400xf32>
    %broadcast_in_dim3A_1330 = vector.shape_cast %reduce_max3A_1329 : vector<8400xf32> to vector<1x8400xf32>
    %iota3A_1331 = tpu.iota {dimensions = array<i32: 0>} : vector<32x8400xi32>
    %eq3A_1332 = vector.broadcast %broadcast_in_dim3A_1330 : vector<1x8400xf32> to vector<32x8400xf32>
    %eq3A_1333 = arith.cmpf oeq, %div3A, %eq3A_1332 : vector<32x8400xf32>
    %jit3A_1334 = arith.constant 32 : i32
    %broadcast_in_dim3A_1335 = vector.broadcast %jit3A_1334 : i32 to vector<32x8400xi32>
    %select_n3A_1336 = arith.select %eq3A_1333, %iota3A_1331, %broadcast_in_dim3A_1335 : vector<32x8400xi1>, vector<32x8400xi32>
    %reduce_min3A_1337 = arith.constant dense<2147483647> : vector<8400xi32>
    %reduce_min3A_1338 = vector.multi_reduction <minsi>, %select_n3A_1336, %reduce_min3A_1337 [0] : vector<32x8400xi32> to vector<8400xi32>
    %broadcast_in_dim3A_1339 = vector.shape_cast %reduce_min3A_1338 : vector<8400xi32> to vector<1x8400xi32>
    %eq3A_1340 = vector.broadcast %broadcast_in_dim3A_1339 : vector<1x8400xi32> to vector<32x8400xi32>
    %eq3A_1341 = arith.cmpi eq, %iota3A_1331, %eq3A_1340 : vector<32x8400xi32>
    %jit3A_1342 = arith.constant 1.000000e+00 : f32
    %jit3A_1343 = arith.constant 0.000000e+00 : f32
    %broadcast_in_dim3A_1344 = vector.broadcast %jit3A_1342 : f32 to vector<32x8400xf32>
    %broadcast_in_dim3A_1345 = vector.broadcast %jit3A_1343 : f32 to vector<32x8400xf32>
    %select_n3A_1346 = arith.select %eq3A_1341, %broadcast_in_dim3A_1344, %broadcast_in_dim3A_1345 : vector<32x8400xi1>, vector<32x8400xf32>
    %broadcast_in_dim3A_1347 = vector.shape_cast %gt3A_1328 : vector<1x8400xi1> to vector<1x8400xi1>
    %broadcast_in_dim3A_1348 = vector.broadcast %broadcast_in_dim3A_1347 : vector<1x8400xi1> to vector<32x8400xi1>
    %select_n3A_1349 = arith.select %broadcast_in_dim3A_1348, %select_n3A_1346, %select_n3A_1322 : vector<32x8400xi1>, vector<32x8400xf32>
    %gt3A_1350 = arith.constant 0.000000e+00 : f32
    %gt3A_1351 = vector.broadcast %gt3A_1350 : f32 to vector<1x8400xf32>
    %gt3A_1352 = arith.cmpf ogt, %broadcast_in_dim3A_1325, %gt3A_1351 : vector<1x8400xf32>
    %get3A_1353 = arith.constant 0 : index
    %get3A_1354 = arith.constant 0 : index
    %get3A_1355 = arith.constant 0 : index
    %get3A_1356 = vector.load %arg2[%get3A_1353, %get3A_1354, %get3A_1355] : memref<1x32x1xi32, #tpu.memory_space<vmem>>, vector<1x32x1xi32>
    %get3A_1357 = vector.shape_cast %get3A_1356 : vector<1x32x1xi32> to vector<32x1xi32>
    %convert_element_type3A_1358 = arith.sitofp %get3A_1357 : vector<32x1xi32> to vector<32x1xf32>
    %mul3A_1359 = vector.broadcast %convert_element_type3A_1358 : vector<32x1xf32> to vector<32x8400xf32>
    %mul3A_1360 = arith.mulf %select_n3A_1349, %mul3A_1359 : vector<32x8400xf32>
    %reduce_sum3A_1361 = arith.constant dense<0.000000e+00> : vector<8400xf32>
    %reduce_sum3A_1362 = vector.multi_reduction <add>, %mul3A_1360, %reduce_sum3A_1361 [0] : vector<32x8400xf32> to vector<8400xf32>
    %broadcast_in_dim3A_1363 = vector.shape_cast %reduce_sum3A_1362 : vector<8400xf32> to vector<1x8400xf32>
    %jit3A_1364 = arith.constant 8.000000e+01 : f32
    %broadcast_in_dim3A_1365 = vector.broadcast %jit3A_1364 : f32 to vector<1x8400xf32>
    %select_n3A_1366 = arith.select %gt3A_1352, %broadcast_in_dim3A_1363, %broadcast_in_dim3A_1365 : vector<1x8400xi1>, vector<1x8400xf32>
    %convert_element_type3A_1367 = arith.fptosi %select_n3A_1366 : vector<1x8400xf32> to vector<1x8400xi32>
    %slice3A_1368 = vector.extract_strided_slice %get3A_21 {offsets = [0, 0], sizes = [32, 1], strides = [1, 1]} : vector<32x4xf32> to vector<32x1xf32>
    %mul3A_1369 = vector.broadcast %slice3A_1368 : vector<32x1xf32> to vector<32x8400xf32>
    %mul3A_1370 = arith.mulf %select_n3A_1349, %mul3A_1369 : vector<32x8400xf32>
    %reduce_sum3A_1371 = arith.constant dense<0.000000e+00> : vector<8400xf32>
    %reduce_sum3A_1372 = vector.multi_reduction <add>, %mul3A_1370, %reduce_sum3A_1371 [0] : vector<32x8400xf32> to vector<8400xf32>
    %broadcast_in_dim3A_1373 = vector.shape_cast %reduce_sum3A_1372 : vector<8400xf32> to vector<1x8400xf32>
    %slice3A_1374 = vector.extract_strided_slice %slice3A_1368 {offsets = [0, 0], sizes = [1, 1], strides = [1, 1]} : vector<32x1xf32> to vector<1x1xf32>
    %squeeze3A = vector.extract %slice3A_1374[0, 0] : f32 from vector<1x1xf32>
    %broadcast_in_dim3A_1375 = vector.broadcast %squeeze3A : f32 to vector<1x8400xf32>
    %select_n3A_1376 = arith.select %gt3A_1352, %broadcast_in_dim3A_1373, %broadcast_in_dim3A_1375 : vector<1x8400xi1>, vector<1x8400xf32>
    %slice3A_1377 = vector.extract_strided_slice %get3A_21 {offsets = [0, 1], sizes = [32, 1], strides = [1, 1]} : vector<32x4xf32> to vector<32x1xf32>
    %mul3A_1378 = vector.broadcast %slice3A_1377 : vector<32x1xf32> to vector<32x8400xf32>
    %mul3A_1379 = arith.mulf %select_n3A_1349, %mul3A_1378 : vector<32x8400xf32>
    %reduce_sum3A_1380 = arith.constant dense<0.000000e+00> : vector<8400xf32>
    %reduce_sum3A_1381 = vector.multi_reduction <add>, %mul3A_1379, %reduce_sum3A_1380 [0] : vector<32x8400xf32> to vector<8400xf32>
    %broadcast_in_dim3A_1382 = vector.shape_cast %reduce_sum3A_1381 : vector<8400xf32> to vector<1x8400xf32>
    %slice3A_1383 = vector.extract_strided_slice %slice3A_1377 {offsets = [0, 0], sizes = [1, 1], strides = [1, 1]} : vector<32x1xf32> to vector<1x1xf32>
    %squeeze3A_1384 = vector.extract %slice3A_1383[0, 0] : f32 from vector<1x1xf32>
    %broadcast_in_dim3A_1385 = vector.broadcast %squeeze3A_1384 : f32 to vector<1x8400xf32>
    %select_n3A_1386 = arith.select %gt3A_1352, %broadcast_in_dim3A_1382, %broadcast_in_dim3A_1385 : vector<1x8400xi1>, vector<1x8400xf32>
    %slice3A_1387 = vector.extract_strided_slice %get3A_21 {offsets = [0, 2], sizes = [32, 1], strides = [1, 1]} : vector<32x4xf32> to vector<32x1xf32>
    %mul3A_1388 = vector.broadcast %slice3A_1387 : vector<32x1xf32> to vector<32x8400xf32>
    %mul3A_1389 = arith.mulf %select_n3A_1349, %mul3A_1388 : vector<32x8400xf32>
    %reduce_sum3A_1390 = arith.constant dense<0.000000e+00> : vector<8400xf32>
    %reduce_sum3A_1391 = vector.multi_reduction <add>, %mul3A_1389, %reduce_sum3A_1390 [0] : vector<32x8400xf32> to vector<8400xf32>
    %broadcast_in_dim3A_1392 = vector.shape_cast %reduce_sum3A_1391 : vector<8400xf32> to vector<1x8400xf32>
    %slice3A_1393 = vector.extract_strided_slice %slice3A_1387 {offsets = [0, 0], sizes = [1, 1], strides = [1, 1]} : vector<32x1xf32> to vector<1x1xf32>
    %squeeze3A_1394 = vector.extract %slice3A_1393[0, 0] : f32 from vector<1x1xf32>
    %broadcast_in_dim3A_1395 = vector.broadcast %squeeze3A_1394 : f32 to vector<1x8400xf32>
    %select_n3A_1396 = arith.select %gt3A_1352, %broadcast_in_dim3A_1392, %broadcast_in_dim3A_1395 : vector<1x8400xi1>, vector<1x8400xf32>
    %slice3A_1397 = vector.extract_strided_slice %get3A_21 {offsets = [0, 3], sizes = [32, 1], strides = [1, 1]} : vector<32x4xf32> to vector<32x1xf32>
    %mul3A_1398 = vector.broadcast %slice3A_1397 : vector<32x1xf32> to vector<32x8400xf32>
    %mul3A_1399 = arith.mulf %select_n3A_1349, %mul3A_1398 : vector<32x8400xf32>
    %reduce_sum3A_1400 = arith.constant dense<0.000000e+00> : vector<8400xf32>
    %reduce_sum3A_1401 = vector.multi_reduction <add>, %mul3A_1399, %reduce_sum3A_1400 [0] : vector<32x8400xf32> to vector<8400xf32>
    %broadcast_in_dim3A_1402 = vector.shape_cast %reduce_sum3A_1401 : vector<8400xf32> to vector<1x8400xf32>
    %slice3A_1403 = vector.extract_strided_slice %slice3A_1397 {offsets = [0, 0], sizes = [1, 1], strides = [1, 1]} : vector<32x1xf32> to vector<1x1xf32>
    %squeeze3A_1404 = vector.extract %slice3A_1403[0, 0] : f32 from vector<1x1xf32>
    %broadcast_in_dim3A_1405 = vector.broadcast %squeeze3A_1404 : f32 to vector<1x8400xf32>
    %select_n3A_1406 = arith.select %gt3A_1352, %broadcast_in_dim3A_1402, %broadcast_in_dim3A_1405 : vector<1x8400xi1>, vector<1x8400xf32>
    %get3A_1407 = arith.constant 0 : index
    %get3A_1408 = arith.constant 0 : index
    %get3A_1409 = arith.constant 0 : index
    %get3A_1410 = vector.load %arg5[%get3A_1407, %get3A_1408, %get3A_1409] : memref<1x4x8400xf32, #tpu.memory_space<vmem>>, vector<1x1x8400xf32>
    %get3A_1411 = vector.shape_cast %get3A_1410 : vector<1x1x8400xf32> to vector<1x8400xf32>
    %get3A_1412 = arith.constant 0 : index
    %get3A_1413 = arith.constant 1 : index
    %get3A_1414 = arith.constant 0 : index
    %get3A_1415 = vector.load %arg5[%get3A_1412, %get3A_1413, %get3A_1414] : memref<1x4x8400xf32, #tpu.memory_space<vmem>>, vector<1x1x8400xf32>
    %get3A_1416 = vector.shape_cast %get3A_1415 : vector<1x1x8400xf32> to vector<1x8400xf32>
    %get3A_1417 = arith.constant 0 : index
    %get3A_1418 = arith.constant 2 : index
    %get3A_1419 = arith.constant 0 : index
    %get3A_1420 = vector.load %arg5[%get3A_1417, %get3A_1418, %get3A_1419] : memref<1x4x8400xf32, #tpu.memory_space<vmem>>, vector<1x1x8400xf32>
    %get3A_1421 = vector.shape_cast %get3A_1420 : vector<1x1x8400xf32> to vector<1x8400xf32>
    %get3A_1422 = arith.constant 0 : index
    %get3A_1423 = arith.constant 3 : index
    %get3A_1424 = arith.constant 0 : index
    %get3A_1425 = vector.load %arg5[%get3A_1422, %get3A_1423, %get3A_1424] : memref<1x4x8400xf32, #tpu.memory_space<vmem>>, vector<1x1x8400xf32>
    %get3A_1426 = vector.shape_cast %get3A_1425 : vector<1x1x8400xf32> to vector<1x8400xf32>
    %min3A_1427 = arith.minimumf %select_n3A_1396, %get3A_1421 : vector<1x8400xf32>
    %max3A_1428 = arith.maximumf %select_n3A_1376, %get3A_1411 : vector<1x8400xf32>
    %sub3A_1429 = arith.subf %min3A_1427, %max3A_1428 : vector<1x8400xf32>
    %max3A_1430 = arith.constant 0.000000e+00 : f32
    %max3A_1431 = vector.broadcast %max3A_1430 : f32 to vector<1x8400xf32>
    %max3A_1432 = arith.maximumf %sub3A_1429, %max3A_1431 : vector<1x8400xf32>
    %min3A_1433 = arith.minimumf %select_n3A_1406, %get3A_1426 : vector<1x8400xf32>
    %max3A_1434 = arith.maximumf %select_n3A_1386, %get3A_1416 : vector<1x8400xf32>
    %sub3A_1435 = arith.subf %min3A_1433, %max3A_1434 : vector<1x8400xf32>
    %max3A_1436 = arith.constant 0.000000e+00 : f32
    %max3A_1437 = vector.broadcast %max3A_1436 : f32 to vector<1x8400xf32>
    %max3A_1438 = arith.maximumf %sub3A_1435, %max3A_1437 : vector<1x8400xf32>
    %mul3A_1439 = arith.mulf %max3A_1432, %max3A_1438 : vector<1x8400xf32>
    %sub3A_1440 = arith.subf %select_n3A_1396, %select_n3A_1376 : vector<1x8400xf32>
    %max3A_1441 = arith.constant 0.000000e+00 : f32
    %max3A_1442 = vector.broadcast %max3A_1441 : f32 to vector<1x8400xf32>
    %max3A_1443 = arith.maximumf %sub3A_1440, %max3A_1442 : vector<1x8400xf32>
    %sub3A_1444 = arith.subf %select_n3A_1406, %select_n3A_1386 : vector<1x8400xf32>
    %max3A_1445 = arith.constant 0.000000e+00 : f32
    %max3A_1446 = vector.broadcast %max3A_1445 : f32 to vector<1x8400xf32>
    %max3A_1447 = arith.maximumf %sub3A_1444, %max3A_1446 : vector<1x8400xf32>
    %mul3A_1448 = arith.mulf %max3A_1443, %max3A_1447 : vector<1x8400xf32>
    %sub3A_1449 = arith.subf %get3A_1421, %get3A_1411 : vector<1x8400xf32>
    %max3A_1450 = arith.constant 0.000000e+00 : f32
    %max3A_1451 = vector.broadcast %max3A_1450 : f32 to vector<1x8400xf32>
    %max3A_1452 = arith.maximumf %sub3A_1449, %max3A_1451 : vector<1x8400xf32>
    %sub3A_1453 = arith.subf %get3A_1426, %get3A_1416 : vector<1x8400xf32>
    %max3A_1454 = arith.constant 0.000000e+00 : f32
    %max3A_1455 = vector.broadcast %max3A_1454 : f32 to vector<1x8400xf32>
    %max3A_1456 = arith.maximumf %sub3A_1453, %max3A_1455 : vector<1x8400xf32>
    %mul3A_1457 = arith.mulf %max3A_1452, %max3A_1456 : vector<1x8400xf32>
    %add3A_1458 = arith.addf %mul3A_1448, %mul3A_1457 : vector<1x8400xf32>
    %sub3A_1459 = arith.subf %add3A_1458, %mul3A_1439 : vector<1x8400xf32>
    %add3A_1460 = arith.constant 9.99999971E-10 : f32
    %add3A_1461 = vector.broadcast %add3A_1460 : f32 to vector<1x8400xf32>
    %add3A_1462 = arith.addf %sub3A_1459, %add3A_1461 : vector<1x8400xf32>
    %div3A_1463 = arith.divf %mul3A_1439, %add3A_1462 : vector<1x8400xf32>
    %jit3A_1464 = arith.constant 0.000000e+00 : f32
    %broadcast_in_dim3A_1465 = vector.broadcast %jit3A_1464 : f32 to vector<1x8400xf32>
    %select_n3A_1466 = arith.select %gt3A_1352, %div3A_1463, %broadcast_in_dim3A_1465 : vector<1x8400xi1>, vector<1x8400xf32>
    %swap3A = arith.constant 0 : index
    %swap3A_1467 = arith.constant 0 : index
    %swap3A_1468 = arith.constant 0 : index
    %swap3A_1469 = vector.load %arg8[%swap3A, %swap3A_1467, %swap3A_1468] : memref<1x1x8400xf32, #tpu.memory_space<vmem>>, vector<1x1x8400xf32>
    %swap3A_1470 = vector.shape_cast %swap3A_1469 : vector<1x1x8400xf32> to vector<1x8400xf32>
    %swap3A_1471 = vector.shape_cast %select_n3A_1466 : vector<1x8400xf32> to vector<1x1x8400xf32>
    tpu.vector_store %arg8[%swap3A, %swap3A_1467, %swap3A_1468], %swap3A_1471 {strides = array<i32>} : memref<1x1x8400xf32, #tpu.memory_space<vmem>>, vector<1x1x8400xf32>,
    %swap3A_1472 = arith.constant 0 : index
    %swap3A_1473 = arith.constant 0 : index
    %swap3A_1474 = arith.constant 0 : index
    %swap3A_1475 = vector.load %arg6[%swap3A_1472, %swap3A_1473, %swap3A_1474] : memref<1x1x8400xi32, #tpu.memory_space<vmem>>, vector<1x1x8400xi32>
    %swap3A_1476 = vector.shape_cast %swap3A_1475 : vector<1x1x8400xi32> to vector<1x8400xi32>
    %swap3A_1477 = vector.shape_cast %convert_element_type3A_1367 : vector<1x8400xi32> to vector<1x1x8400xi32>
    tpu.vector_store %arg6[%swap3A_1472, %swap3A_1473, %swap3A_1474], %swap3A_1477 {strides = array<i32>} : memref<1x1x8400xi32, #tpu.memory_space<vmem>>, vector<1x1x8400xi32>,
    %convert_element_type3A_1478 = arith.extui %gt3A_1352 : vector<1x8400xi1> to vector<1x8400xi32>
    %swap3A_1479 = arith.constant 0 : index
    %swap3A_1480 = arith.constant 0 : index
    %swap3A_1481 = arith.constant 0 : index
    %swap3A_1482 = vector.load %arg9[%swap3A_1479, %swap3A_1480, %swap3A_1481] : memref<1x1x8400xi32, #tpu.memory_space<vmem>>, vector<1x1x8400xi32>
    %swap3A_1483 = vector.shape_cast %swap3A_1482 : vector<1x1x8400xi32> to vector<1x8400xi32>
    %swap3A_1484 = vector.shape_cast %convert_element_type3A_1478 : vector<1x8400xi32> to vector<1x1x8400xi32>
    tpu.vector_store %arg9[%swap3A_1479, %swap3A_1480, %swap3A_1481], %swap3A_1484 {strides = array<i32>} : memref<1x1x8400xi32, #tpu.memory_space<vmem>>, vector<1x1x8400xi32>,
    %concatenate3A_1485 = tpu.concatenate %select_n3A_1376, %select_n3A_1386, %select_n3A_1396, %select_n3A_1406 in 0 : vector<1x8400xf32>, vector<1x8400xf32>, vector<1x8400xf32>, vector<1x8400xf32> -> vector<4x8400xf32>
    %swap3A_1486 = arith.constant 0 : index
    %swap3A_1487 = arith.constant 0 : index
    %swap3A_1488 = arith.constant 0 : index
    %swap3A_1489 = vector.load %arg7[%swap3A_1486, %swap3A_1487, %swap3A_1488] : memref<1x4x8400xf32, #tpu.memory_space<vmem>>, vector<1x4x8400xf32>
    %swap3A_1490 = vector.shape_cast %swap3A_1489 : vector<1x4x8400xf32> to vector<4x8400xf32>
    %swap3A_1491 = vector.shape_cast %concatenate3A_1485 : vector<4x8400xf32> to vector<1x4x8400xf32>
    tpu.vector_store %arg7[%swap3A_1486, %swap3A_1487, %swap3A_1488], %swap3A_1491 {strides = array<i32>} : memref<1x4x8400xf32, #tpu.memory_space<vmem>>, vector<1x4x8400xf32>,
    return
  }
  func.func @transform_0(%arg0: i32) -> (i32, i32) {
    %c0_i32 = arith.constant 0 : i32
    %c0_i32_0 = arith.constant 0 : i32
    %c0_i32_1 = arith.constant 0 : i32
    return %c0_i32, %c0_i32_0 : i32, i32
  }
  func.func @transform_1(%arg0: i32) -> (i32, i32, i32) {
    %c0_i32 = arith.constant 0 : i32
    %c0_i32_0 = arith.constant 0 : i32
    %c0_i32_1 = arith.constant 0 : i32
    return %arg0, %c0_i32, %c0_i32_0 : i32, i32, i32
  }
  func.func @transform_2(%arg0: i32) -> (i32, i32, i32) {
    %c0_i32 = arith.constant 0 : i32
    %c0_i32_0 = arith.constant 0 : i32
    %c0_i32_1 = arith.constant 0 : i32
    return %arg0, %c0_i32, %c0_i32_0 : i32, i32, i32
  }
  func.func @transform_3(%arg0: i32) -> (i32, i32, i32) {
    %c0_i32 = arith.constant 0 : i32
    %c0_i32_0 = arith.constant 0 : i32
    %c0_i32_1 = arith.constant 0 : i32
    return %arg0, %c0_i32, %c0_i32_0 : i32, i32, i32
  }
  func.func @transform_4(%arg0: i32) -> (i32, i32, i32) {
    %c0_i32 = arith.constant 0 : i32
    %c0_i32_0 = arith.constant 0 : i32
    %c0_i32_1 = arith.constant 0 : i32
    return %arg0, %c0_i32, %c0_i32_0 : i32, i32, i32
  }
  func.func @transform_5(%arg0: i32) -> (i32, i32, i32) {
    %c0_i32 = arith.constant 0 : i32
    %c0_i32_0 = arith.constant 0 : i32
    %c0_i32_1 = arith.constant 0 : i32
    return %arg0, %c0_i32, %c0_i32_0 : i32, i32, i32
  }
  func.func @transform_6(%arg0: i32) -> (i32, i32, i32) {
    %c0_i32 = arith.constant 0 : i32
    %c0_i32_0 = arith.constant 0 : i32
    %c0_i32_1 = arith.constant 0 : i32
    return %arg0, %c0_i32, %c0_i32_0 : i32, i32, i32
  }
  func.func @transform_7(%arg0: i32) -> (i32, i32, i32) {
    %c0_i32 = arith.constant 0 : i32
    %c0_i32_0 = arith.constant 0 : i32
    %c0_i32_1 = arith.constant 0 : i32
    return %arg0, %c0_i32, %c0_i32_0 : i32, i32, i32
  }
  func.func @transform_8(%arg0: i32) -> (i32, i32, i32) {
    %c0_i32 = arith.constant 0 : i32
    %c0_i32_0 = arith.constant 0 : i32
    %c0_i32_1 = arith.constant 0 : i32
    return %arg0, %c0_i32, %c0_i32_0 : i32, i32, i32
  }
}

</mosaic_0001>

<sc_bundles>
// kernel: kernel.4.cloned.1.call-start
scs
__scs_entry_jumppad:
0x0: {  	(pc) =	sbr.rel $0x88, $3  }
0x1: {  	(tag) =	ssettag $0x0;
	lr =	simm.s32 $0x1  }
0x2: {  	[smem:$0x3F9C] =	sst lr;
	_ =	strace $0xD0000000  }
0x3: {  	_ = 	snop  }
0x4: {  	_ = 	snop  }
0x5: {  	_ = 	snop  }
0x6: {  	_ = 	snop  }
0x7: {  	_ = 	snop  }
__scs_overlays_trampoline_lowered:
0x8: {  	[smem:$0x3FAB] =	sst s0  }
0x9: {  	[smem:$0x3FAC] =	sst s1  }
0xa: {  	[smem:$0x3FAD] =	sst s2  }
0xb: {  	[smem:$0x3FAE] =	sst s3  }
0xc: {  	[smem:$0x3FAF] =	sst s4  }
0xd: {  	[smem:$0x3FB0] =	sst s5  }
0xe: {  	[smem:$0x3FB1] =	sst s6  }
0xf: {  	[smem:$0x3FB2] =	sst s7  }
0x10: {  	[smem:$0x3FB3] =	sst s8  }
0x11: {  	[smem:$0x3FB4] =	sst s9;
	s0 =	simm.s32 @!p0 $0x0  }
0x12: {  	s1 =	sld [smem:$0x3F9A];
	s0 =	simm.s32 @p0 $0x1  }
0x13: {  	[smem:$0x3FB5] =	sst s0;
	s0 =	simm.s32 @!p1 $0x0  }
0x14: {  	s2 =	sld [smem:$0x3F99];
	s0 =	simm.s32 @p1 $0x1  }
0x15: {  	[smem:$0x3FB6] =	sst s0;
	s0 =	simm.s32 @!p2 $0x0  }
0x16: {  	s3 =	sld [smem:$0x3FDB];
	s0 =	simm.s32 @p2 $0x1  }
0x17: {  	s4 =	simm.s32 $0x1BF5;
	[smem:$0x3FB8] =	sst s0  }
0x18: {  	s0 =	sld [smem:$0x3F9B];
	_ =	swait.ge [sflag:s4], $0x0  }
0x19: {  	s7 =	sld [smem:$0x3F9C]  }
0x1a: {  	s8 =	sadd.s32 $0xFFFFE003, lr  }
0x1b: {  	s9 =	sadd.s32 $0xFFFFFEF7, lr;
	s5 =	simm.s32 $0xFFFFFFFF;
	p2 =	slt.u32 s8, $0xFFFFF086  }
0x1c: {  	p1 =	slt.u32 s9, $0xF7A;
	s5 =	simm.s32 @!p2 $0x0  }
0x1d: {  	s5 =	simm.s32 @p1 $0x1;
	p0 =	seq.s32 s7, s2  }
0x1e: {  	s7 =	smul.u32 @!p0 $0xF7A, s2;
	p2 =	seq.s32 @!p0 s5, $0x0  }
0x1f: {  	s9 =	smul.u32 $0xF7A, s1;
	s8 =	simm.s32 @!p0 $0x1BF5;
	p2 =	por !p2, p0  }
0x20: {  	[sflag:s8] =	ssyncset.s32 @!p0 $0xFFFFF086;
	s6 =	sadd.s32 @!p0 s3, s7;
	s7 =	simm.s32 @!p0 $0x108  }
0x21: {  	s3 =	sadd.s32 s3, s9;
	s6 =	sadd.s32 @!p0 $0x88, s6;
	s7 =	simm.s32 @p2 $0x1082  }
0x22: {  	[simem:s7], [sflag:s8] =	dma.local @!p0 [hbm:s6], $0xF7A  }
0x23: {  	s9 =	sor.u32 $0xD0000000, s2;
	s6 =	simm.s32 $0x108;
	_ =	swait.ge @!p0 [sflag:s8], $0x0  }
0x24: {  	s3 =	sadd.s32 $0x88, s3;
	s6 =	simm.s32 @!p1 $0x1082;
	[sflag:s4] =	ssyncset.s32 $0xFFFFF086  }
0x25: {  	[simem:s6], [sflag:s4] =	dma.local [hbm:s3], $0xF7A  }
0x26: {  	[smem:$0x3F9C] =	sst s1;
	(tag) =	ssettag s2;
	_ =	strace s9  }
0x27: {  	s1 =	sld [smem:$0x3FAC]  }
0x28: {  	s2 =	sld [smem:$0x3FAD]  }
0x29: {  	s4 =	sld [smem:$0x3FAF]  }
0x2a: {  	p0 =	seq.s32 s5, $0x0;
	s5 =	sld [smem:$0x3FB0]  }
0x2b: {  	s6 =	sld [smem:$0x3FB1]  }
0x2c: {  	s7 =	sld [smem:$0x3FB2]  }
0x2d: {  	s3 =	simm.s32 $0x108;
	s8 =	sld [smem:$0x3FB3]  }
0x2e: {  	s3 =	simm.s32 @!p0 $0x1082;
	s9 =	sld [smem:$0x3FB4]  }
0x2f: {  	lr =	sadd.s32 s0, s3;
	s0 =	sld [smem:$0x3FAB]  }
0x30: {  	s3 =	sld [smem:$0x3FAE]  }
0x31: {  	[smem:$0x3FB7] =	sst s10  }
0x32: {  	s10 =	sld [smem:$0x3FB5];
	_ =	sdelay $0x3  }
0x33: {  	p0 =	seq.s32 s10, $0x1;
	s10 =	sld [smem:$0x3FB7];
	_ =	sdelay $0x3  }
0x34: {  	[smem:$0x3FB7] =	sst s10  }
0x35: {  	s10 =	sld [smem:$0x3FB6];
	_ =	sdelay $0x3  }
0x36: {  	p1 =	seq.s32 s10, $0x1;
	s10 =	sld [smem:$0x3FB7];
	_ =	sdelay $0x3  }
0x37: {  	[smem:$0x3FB7] =	sst s10  }
0x38: {  	s10 =	sld [smem:$0x3FB8]  }
0x39: {  	_ = 	snop;
	(pc) =	sbr.ind lr, $3  }
0x3a: {  	_ = 	snop  }
0x3b: {  	_ = 	snop  }
0x3c: {  	p2 =	seq.s32 s10, $0x1;
	s10 =	sld [smem:$0x3FB7]  }
0x3d: {  	_ =	shalt  }
0x3e: {  	_ =	shalt  }
0x3f: {  	_ =	shalt  }
0x40: {  	_ =	shalt  }
0x41: {  	_ =	shalt  }
0x42: {  	_ =	shalt  }
0x43: {  	_ =	shalt  }
0x44: {  	_ =	shalt  }
0x45: {  	_ =	shalt  }
0x46: {  	_ =	shalt  }
0x47: {  	_ =	shalt  }
0x48: {  	_ =	shalt  }
0x49: {  	_ =	shalt  }
0x4a: {  	_ =	shalt  }
0x4b: {  	_ =	shalt  }
0x4c: {  	_ =	shalt  }
0x4d: {  	_ =	shalt  }
0x4e: {  	_ =	shalt  }
0x4f: {  	_ =	shalt  }
0x50: {  	_ =	shalt  }
0x51: {  	_ =	shalt  }
0x52: {  	_ =	shalt  }
0x53: {  	_ =	shalt  }
0x54: {  	_ =	shalt  }
0x55: {  	_ =	shalt  }
0x56: {  	_ =	shalt  }
0x57: {  	_ =	shalt  }
0x58: {  	_ =	shalt  }
0x59: {  	_ =	shalt  }
0x5a: {  	_ =	shalt  }
0x5b: {  	_ =	shalt  }
0x5c: {  	_ =	shalt  }
0x5d: {  	_ =	shalt  }
0x5e: {  	_ =	shalt  }
0x5f: {  	_ =	shalt  }
0x60: {  	_ =	shalt  }
0x61: {  	_ =	shalt  }
0x62: {  	_ =	shalt  }
0x63: {  	_ =	shalt  }
0x64: {  	_ =	shalt  }
0x65: {  	_ =	shalt  }
0x66: {  	_ =	shalt  }
0x67: {  	_ =	shalt  }
0x68: {  	_ =	shalt  }
0x69: {  	_ =	shalt  }
0x6a: {  	_ =	shalt  }
0x6b: {  	_ =	shalt  }
0x6c: {  	_ =	shalt  }
0x6d: {  	_ =	shalt  }
0x6e: {  	_ =	shalt  }
0x6f: {  	_ =	shalt  }
0x70: {  	_ =	shalt  }
0x71: {  	_ =	shalt  }
0x72: {  	_ =	shalt  }
0x73: {  	_ =	shalt  }
0x74: {  	_ =	shalt  }
0x75: {  	_ =	shalt  }
0x76: {  	_ =	shalt  }
0x77: {  	_ =	shalt  }
0x78: {  	_ =	shalt  }
0x79: {  	_ =	shalt  }
0x7a: {  	_ =	shalt  }
0x7b: {  	_ =	shalt  }
0x7c: {  	_ =	shalt  }
0x7d: {  	_ =	shalt  }
0x7e: {  	_ =	shalt  }
0x7f: {  	_ =	shalt  }
0x80: {  	_ =	shalt  }
0x81: {  	_ =	shalt  }
0x82: {  	_ =	shalt  }
0x83: {  	_ =	shalt  }
0x84: {  	_ =	shalt  }
0x85: {  	_ =	shalt  }
0x86: {  	_ =	shalt  }
0x87: {  	_ =	shalt  }
.Lfunc_end0:
.L_simem_size_0:
called_computation.1_lowered:
.L_overlay_start_0:
0x88: {  	s2 =	sld [smem:$0x3FD9]  }
0x89: {  	s3 =	sld [smem:$0x3FFE];
	_ =	sdelay $0x1  }
0x8a: {  	s1 =	srdreg.scid  }
0x8b: {  	s0 =	sand.u32 $0x1, s1  }
0x8c: {  	s14 =	sshll.u32 s0, $0xA;
	s2 =	sadd.s32 s3, s2  }
0x8d: {  	s2 =	sadd.s32 s2, s14  }
0x8e: {  	[smem:$0x3FC3] =	sst s2  }
0x8f: {  	_ = 	snop  }
0x90: {  	s2 =	sld [smem:$0x3FD0];
	_ =	sdelay $0x2  }
0x91: {  	s15 =	simm.s32 $0xA;
	s4 =	simm.s32 $0x10  }
0x92: {  	[smem:s4], [sflag:s15] =	dma.local [hbm:s2], $0x1  }
0x93: {  	_ =	swait.eq [sflag:s15], $0x1  }
0x94: {  	[sflag:s15] =	ssyncset.done $0x0  }
0x95: {  	[sflag:s15] =	ssyncadd.s32 $0xFFFFFFFF  }
0x96: {  	s16 =	sld [smem:$0x12];
	(tm) =	ssettm $0x1  }
0x97: {  	s17 =	sld [smem:$0x3FFB];
	_ =	sdelay $0x3  }
0x98: {  	_ =	strace s17  }
0x99: {  	s3 =	sld [smem:$0x3FFC];
	_ =	sdelay $0x3  }
0x9a: {  	_ =	strace s3  }
0x9b: {  	s3 =	sld [smem:$0x3FFD];
	_ =	sdelay $0x3  }
0x9c: {  	_ =	strace s3  }
0x9d: {  	_ =	strace $0x8FFFFFFF  }
0x9e: {  	s18 =	sld [smem:$0x3FDB];
	_ =	sdelay $0x1  }
0x9f: {  	s19 =	simm.s32 $_scs_section_size  }
0xa0: {  	s5 =	simm.s32 $_size__tile_overlayer_lowered;
	s6 =	simm.s32 $_tile_overlayer_lowered  }
0xa1: {  	s22 =	simm.s32 $0x1BFF;
	s21 =	sshll.u32 s6, $0x1;
	s3 =	sadd.s32 s19, s18  }
0xa2: {  	s7 =	simm.s32 $0x0;
	s20 =	sshll.u32 s5, $0x1;
	s5 =	sadd.s32 s21, s3  }
0xa3: {  	[timem:s7], [sflag:s22] =	dma.local [hbm:s5], s20  }
0xa4: {  	_ =	swait.ge [sflag:s22], s20  }
0xa5: {  	s4 =	ssub.s32 $0x0, s20;
	[sflag:s22] =	ssyncset.done $0x0  }
0xa6: {  	[sflag:s22] =	ssyncadd.s32 s4;
	_ =	sdelay $0x1  }
0xa7: {  	s23 =	simm.s32 $0x1B8B  }
0xa8: {  	_ =	swait.ge [sflag:s23], $0x1  }
0xa9: {  	[sflag:s23] =	ssyncset.done $0x0  }
0xaa: {  	s25 =	simm.s32 $0x1B8E;
	s24 =	sld [smem:$0x3FFE];
	[sflag:s23] =	ssyncadd.s32 $0xFFFFFFFF  }
0xab: {  	s26 =	simm.s32 $execute0_lowered;
	[smem:$0x3FD2] =	sst s25  }
0xac: {  	s5 =	sshll.u32 s26, $0x1;
	_ =	strace $0x80000046;
	[dreg:$0x1] =	wrdreg $0xFFFFFFFF  }
0xad: {  	s28 =	simm.s32 $_size_execute0_lowered;
	s3 =	sadd.s32 s3, s5;
	[dreg:$0x0] =	wrdreg $0x0  }
0xae: {  	s5 =	sshll.u32 s28, $0x1;
	[dreg:$0x2] =	wrdreg s3  }
0xaf: {  	[dreg:$0x3] =	wrdreg s5  }
0xb0: {  	[dreg:$0x4] =	wrdreg $0xC0  }
0xb1: {  	_ =	task [dreg:s7], $0x5FFFF  }
0xb2: {  	[dreg:$0x1] =	wrdreg $0xFFFFFFFF  }
0xb3: {  	[dreg:$0x0] =	wrdreg $0x60  }
0xb4: {  	[dreg:$0x2] =	wrdreg s24  }
0xb5: {  	[dreg:$0x3] =	wrdreg s16  }
0xb6: {  	[dreg:$0x4] =	wrdreg $0x9  }
0xb7: {  	_ =	task.clear_ibuf [dreg:s7], $0x5FFFF;
	_ =	strace $0x90000046  }
0xb8: {  	s29 =	simm.s32 $0x9;
	_ =	strace $0x80000048  }
0xb9: {  	_ =	swait.ge [sflag:s29], $0x1  }
0xba: {  	[sflag:s29] =	ssyncadd.s32 $0xFFFFFFFF  }
0xbb: {  	_ =	strace $0x90000048  }
0xbc: {  	_ =	sfence  }
0xbd: {  	s30 =	sld [smem:$0x0];
	_ =	sdelay $0x2  }
0xbe: {  	s31 =	sshll.u32 s1, $0xD;
	s1 =	sshrl.u32 s1, $0x2  }
0xbf: {  	s3 =	sand.u32 $0x4000, s31;
	s1 =	sadd.s32 s1, s30  }
0xc0: {  	s0 =	sor.u32 s3, s0;
	s1 =	sshll.u32 s1, $0x11  }
0xc1: {  	s0 =	sor.u32 s1, s0  }
0xc2: {  	s0 =	sadd.s32 $0x8F2B, s0  }
0xc3: {  	[sflag:s0] =	ssyncadd.remote.s32 $0x1  }
0xc4: {  	_ =	sfence.sel $0xFFFF  }
0xc5: {  	[dreg:$0x0] =	wrdreg $0xFFFFFFFF;
	(pc) =	sbr.abs _section_cstart, $3  }
0xc6: {  	[dreg:$0x1] =	wrdreg $0xFFFFFFFF  }
0xc7: {  	_ =	task.clear_ibuf [dreg:s7], $0x2FFFF;
	_ =	strace $0x9FFFFFFF  }
0xc8: {  	(tm) =	ssettm $0x7FFFFFFF  }
0xc9: {  	_ =	shalt  }
tec
execute0_lowered:
.L_overlay_start_1:
0x0: {  	(tag) =	ssettag $0x1  }
0x1: {  	s1 =	stileid.u32  }
0x2: {  	p0 =	seq.s32 s1, $0xF  }
.Ltmp0:
0x3: {  	_ = 	snop;
	(pc) =	sbr.rel @p0 .LBB2_7-.Ltmp0, $4  }
0x4: {  	s4 =	rddreg [dreg:$0x0]  }
0x5: {  	s3 =	rddreg [dreg:$0x1];
	s2 =	simm.s32 $0x0  }
0x6: {  	[smem:$0x7FF] =	sst s2  }
0x7: {  	s0 =	rddreg [dreg:$0x2];
	_ =	strace $0x80000047  }
0x8: {  	s5 =	srdreg.scid;
	s6 =	smul.u32 $0x15E00, s1  }
0x9: {  	s8 =	smul.u32 $0x2300, s1;
	s5 =	sand.u32 $0x1, s5  }
0xa: {  	v2 =	vlaneseq.u32;
	s29 =	sadd.s32 $0x8C00, s4;
	s7 =	ssub.s32 $0x2, s5;
	s10 =	smul.u32 $0x1180, s5  }
0xb: {  	s11 =	sadd.s32 $0x4A00, s4;
	v0 =	vmul.u32 $0x50, v2;
	s5 =	smul.u32 $0xAF00, s5;
	s9 =	sshrl.u32 s7, $0x1  }
0xc: {  	v1 =	vimm.f32 $0.0e+00;
	v2 =	vor.u32 $0x3200, v2;
	s30 =	sadd.s32 s6, s3;
	s7 =	ssub.s32 s7, s9;
	s31 =	sadd.s32 s10, s8  }
0xd: {  	v3 =	vadd.s32 $0x500, v0;
	v4 =	vadd.s32 $0xA00, v0;
	v5 =	vadd.s32 $0xF00, v0;
	s4 =	sadd.s32 s5, s30;
	s8 =	simm.s32 $0x100;
	s9 =	simm.s32 $0x200  }
0xe: {  	v6 =	vadd.s32 $0x1400, v0;
	v7 =	vadd.s32 $0x1900, v0;
	v8 =	vadd.s32 $0x1E00, v0;
	s10 =	simm.s32 $0x0;
	s3 =	smax.u32 s7, $0x1;
	s6 =	sshrl.u32 s31, $0x3  }
0xf: {  	v9 =	vadd.s32 $0x2300, v0;
	v10 =	vor.u32 $0x2800, v0;
	v11 =	vadd.s32 $0x2D00, v0;
	s7 =	simm.s32 $0x1;
	s5 =	sadd.s32 s6, s11;
	s6 =	sadd.s32 s6, s29  }
.LBB2_2:
0x10: {  	s11 =	simm.s32 $0x0;
	s12 =	simm.s32 $0x40;
	s13 =	simm.s32 $0x0  }
.LBB2_3:
0x11: {  	p0 =	sne.s32 s12, $0xC800;
	[tilespmem:s13+$0x200] =	vst v1;
	s13 =	smov.u32 s12;
	s12 =	sadd.s32 $0x40, s12  }
.Ltmp1:
0x12: {  	(pc) =	sbr.rel @p0 .LBB2_3-.Ltmp1, $2  }
0x13: {  	_ =	sdelay $0x2  }
0x14: {  	s13 =	sshra.s32 s13, $0x2  }
0x15: {  	[tilespmem:s13+$0x200] =	vst v1;
	s12 =	smov.u32 s4  }
.LBB2_5:
0x16: {  	s13 =	sadd.s32 s11, s6  }
0x17: {  	[tilespmem:s2], [sflag:$0x1] =	stream.linear.gather [hbm4b:s13+s2], $0xA0, $0x38;
	[tilespmem:$0x3480] =	vst v63  }
0x18: {  	_ =	swait.ge [sflag:s7], $0xA0  }
0x19: {  	[sflag:s7] =	ssyncset.done $0x0  }
0x1a: {  	s31 =	sadd.s32 s11, s5;
	[sflag:s7] =	ssyncadd.s32 $0xFFFFFF60  }
0x1b: {  	[tilespmem:s8], [sflag:$0x1] =	stream.linear.gather [hbm4b:s31+s2], $0xA0, $0x38;
	[tilespmem:$0x3480] =	vst v63  }
0x1c: {  	_ =	swait.ge [sflag:s7], $0xA0  }
0x1d: {  	[sflag:s7] =	ssyncset.done $0x0  }
0x1e: {  	[sflag:s7] =	ssyncadd.s32 $0xFFFFFF60  }
0x1f: {  	v12 =	vld [tilespmem:$0x0];
	_ =	sdelay $0x4  }
0x20: {  	vm0 =	vlt.s32 v12, $0x50;
	v12 =	vadd.s32 v0, v12  }
0x21: {  	v13 =	vld [tilespmem:$0x100];
	v12 =	vsel vm0, v12, v2;
	_ =	sdelay $0x4  }
0x22: {  	[tilespmem:v12+s9+$0x0] =	vst.idx.msk $0xffff, v13  }
0x23: {  	v12 =	vld [tilespmem:$0x10];
	_ =	sdelay $0x4  }
0x24: {  	vm9 =	vlt.s32 v12, $0x50;
	v12 =	vadd.s32 v3, v12  }
0x25: {  	v13 =	vld [tilespmem:$0x110];
	v12 =	vsel vm9, v12, v2;
	_ =	sdelay $0x4  }
0x26: {  	[tilespmem:v12+s9+$0x0] =	vst.idx.msk $0xffff, v13  }
0x27: {  	v12 =	vld [tilespmem:$0x20];
	_ =	sdelay $0x4  }
0x28: {  	vm10 =	vlt.s32 v12, $0x50;
	v12 =	vadd.s32 v4, v12  }
0x29: {  	v13 =	vld [tilespmem:$0x120];
	v12 =	vsel vm10, v12, v2;
	_ =	sdelay $0x4  }
0x2a: {  	[tilespmem:v12+s9+$0x0] =	vst.idx.msk $0xffff, v13  }
0x2b: {  	v12 =	vld [tilespmem:$0x30];
	_ =	sdelay $0x4  }
0x2c: {  	vm11 =	vlt.s32 v12, $0x50;
	v12 =	vadd.s32 v5, v12  }
0x2d: {  	v13 =	vld [tilespmem:$0x130];
	v12 =	vsel vm11, v12, v2;
	_ =	sdelay $0x4  }
0x2e: {  	[tilespmem:v12+s9+$0x0] =	vst.idx.msk $0xffff, v13  }
0x2f: {  	v12 =	vld [tilespmem:$0x40];
	_ =	sdelay $0x4  }
0x30: {  	vm12 =	vlt.s32 v12, $0x50;
	v12 =	vadd.s32 v6, v12  }
0x31: {  	v13 =	vld [tilespmem:$0x140];
	v12 =	vsel vm12, v12, v2;
	_ =	sdelay $0x4  }
0x32: {  	[tilespmem:v12+s9+$0x0] =	vst.idx.msk $0xffff, v13  }
0x33: {  	v12 =	vld [tilespmem:$0x50];
	_ =	sdelay $0x4  }
0x34: {  	vm13 =	vlt.s32 v12, $0x50;
	v12 =	vadd.s32 v7, v12  }
0x35: {  	v13 =	vld [tilespmem:$0x150];
	v12 =	vsel vm13, v12, v2;
	_ =	sdelay $0x4  }
0x36: {  	[tilespmem:v12+s9+$0x0] =	vst.idx.msk $0xffff, v13  }
0x37: {  	v12 =	vld [tilespmem:$0x60];
	_ =	sdelay $0x4  }
0x38: {  	vm14 =	vlt.s32 v12, $0x50;
	v12 =	vadd.s32 v8, v12  }
0x39: {  	v13 =	vld [tilespmem:$0x160];
	v12 =	vsel vm14, v12, v2;
	_ =	sdelay $0x4  }
0x3a: {  	[tilespmem:v12+s9+$0x0] =	vst.idx.msk $0xffff, v13  }
0x3b: {  	v12 =	vld [tilespmem:$0x70];
	_ =	sdelay $0x4  }
0x3c: {  	vm15 =	vlt.s32 v12, $0x50;
	v12 =	vadd.s32 v9, v12  }
0x3d: {  	v13 =	vld [tilespmem:$0x170];
	v12 =	vsel vm15, v12, v2;
	_ =	sdelay $0x4  }
0x3e: {  	[tilespmem:v12+s9+$0x0] =	vst.idx.msk $0xffff, v13  }
0x3f: {  	v12 =	vld [tilespmem:$0x80];
	_ =	sdelay $0x4  }
0x40: {  	vm4 =	vlt.s32 v12, $0x50;
	v12 =	vadd.s32 v10, v12  }
0x41: {  	v13 =	vld [tilespmem:$0x180];
	v12 =	vsel vm4, v12, v2;
	_ =	sdelay $0x4  }
0x42: {  	[tilespmem:v12+s9+$0x0] =	vst.idx.msk $0xffff, v13  }
0x43: {  	v12 =	vld [tilespmem:$0x90];
	_ =	sdelay $0x4  }
0x44: {  	vm5 =	vlt.s32 v12, $0x50;
	v12 =	vadd.s32 v11, v12  }
0x45: {  	v13 =	vld [tilespmem:$0x190];
	v12 =	vsel vm5, v12, v2;
	_ =	sdelay $0x4  }
0x46: {  	[tilespmem:v12+s9+$0x0] =	vst.idx.msk $0xffff, v13  }
0x47: {  	[hbm4b:s12+s2] =	stream.linear.scatter [tilespmem:s9], [sflag:$0x1], $0x3200, $0x38;
	[tilespmem:$0x3480] =	vst v63  }
0x48: {  	_ =	swait.ge [sflag:s7], $0x3200  }
0x49: {  	[sflag:s7] =	ssyncset.done $0x0  }
0x4a: {  	[sflag:s7] =	ssyncadd.s32 $0xFFFFCE00  }
0x4b: {  	v63 =	vld [tilespmem:$0x0];
	_ =	sdelay $0x4  }
0x4c: {  	vm6 =	vlt.s32 v63, $0x50;
	v12 =	vadd.s32 v0, v63  }
0x4d: {  	v12 =	vsel vm6, v12, v2;
	_ =	sdelay $0x4  }
0x4e: {  	[tilespmem:v12+s9+$0x0] =	vst.idx.msk $0xffff, v1  }
0x4f: {  	v12 =	vld [tilespmem:$0x10];
	_ =	sdelay $0x4  }
0x50: {  	vm7 =	vlt.s32 v12, $0x50;
	v12 =	vadd.s32 v3, v12  }
0x51: {  	v12 =	vsel vm7, v12, v2;
	_ =	sdelay $0x4  }
0x52: {  	[tilespmem:v12+s9+$0x0] =	vst.idx.msk $0xffff, v1  }
0x53: {  	v12 =	vld [tilespmem:$0x20];
	_ =	sdelay $0x4  }
0x54: {  	vm8 =	vlt.s32 v12, $0x50;
	v12 =	vadd.s32 v4, v12  }
0x55: {  	v12 =	vsel vm8, v12, v2;
	_ =	sdelay $0x4  }
0x56: {  	[tilespmem:v12+s9+$0x0] =	vst.idx.msk $0xffff, v1  }
0x57: {  	v12 =	vld [tilespmem:$0x30];
	_ =	sdelay $0x4  }
0x58: {  	vm9 =	vlt.s32 v12, $0x50;
	v12 =	vadd.s32 v5, v12  }
0x59: {  	v12 =	vsel vm9, v12, v2;
	_ =	sdelay $0x4  }
0x5a: {  	[tilespmem:v12+s9+$0x0] =	vst.idx.msk $0xffff, v1  }
0x5b: {  	v12 =	vld [tilespmem:$0x40];
	_ =	sdelay $0x4  }
0x5c: {  	vm10 =	vlt.s32 v12, $0x50;
	v12 =	vadd.s32 v6, v12  }
0x5d: {  	v12 =	vsel vm10, v12, v2;
	_ =	sdelay $0x4  }
0x5e: {  	[tilespmem:v12+s9+$0x0] =	vst.idx.msk $0xffff, v1  }
0x5f: {  	v12 =	vld [tilespmem:$0x50];
	_ =	sdelay $0x4  }
0x60: {  	vm11 =	vlt.s32 v12, $0x50;
	v12 =	vadd.s32 v7, v12  }
0x61: {  	v12 =	vsel vm11, v12, v2;
	_ =	sdelay $0x4  }
0x62: {  	[tilespmem:v12+s9+$0x0] =	vst.idx.msk $0xffff, v1  }
0x63: {  	v12 =	vld [tilespmem:$0x60];
	_ =	sdelay $0x4  }
0x64: {  	vm12 =	vlt.s32 v12, $0x50;
	v12 =	vadd.s32 v8, v12  }
0x65: {  	v12 =	vsel vm12, v12, v2;
	_ =	sdelay $0x4  }
0x66: {  	[tilespmem:v12+s9+$0x0] =	vst.idx.msk $0xffff, v1  }
0x67: {  	v12 =	vld [tilespmem:$0x70];
	_ =	sdelay $0x4  }
0x68: {  	vm13 =	vlt.s32 v12, $0x50;
	v12 =	vadd.s32 v9, v12  }
0x69: {  	v12 =	vsel vm13, v12, v2;
	_ =	sdelay $0x4  }
0x6a: {  	[tilespmem:v12+s9+$0x0] =	vst.idx.msk $0xffff, v1  }
0x6b: {  	v12 =	vld [tilespmem:$0x80];
	_ =	sdelay $0x4  }
0x6c: {  	vm14 =	vlt.s32 v12, $0x50;
	v12 =	vadd.s32 v10, v12  }
0x6d: {  	v12 =	vsel vm14, v12, v2;
	_ =	sdelay $0x4  }
0x6e: {  	[tilespmem:v12+s9+$0x0] =	vst.idx.msk $0xffff, v1  }
0x6f: {  	v12 =	vld [tilespmem:$0x90];
	_ =	sdelay $0x4  }
0x70: {  	vm15 =	vlt.s32 v12, $0x50;
	v12 =	vadd.s32 v11, v12  }
0x71: {  	p0 =	sne.s32 s11, $0x21C;
	v12 =	vsel vm15, v12, v2  }
.Ltmp2:
0x72: {  	_ = 	snop;
	(pc) =	sbr.rel @p0 .LBB2_5-.Ltmp2, $2  }
0x73: {  	_ =	sdelay $0x2  }
0x74: {  	s11 =	sadd.s32 $0x14, s11;
	s12 =	sadd.s32 $0x640, s12;
	[tilespmem:v12+s9+$0x0] =	vst.idx.msk $0xffff, v1  }
0x75: {  	s10 =	sadd.s32 $0x1, s10  }
0x76: {  	p0 =	sne.s32 s10, s3  }
.Ltmp3:
0x77: {  	_ = 	snop;
	(pc) =	sbr.rel @p0 .LBB2_2-.Ltmp3, $1  }
0x78: {  	_ =	sdelay $0x3  }
.LBB2_7:
0x79: {  	_ =	sfence.sel $0x180000  }
0x7a: {  	[bflag:$0x0] =	sbarrier.arrive $0xFFFF  }
0x7b: {  	p0 =	sne.s32 s1, $0x0;
	_ =	strace $0x90000047  }
0x7c: {  	s0 =	sadd.s32 @!p0 $0x100000, s0;
	[bflag:$0x2] =	sbarrier.arrive $0xFFFF  }
0x7d: {  	[sflag:s0] =	ssyncadd.tile.s32 @!p0 $0x1;
	_ =	shalt  }
.Lfunc_end2:
_tile_overlayer_lowered:
.L_overlay_start_2:
0x7e: {  	(tag) =	ssettag $0x2  }
0x7f: {  	s0 =	rddreg [dreg:$0x0];
	s2 =	stileid.u32  }
0x80: {  	s1 =	rddreg [dreg:$0x1];
	p0 =	sne.s32 s2, $0x0  }
0x81: {  	s3 =	rddreg [dreg:$0x2];
	[bflag:$0x3] =	sbarrier.arrive $0xFFFF;
	s2 =	simm.s32 @!p0 $0x1C01  }
0x82: {  	[timem:s3], [sflag:s2] =	dma.local @!p0 [hbm:s0], s1  }
0x83: {  	s0 =	simm.s32 @!p0 $0x1  }
0x84: {  	_ =	swait.ge @!p0 [sflag:s0], s1  }
0x85: {  	s1 =	ssub.s32 @!p0 $0x0, s1;
	[sflag:s0] =	ssyncset.done @!p0 $0x0  }
0x86: {  	[sflag:s0] =	ssyncadd.s32 @!p0 s1  }
0x87: {  	[bflag:$0x3] =	sbarrier.arrive $0xFFFF  }
0x88: {  	_ =	shalt  }

// kernel: sparse-core-data-format-call.cloned.1.call-start
scs
called_computation_lowered:
.L_overlay_start_0:
0x0: {  	s2 =	sld [smem:$0x3FD9]  }
0x1: {  	s3 =	sld [smem:$0x3FFE];
	_ =	sdelay $0x1  }
0x2: {  	s1 =	srdreg.scid  }
0x3: {  	s0 =	sand.u32 $0x1, s1  }
0x4: {  	s15 =	sshll.u32 s0, $0xA;
	s2 =	sadd.s32 s3, s2  }
0x5: {  	s2 =	sadd.s32 s2, s15  }
0x6: {  	[smem:$0x3FC3] =	sst s2  }
0x7: {  	_ = 	snop  }
0x8: {  	s2 =	sld [smem:$0x3FD0];
	_ =	sdelay $0x2  }
0x9: {  	s16 =	simm.s32 $0xA;
	s4 =	simm.s32 $0x10  }
0xa: {  	[smem:s4], [sflag:s16] =	dma.local [hbm:s2], $0x1  }
0xb: {  	_ =	swait.eq [sflag:s16], $0x1  }
0xc: {  	[sflag:s16] =	ssyncset.done $0x0  }
0xd: {  	[sflag:s16] =	ssyncadd.s32 $0xFFFFFFFF  }
0xe: {  	s17 =	sld [smem:$0x12];
	(tm) =	ssettm $0x1  }
0xf: {  	s18 =	sld [smem:$0x3FFB];
	_ =	sdelay $0x3  }
0x10: {  	_ =	strace s18  }
0x11: {  	s3 =	sld [smem:$0x3FFC];
	_ =	sdelay $0x3  }
0x12: {  	_ =	strace s3  }
0x13: {  	s3 =	sld [smem:$0x3FFD];
	_ =	sdelay $0x3  }
0x14: {  	_ =	strace s3  }
0x15: {  	_ =	strace $0x8FFFFFFF  }
0x16: {  	s19 =	sld [smem:$0x3FDB];
	_ =	sdelay $0x1  }
0x17: {  	s20 =	simm.s32 $_scs_section_size  }
0x18: {  	s5 =	simm.s32 $_size__tile_overlayer_lowered;
	s6 =	simm.s32 $_tile_overlayer_lowered  }
0x19: {  	s23 =	simm.s32 $0x1BFF;
	s22 =	sshll.u32 s6, $0x1;
	s3 =	sadd.s32 s20, s19  }
0x1a: {  	s7 =	simm.s32 $0x0;
	s21 =	sshll.u32 s5, $0x1;
	s5 =	sadd.s32 s22, s3  }
0x1b: {  	[timem:s7], [sflag:s23] =	dma.local [hbm:s5], s21  }
0x1c: {  	_ =	swait.ge [sflag:s23], s21  }
0x1d: {  	s4 =	ssub.s32 $0x0, s21;
	[sflag:s23] =	ssyncset.done $0x0  }
0x1e: {  	[sflag:s23] =	ssyncadd.s32 s4;
	_ =	sdelay $0x1  }
0x1f: {  	s24 =	simm.s32 $0x1B8B  }
0x20: {  	_ =	swait.ge [sflag:s24], $0x1  }
0x21: {  	[sflag:s24] =	ssyncset.done $0x0  }
0x22: {  	s26 =	simm.s32 $0x1B8E;
	s25 =	sld [smem:$0x3FFE];
	[sflag:s24] =	ssyncadd.s32 $0xFFFFFFFF  }
0x23: {  	s27 =	simm.s32 $execute0_lowered;
	[smem:$0x3FD2] =	sst s26  }
0x24: {  	s5 =	sshll.u32 s27, $0x1;
	_ =	strace $0x80000049;
	[dreg:$0x1] =	wrdreg $0xFFFFFFFF  }
0x25: {  	s28 =	simm.s32 $_size_execute0_lowered;
	s3 =	sadd.s32 s3, s5;
	[dreg:$0x0] =	wrdreg $0x0  }
0x26: {  	s5 =	sshll.u32 s28, $0x1;
	[dreg:$0x2] =	wrdreg s3  }
0x27: {  	[dreg:$0x3] =	wrdreg s5  }
0x28: {  	[dreg:$0x4] =	wrdreg $0xC0  }
0x29: {  	_ =	task [dreg:s7], $0x5FFFF  }
0x2a: {  	[dreg:$0x1] =	wrdreg $0xFFFFFFFF  }
0x2b: {  	[dreg:$0x0] =	wrdreg $0x60  }
0x2c: {  	[dreg:$0x2] =	wrdreg s25  }
0x2d: {  	[dreg:$0x3] =	wrdreg s17  }
0x2e: {  	[dreg:$0x4] =	wrdreg $0x9  }
0x2f: {  	_ =	task.clear_ibuf [dreg:s7], $0x5FFFF;
	_ =	strace $0x90000049  }
0x30: {  	s29 =	simm.s32 $0x9;
	_ =	strace $0x8000004B  }
0x31: {  	_ =	swait.ge [sflag:s29], $0x1  }
0x32: {  	[sflag:s29] =	ssyncadd.s32 $0xFFFFFFFF  }
0x33: {  	_ =	strace $0x9000004B  }
0x34: {  	_ =	sfence  }
0x35: {  	s30 =	sld [smem:$0x0];
	_ =	sdelay $0x2  }
0x36: {  	s31 =	sshll.u32 s1, $0xD;
	s1 =	sshrl.u32 s1, $0x2  }
0x37: {  	s3 =	sand.u32 $0x4000, s31;
	s1 =	sadd.s32 s1, s30  }
0x38: {  	s0 =	sor.u32 s3, s0;
	s1 =	sshll.u32 s1, $0x11  }
0x39: {  	s0 =	sor.u32 s1, s0  }
0x3a: {  	s0 =	sadd.s32 $0x8F2B, s0  }
0x3b: {  	[sflag:s0] =	ssyncadd.remote.s32 $0x1  }
0x3c: {  	_ =	sfence.sel $0xFFFF  }
0x3d: {  	[dreg:$0x0] =	wrdreg $0xFFFFFFFF;
	(pc) =	sbr.abs _section_cstart, $3  }
0x3e: {  	[dreg:$0x1] =	wrdreg $0xFFFFFFFF  }
0x3f: {  	_ =	task.clear_ibuf [dreg:s7], $0x2FFFF;
	_ =	strace $0x9FFFFFFF  }
0x40: {  	(tm) =	ssettm $0x7FFFFFFF  }
0x41: {  	_ =	shalt  }
tec
execute0_lowered:
.L_overlay_start_1:
0x0: {  	(tag) =	ssettag $0x1  }
0x1: {  	s1 =	rddreg [dreg:$0x0];
	_ =	strace $0x8000004A  }
0x2: {  	s5 =	srdreg.scid;
	s4 =	simm.s32 $0x1;
	s6 =	simm.s32 $0x2  }
.Ltmp0:
0x3: {  	s12 =	simm.s32 $0x0;
	s13 =	simm.s32 $0x0;
	(pc) =	sbr.rel .LBB1_1-.Ltmp0, $4  }
0x4: {  	s8 =	simm.s32 $0x0;
	s10 =	simm.s32 $0x0;
	s11 =	stileid.u32  }
0x5: {  	s7 =	simm.s32 $0x0;
	s21 =	simm.s32 $0x0;
	s5 =	sshll.u32 s5, $0x7  }
0x6: {  	s3 =	sadd.s32 $0x4A00, s1;
	[sflag:s4] =	ssyncpa.u1 $0x0;
	s5 =	sand.u32 $0x80, s5  }
0x7: {  	s1 =	stileid.u32;
	[sflag:s6] =	ssyncpa.u1 $0x0;
	s9 =	smov.u32 s5  }
.LBB1_7:
0x8: {  	p0 =	sgt.s32 s8, $0x2080;
	s0 =	smov.u32 s8;
	s2 =	sshll.u32 s8, $0x3  }
0x9: {  	s6 =	sand.u32 $0x7F, s8;
	s0 =	simm.s32 @!p0 $0x2080;
	s2 =	sand.u32 $0xFFFFFC00, s2  }
0xa: {  	s0 =	sadd.s32 s15, s0;
	s6 =	sor.u32 s6, s2;
	s2 =	smulhi.u32 $0x3E0F83E1, s2  }
0xb: {  	s25 =	smul.u32 $0x14A00, s10;
	s15 =	sadd.s32 $0xFFFFDF80, s0;
	s0 =	ssub.s32 $0x2100, s0  }
0xc: {  	s22 =	smulhi.u32 $0x3E0F83E1, s6;
	p0 =	sgt.s32 s15, $0x7F;
	s2 =	sshrl.u32 s2, $0xB  }
0xd: {  	s0 =	simm.s32 @p0 $0x0;
	s24 =	smulhi.u32 $0x3333334, s2  }
0xe: {  	s0 =	smul.u32 s0, s14  }
0xf: {  	s23 =	sshrl.u32 s22, $0xB;
	s15 =	smul.u32 $0x50, s24  }
0x10: {  	s14 =	smul.u32 $0x2100, s23  }
0x11: {  	s26 =	rddreg [dreg:$0x1];
	s29 =	sor.u32 $0x8000, s16;
	s2 =	ssub.s32 s2, s15  }
0x12: {  	s31 =	simm.s32 $0x10800;
	s6 =	ssub.s32 s6, s14;
	s2 =	smul.u32 $0x420, s2  }
0x13: {  	s0 =	smul.u32 $0x50, s0;
	s14 =	sadd.s32 s26, s25;
	s27 =	sand.u32 $0x7, s6  }
0x14: {  	s6 =	sshrl.u32 s6, $0x3;
	s28 =	sshll.u32 s27, $0x12;
	s2 =	sadd.s32 s2, s14  }
0x15: {  	s0 =	sand.u32 $0x3FFFFFF0, s0;
	s30 =	sor.u32 $0x400, s28;
	s2 =	sadd.s32 s6, s2  }
0x16: {  	[hbm4b:s2+s30] =	stream.strided.scatter [tilespmem:s29], [sflag:$0x2], s0, s31, s30, $0x20;
	[tilespmem:$0x10100] =	vst v63  }
.LBB1_8:
0x17: {  	p0 =	slt.u32 s7, $0x2  }
0x18: {  	s2 =	smov.u32 s13;
	s6 =	smov.u32 s12;
	p1 =	sgt.s32 @!p0 s13, $0xF  }
0x19: {  	s0 =	sshra.s32 @!p0 s13, $0x1F;
	p2 =	sgt.s32 @!p0 s12, $0x2080;
	p1 =	por !p1, p0  }
0x1a: {  	s0 =	sand.u32 @!p0 s0, s13;
	p2 =	por !p2, p0;
	s13 =	sshra.s32 @!p0 s12, $0x1F  }
0x1b: {  	s2 =	simm.s32 @p1 $0xF;
	s6 =	simm.s32 @p2 $0x2080;
	s12 =	sand.u32 @!p0 s13, s12  }
0x1c: {  	s0 =	ssub.s32 @!p0 s2, s0;
	s2 =	ssub.s32 @!p0 s6, s12  }
0x1d: {  	s6 =	sadd.s32 @!p0 $0xFFFFFFF1, s0;
	s0 =	ssub.s32 @!p0 $0x10, s0;
	s12 =	sadd.s32 @!p0 $0xFFFFDF80, s2  }
0x1e: {  	p1 =	sgt.s32 @!p0 s6, $0x0;
	s0 =	smul.u32 @!p0 $0x50, s0;
	p2 =	sgt.s32 @!p0 s12, $0x7F  }
0x1f: {  	s2 =	ssub.s32 @!p0 $0x2100, s2;
	p1 =	por !p1, p0;
	p2 =	por !p2, p0  }
0x20: {  	s0 =	simm.s32 @!p1 $0x0;
	s2 =	simm.s32 @!p2 $0x0  }
0x21: {  	s0 =	smul.u32 @!p0 s2, s0;
	s2 =	sadd.s32 $0x100, s9  }
0x22: {  	s14 =	smov.u32 s11;
	s12 =	sadd.s32 $0x10, s11;
	p1 =	sgt.s32 s2, $0x20CF  }
0x23: {  	s14 =	smov.u32 @p1 s12  }
0x24: {  	s7 =	sadd.s32 $0x1, s7;
	s2 =	smov.u32 @p1 s5;
	p1 =	sgt.s32 s14, $0xF  }
0x25: {  	s14 =	smov.u32 @p1 s1;
	p1 =	sne.s32 s7, $0x23  }
.Ltmp1:
0x26: {  	_ = 	snop;
	(pc) =	sbr.rel @!p1 .LBB1_9-.Ltmp1, $4  }
0x27: {  	s13 =	smov.u32 s10;
	s6 =	simm.s32 @!p0 $0x2;
	s0 =	sand.u32 @!p0 $0x3FFFFFF0, s0  }
0x28: {  	s10 =	smov.u32 s11;
	s12 =	smov.u32 s8;
	_ =	swait.ge @!p0 [sflag:s6], s0  }
0x29: {  	s8 =	smov.u32 s9;
	s0 =	ssub.s32 @!p0 $0x0, s0;
	[sflag:s6] =	ssyncset.done @!p0 $0x0  }
0x2a: {  	s9 =	smov.u32 s2;
	[sflag:s6] =	ssyncadd.s32 @!p0 s0;
	s11 =	smov.u32 s14  }
.LBB1_1:
0x2b: {  	p0 =	sgt.u32 s7, $0x20;
	s15 =	smov.u32 s11  }
0x2c: {  	s18 =	smov.u32 s9;
	p1 =	sgt.s32 @!p0 s11, $0xF;
	s14 =	sand.u32 @!p0 $0x1FFFFFF, s9  }
0x2d: {  	s17 =	sshra.s32 @!p0 s11, $0x1F;
	s19 =	sshra.s32 @!p0 s9, $0x1F;
	p1 =	por !p1, p0  }
0x2e: {  	s16 =	smulhi.u32 @!p0 $0x1F35269, s14;
	s15 =	simm.s32 @p1 $0xF;
	p1 =	sgt.s32 @!p0 s9, $0x2050  }
0x2f: {  	s17 =	sand.u32 @!p0 s17, s11;
	s19 =	sand.u32 @!p0 s19, s9;
	p1 =	por !p1, p0  }
0x30: {  	s15 =	ssub.s32 @!p0 s15, s17;
	s16 =	sshrl.u32 @!p0 s16, $0x6;
	s18 =	simm.s32 @p1 $0x2050  }
0x31: {  	s15 =	sadd.s32 @!p0 $0xFFFFFFF1, s15;
	s16 =	smul.u32 @!p0 $0x20D0, s16;
	s17 =	ssub.s32 @!p0 s18, s19  }
0x32: {  	p1 =	sgt.s32 @!p0 s15, $0x0;
	s15 =	sshll.u32 @!p0 s15, $0x7;
	s18 =	sadd.s32 @!p0 $0xFFFFDFB0, s17  }
0x33: {  	s19 =	smul.u32 @!p0 $0x20D00, s11;
	s17 =	ssub.s32 @!p0 $0x20D0, s17;
	p2 =	sgt.s32 @!p0 s18, $0x7F  }
0x34: {  	s15 =	ssub.s32 @!p0 $0x80, s15;
	p1 =	por !p1, p0;
	p2 =	por !p2, p0  }
0x35: {  	s18 =	sxor.u32 @!p0 $0xFFFFFFFF, s7;
	s15 =	simm.s32 @!p1 $0x0;
	s17 =	simm.s32 @!p2 $0x0  }
0x36: {  	s14 =	ssub.s32 @!p0 s14, s16;
	s16 =	sshll.u32 @!p0 s18, $0xE;
	s15 =	smul.u32 @!p0 s17, s15  }
0x37: {  	s14 =	sshll.u32 @!p0 s14, $0x4;
	s16 =	sand.u32 @!p0 $0x4000, s16;
	s17 =	sadd.s32 @!p0 s3, s19  }
0x38: {  	s14 =	sadd.s32 @!p0 s14, s17;
	s17 =	simm.s32 @!p0 $0x0;
	s15 =	sand.u32 @!p0 $0x3FFFFF80, s15  }
0x39: {  	[tilespmem:s16], [sflag:$0x1] =	stream.linear.gather @!p0 [hbm4b:s14+s17], s15, $0x38;
	[tilespmem:$0x10100] =	vst v63  }
0x3a: {  	p0 =	seq.s32 s7, $0x0  }
0x3b: {  	p1 =	seq.s32 @!p0 s7, $0x22  }
0x3c: {  	p0 =	por p0, p1  }
.Ltmp2:
0x3d: {  	_ = 	snop;
	(pc) =	sbr.rel @p0 .LBB1_8-.Ltmp2, $1  }
0x3e: {  	_ =	sdelay $0x3  }
0x3f: {  	p0 =	sgt.s32 s10, $0xF  }
0x40: {  	s14 =	smov.u32 s10;
	s15 =	sshra.s32 s10, $0x1F;
	s16 =	ssub.s32 $0x0, s8  }
0x41: {  	s17 =	sshra.s32 s8, $0x1F;
	s14 =	simm.s32 @!p0 $0xF;
	s15 =	sand.u32 s15, s10  }
0x42: {  	s18 =	smov.u32 s8;
	p0 =	sgt.s32 s8, $0x2050;
	s14 =	ssub.s32 s14, s15  }
0x43: {  	s15 =	sand.u32 s16, s17;
	s18 =	simm.s32 @!p0 $0x2050;
	s30 =	sadd.s32 $0xFFFFFFF1, s14  }
0x44: {  	s17 =	sadd.s32 s15, s18;
	s14 =	ssub.s32 $0x10, s14;
	p0 =	sgt.s32 s30, $0x0  }
0x45: {  	s31 =	sadd.s32 $0xFFFFDFB0, s17;
	s16 =	ssub.s32 $0x20D0, s17;
	s17 =	sadd.s32 $0x1, s10  }
0x46: {  	s18 =	sadd.s32 $0x80, s8;
	s14 =	simm.s32 @p0 $0x0;
	p0 =	slt.s32 s17, $0x10  }
0x47: {  	s17 =	simm.s32 @!p0 $0x10;
	p0 =	slt.s32 s18, $0x20D0  }
0x48: {  	p1 =	sgt.s32 s31, $0x7F;
	s17 =	ssub.s32 s17, s10;
	s18 =	simm.s32 @!p0 $0x20D0  }
0x49: {  	s16 =	simm.s32 @p1 $0x0;
	s18 =	ssub.s32 s18, s8;
	p0 =	slt.s32 s17, $0x1  }
0x4a: {  	s16 =	smul.u32 s16, s14;
	p1 =	slt.s32 @!p0 s18, $0x1  }
0x4b: {  	p1 =	por p0, p1  }
.Ltmp3:
0x4c: {  	s16 =	sshll.u32 s16, $0x7;
	(pc) =	sbr.rel @p1 .LBB1_7-.Ltmp3, $4  }
0x4d: {  	s16 =	sand.u32 $0x3FFFFF80, s16  }
0x4e: {  	_ =	swait.ge [sflag:s4], s16  }
0x4f: {  	s19 =	sand.u32 $0x1, s7;
	s16 =	ssub.s32 $0x0, s16;
	[sflag:s4] =	ssyncset.done $0x0  }
0x50: {  	[sflag:s4] =	ssyncadd.s32 s16;
	s16 =	smul.u32 $0x4080, s19  }
0x51: {  	_ = 	snop  }
0x52: {  	s19 =	sshll.u32 @!p0 s19, $0xE;
	s22 =	simm.s32 $0x0;
	s20 =	sor.u32 @!p0 $0x8000, s16  }
.LBB1_4:
0x53: {  	s23 =	sshll.u32 s22, $0x10  }
0x54: {  	s24 =	smul.u32 $0x10200, s22;
	s23 =	sshra.s32 s23, $0x2  }
0x55: {  	s31 =	simm.s32 $0x0;
	s27 =	simm.s32 $0x10;
	s25 =	sadd.s32 s23, s19  }
0x56: {  	p0 =	sne.s32 s18, $0x1;
	s28 =	simm.s32 $0x20;
	s27 =	sand.u32 $0x78, s27;
	v0 =	vmov s25  }
0x57: {  	s26 =	sand.u32 $0x3F80, s21;
	s28 =	sand.u32 $0x78, s28;
	s27 =	smul.u32 $0x204, s27  }
0x58: {  	s30 =	sshra.s32 s24, $0x2;
	s24 =	simm.s32 $0x1;
	s28 =	smul.u32 $0x204, s28  }
0x59: {  	s23 =	sadd.s32 s30, s20;
	s25 =	sand.u32 $0x78, s31;
	s30 =	simm.s32 $0x30  }
0x5a: {  	s31 =	sand.u32 $0x7F, s21;
	s29 =	sxor.u32 $0x40, s25;
	s25 =	smul.u32 $0x204, s25  }
0x5b: {  	s30 =	sand.u32 $0x78, s30;
	s27 =	sshrl.u32 s27, $0x2;
	s29 =	smul.u32 $0x204, s29;
	v3 =	vld.idx.msk [tilespmem:v0+s26+$0x40 ss:$0x1], $0xffff  }
0x5c: {  	s28 =	sshrl.u32 s28, $0x2;
	s30 =	smul.u32 $0x204, s30;
	s27 =	sadd.s32 s27, s23;
	v4 =	vld.idx.msk [tilespmem:v0+s26+$0x0 ss:$0x1], $0xffff  }
.Ltmp4:
0x5d: {  	s28 =	sadd.s32 s28, s23;
	s29 =	sshrl.u32 s29, $0x2;
	(pc) =	sbr.rel @!p0 .LBB1_6-.Ltmp4, $4  }
0x5e: {  	s25 =	sshrl.u32 s25, $0x2;
	s28 =	sadd.s32 s31, s28;
	s29 =	sadd.s32 s29, s23;
	v1 =	vld.idx.msk [tilespmem:v0+s26+$0x10 ss:$0x1], $0xffff  }
0x5f: {  	s25 =	sadd.s32 s25, s23;
	s30 =	sshrl.u32 s30, $0x2;
	s29 =	sadd.s32 s31, s29  }
0x60: {  	s25 =	sadd.s32 s31, s25;
	v2 =	vld.idx.msk [tilespmem:v0+s26+$0x20 ss:$0x1], $0xffff;
	[tilespmem:s29+$0x0 ss:$0x81] =	vst.msk $0xffff, v3;
	s29 =	sadd.s32 s31, s27;
	s27 =	sadd.s32 s30, s23  }
0x61: {  	v3 =	vld.idx.msk [tilespmem:v0+s26+$0x30 ss:$0x1], $0xffff;
	[tilespmem:s25+$0x0 ss:$0x81] =	vst.msk $0xffff, v4;
	s25 =	simm.s32 $0x1808;
	s26 =	simm.s32 $0x0;
	s27 =	sadd.s32 s31, s27  }
.LBB1_5:
0x62: {  	s30 =	sadd.s32 $0xFFFFE800, s25  }
0x63: {  	s31 =	sadd.s32 $0xFFFFF000, s25;
	[tilespmem:s29+$0x0 ss:$0x81] =	vst.msk $0xffff, v1;
	s29 =	smov.u32 s24;
	s24 =	sadd.s32 $0x1, s24  }
0x64: {  	s26 =	sadd.s32 $0x80, s26;
	s0 =	sadd.s32 $0xFFFFF800, s25;
	s2 =	sshrl.u32 s25, $0x7  }
0x65: {  	s30 =	sshrl.u32 s30, $0x7;
	p0 =	sne.s32 s18, s24;
	[tilespmem:s28+$0x0 ss:$0x81] =	vst.msk $0xffff, v2;
	s28 =	sand.u32 $0x3F80, s26  }
0x66: {  	s0 =	sshrl.u32 s0, $0x7;
	s2 =	sand.u32 $0x78, s2;
	s30 =	sand.u32 $0x78, s30;
	[tilespmem:s27+$0x0 ss:$0x81] =	vst.msk $0xffff, v3  }
0x67: {  	s27 =	sshrl.u32 s31, $0x7;
	s2 =	smul.u32 $0x204, s2;
	v4 =	vld.idx.msk [tilespmem:v0+s28+$0x40 ss:$0x1], $0xffff;
	s31 =	sxor.u32 $0x40, s30  }
0x68: {  	s27 =	sand.u32 $0x78, s27;
	v5 =	vld.idx.msk [tilespmem:v0+s28+$0x0 ss:$0x1], $0xffff;
	s31 =	smul.u32 $0x204, s31  }
0x69: {  	s0 =	sand.u32 $0x78, s0;
	s30 =	smul.u32 $0x204, s30;
	v1 =	vld.idx.msk [tilespmem:v0+s28+$0x10 ss:$0x1], $0xffff  }
0x6a: {  	s27 =	smul.u32 $0x204, s27;
	v2 =	vld.idx.msk [tilespmem:v0+s28+$0x20 ss:$0x1], $0xffff;
	s31 =	sshrl.u32 s31, $0x2  }
0x6b: {  	s6 =	sand.u32 $0x7F, s29;
	s0 =	smul.u32 $0x204, s0;
	v3 =	vld.idx.msk [tilespmem:v0+s28+$0x30 ss:$0x1], $0xffff;
	s28 =	sadd.s32 s31, s23  }
.Ltmp5:
0x6c: {  	s29 =	sshrl.u32 s30, $0x2;
	s28 =	sadd.s32 s6, s28;
	(pc) =	sbr.rel @p0 .LBB1_5-.Ltmp5, $4  }
0x6d: {  	s0 =	sshrl.u32 s0, $0x2;
	s29 =	sadd.s32 s29, s23;
	s27 =	sshrl.u32 s27, $0x2;
	[tilespmem:s28+$0x0 ss:$0x81] =	vst.msk $0xffff, v4  }
0x6e: {  	s2 =	sshrl.u32 s2, $0x2;
	s0 =	sadd.s32 s0, s23;
	s27 =	sadd.s32 s27, s23  }
0x6f: {  	s2 =	sadd.s32 s2, s23;
	s28 =	sadd.s32 s6, s29;
	s29 =	sadd.s32 s6, s27  }
0x70: {  	s25 =	sadd.s32 $0x8, s25;
	s27 =	sadd.s32 s6, s2;
	[tilespmem:s28+$0x0 ss:$0x81] =	vst.msk $0xffff, v5;
	s28 =	sadd.s32 s6, s0  }
.LBB1_6:
0x71: {  	s22 =	sadd.s32 $0x1, s22  }
0x72: {  	p0 =	sne.s32 s22, s17  }
.Ltmp6:
0x73: {  	_ = 	snop;
	(pc) =	sbr.rel @p0 .LBB1_4-.Ltmp6, $4  }
.Ltmp7:
0x74: {  	_ = 	snop;
	(pc) =	sbr.rel @!p0 .LBB1_7-.Ltmp7, $4  }
0x75: {  	[tilespmem:s29+$0x0 ss:$0x81] =	vst.msk $0xffff, v1  }
0x76: {  	[tilespmem:s28+$0x0 ss:$0x81] =	vst.msk $0xffff, v2  }
0x77: {  	[tilespmem:s27+$0x0 ss:$0x81] =	vst.msk $0xffff, v3  }
0x78: {  	_ = 	snop  }
.LBB1_9:
0x79: {  	_ =	sfence.sel $0x180000  }
0x7a: {  	s0 =	simm.s32 $0x1;
	[bflag:$0x0] =	sbarrier.arrive $0xFFFF  }
0x7b: {  	s31 =	simm.s32 $0x2;
	[sflag:s0] =	ssyncpa.u1 $0x1  }
0x7c: {  	[sflag:s31] =	ssyncpa.u1 $0x1  }
0x7d: {  	_ =	strace $0x9000004A  }
0x7e: {  	[bflag:$0x2] =	sbarrier.arrive $0xFFFF  }
0x7f: {  	p0 =	sne.s32 s1, $0x0;
	s0 =	rddreg [dreg:$0x2]  }
0x80: {  	s0 =	sadd.s32 @!p0 $0x100000, s0  }
0x81: {  	[sflag:s0] =	ssyncadd.tile.s32 @!p0 $0x1;
	_ =	shalt  }
.Lfunc_end1:
_tile_overlayer_lowered:
.L_overlay_start_2:
0x82: {  	(tag) =	ssettag $0x2  }
0x83: {  	s0 =	rddreg [dreg:$0x0];
	s2 =	stileid.u32  }
0x84: {  	s1 =	rddreg [dreg:$0x1];
	p0 =	sne.s32 s2, $0x0  }
0x85: {  	s3 =	rddreg [dreg:$0x2];
	[bflag:$0x3] =	sbarrier.arrive $0xFFFF;
	s2 =	simm.s32 @!p0 $0x1C01  }
0x86: {  	[timem:s3], [sflag:s2] =	dma.local @!p0 [hbm:s0], s1  }
0x87: {  	s0 =	simm.s32 @!p0 $0x1  }
0x88: {  	_ =	swait.ge @!p0 [sflag:s0], s1  }
0x89: {  	s1 =	ssub.s32 @!p0 $0x0, s1;
	[sflag:s0] =	ssyncset.done @!p0 $0x0  }
0x8a: {  	[sflag:s0] =	ssyncadd.s32 @!p0 s1  }
0x8b: {  	[bflag:$0x3] =	sbarrier.arrive $0xFFFF  }
0x8c: {  	_ =	shalt  }

</sc_bundles>
